<compile_context>
chip_gen: v7x
topology: tpu7x:2x2x1
jax: 0.10.2.dev20260603
libtpu: 0.0.44.dev20260713+nightly
codegen_flags: <defaults>
</compile_context>

<pallas_src>
import functools

import jax
import jax.numpy as jnp
from jax import lax
from jax.experimental import pallas as pl
from jax.experimental.pallas import tpu as pltpu
from jax.experimental.pallas import tpu_sc as plsc

N = 10000
H = 128
E = 320000
BN_EPS = 1e-5

NC = 2
NS = 16
NW = NC * NS
NP = 10048
CHUNK = 128
EP = 327680
HW = H // 2
ROWS_PER_TILE = NP // NS
CHUNKS_PER_WORKER = EP // CHUNK // NW
L = 16


def _sc_agg(xpk, srcm, dstm, zeros):
    mesh = plsc.VectorSubcoreMesh(core_axis_name="c", subcore_axis_name="s")

    def body(xk, sh, dh, zh, out, aggs, sidx0, didx0, sidx1, didx1,
             gbuf0, gbuf1, fbuf0, fbuf1, sem_g, sem_s, sem_i):
        gbufs = (gbuf0, gbuf1)
        fbufs = (fbuf0, fbuf1)
        c = lax.axis_index("c")
        s = lax.axis_index("s")
        r0 = s * ROWS_PER_TILE
        sidx = (sidx0, sidx1)
        didx = (didx0, didx1)
        pltpu.sync_copy(zh.at[pl.ds(r0, ROWS_PER_TILE)],
                        aggs.at[pl.ds(r0, ROWS_PER_TILE)])
        plsc.subcore_barrier()

        c0 = (s * NC + c) * CHUNKS_PER_WORKER
        T = CHUNKS_PER_WORKER

        def idx_start(j, b):
            pltpu.async_copy(sh.at[c0 + j], sidx[b], sem_i.at[b])
            pltpu.async_copy(dh.at[c0 + j], didx[b], sem_i.at[b])

        def idx_wait(b):
            pltpu.make_async_copy(sh.at[c0], sidx[b], sem_i.at[b]).wait()
            pltpu.make_async_copy(dh.at[c0], didx[b], sem_i.at[b]).wait()

        def gather_start(b):
            pltpu.async_copy(xk.at[sidx[b]], gbufs[b], sem_g.at[b])

        def gather_wait(b):
            pltpu.make_async_copy(xk.at[sidx[b]], gbufs[b],
                                  sem_g.at[b]).wait()

        def scatter_start(b):
            pltpu.async_copy(fbufs[b], aggs.at[didx[b]], sem_s.at[b],
                             add=True)

        def scatter_wait(b):
            pltpu.make_async_copy(fbufs[b], aggs.at[didx[b]],
                                  sem_s.at[b]).wait()

        def widen(b):
            gb = gbufs[b]
            fb = fbufs[b]
            hi_mask = jnp.int32(-65536)

            def row(r, cr):
                for cg in range(HW // L):
                    v = gb[r, pl.ds(cg * L, L)]
                    fb[r, pl.ds(cg * L, L)] = plsc.bitcast(
                        lax.shift_left(v, 16), jnp.float32)
                    fb[r, pl.ds(HW + cg * L, L)] = plsc.bitcast(
                        lax.bitwise_and(v, hi_mask), jnp.float32)
                return cr

            lax.fori_loop(0, CHUNK, row, 0, unroll=4)

        idx_start(0, 0)
        idx_wait(0)
        gather_start(0)
        idx_start(1, 1)

        def group(g, carry):
            gather_wait(0)
            idx_wait(1)
            gather_start(1)
            widen(0)

            @pl.when(g > 0)
            def _():
                scatter_wait(1)

            @pl.when(g + 2 < T)
            def _():
                idx_start(g + 2, 0)
            scatter_start(0)

            gather_wait(1)

            @pl.when(g + 2 < T)
            def _():
                idx_wait(0)
                gather_start(0)
            widen(1)
            scatter_wait(0)

            @pl.when(g + 3 < T)
            def _():
                idx_start(g + 3, 1)
            scatter_start(1)
            return carry

        lax.fori_loop(0, T // 2, lambda i, cr: group(i * 2, cr), 0)
        scatter_wait(1)
        plsc.subcore_barrier()
        pltpu.sync_copy(aggs.at[pl.ds(r0, ROWS_PER_TILE)],
                        out.at[c, pl.ds(r0, ROWS_PER_TILE)])

    kfn = pl.kernel(
        body,
        out_type=jax.ShapeDtypeStruct((NC, NP, H), jnp.float32),
        mesh=mesh,
        compiler_params=pltpu.CompilerParams(use_tc_tiling_on_sc=False,
                                             needs_layout_passes=False),
        scratch_types=[
            pltpu.VMEM_SHARED((NP, H), jnp.float32),
            pltpu.VMEM((CHUNK,), jnp.int32),
            pltpu.VMEM((CHUNK,), jnp.int32),
            pltpu.VMEM((CHUNK,), jnp.int32),
            pltpu.VMEM((CHUNK,), jnp.int32),
            pltpu.VMEM((CHUNK, HW), jnp.int32),
            pltpu.VMEM((CHUNK, HW), jnp.int32),
            pltpu.VMEM((CHUNK, H), jnp.float32),
            pltpu.VMEM((CHUNK, H), jnp.float32),
            pltpu.SemaphoreType.DMA((2,)),
            pltpu.SemaphoreType.DMA((2,)),
            pltpu.SemaphoreType.DMA((2,)),
        ],
    )
    return kfn(xpk, srcm, dstm, zeros)


def _mlp_body(mode, h_ref, a_ref, w1, b1, g, be, w2, b2, prev, o_ref):
    agg = a_ref[0, :N, :] + a_ref[1, :N, :]
    h = h_ref[...] + agg
    y = jnp.dot(h, w1[...], preferred_element_type=jnp.float32) + b1[...]
    mu = jnp.mean(y, axis=0, keepdims=True)
    var = jnp.mean((y - mu) * (y - mu), axis=0, keepdims=True)
    t = (y - mu) * lax.rsqrt(var + BN_EPS) * g[...] + be[...]
    t = jnp.maximum(t, 0.0)
    z = jnp.dot(t, w2[...], preferred_element_type=jnp.float32) + b2[...]
    if mode == 0:
        o_ref[...] = jnp.where(z >= 0, z, 0.01 * z)
    else:
        o_ref[...] = prev[...] + z


def _mlp_tc(mode, hin, agg, W1, b1, g, be, W2, b2, prev):
    return pl.pallas_call(
        functools.partial(_mlp_body, mode),
        out_shape=jax.ShapeDtypeStruct((N, H), jnp.float32),
    )(hin, agg, W1, b1.reshape(1, H), g.reshape(1, H), be.reshape(1, H),
      W2, b2.reshape(1, H), prev)


def _pack(h):
    hp = jnp.concatenate([h, jnp.zeros((NP - N, H), h.dtype)], axis=0)
    hb = hp.astype(jnp.bfloat16)
    pairs = jnp.stack([hb[:, :HW], hb[:, HW:]], axis=-1)
    return lax.bitcast_convert_type(pairs, jnp.int32)


def kernel(x, edge_index, W1a, b1a, g1a, be1a, W2a, b2a,
           W1b, b1b, g1b, be1b, W2b, b2b):
    ei = edge_index.astype(jnp.int32)
    pad = jnp.full((EP - E,), N, jnp.int32)
    srcm = jnp.concatenate([ei[0], pad]).reshape(EP // CHUNK, CHUNK)
    dstm = jnp.concatenate([ei[1], pad]).reshape(EP // CHUNK, CHUNK)
    zeros = jnp.zeros((NP, H), jnp.float32)

    agg1 = _sc_agg(_pack(x), srcm, dstm, zeros)
    h1 = _mlp_tc(0, x, agg1, W1a, b1a, g1a, be1a, W2a, b2a, x)
    agg2 = _sc_agg(_pack(h1), srcm, dstm, zeros)
    out = _mlp_tc(1, h1, agg2, W1b, b1b, g1b, be1b, W2b, b2b, h1)
    return out

# --- scband reference (transcript-rebuilt; emitter-appended) ---
"""Pipeline reference for scband-gin-2894807958001 (READ-ONLY COPY).

The authoritative reference and input builder live on the scoring server;
editing this copy changes nothing except your own understanding.
"""

import jax, jax.numpy as jnp
import numpy as np

N = 10000
E = 320000
H = 128
BN_EPS = 1e-5


def setup_inputs(seed: int = 0) -> dict:
    key = jax.random.key(seed)
    ks = jax.random.split(key, 16)
    s = 1.0 / np.sqrt(H)
    inp = {
        "x": jax.random.normal(ks[0], (N, H), dtype=jnp.float32),
        "edge_index": jax.random.randint(ks[1], (2, E), 0, N, dtype=jnp.int64),
        # conv1 MLP params: Lin(H,H) -> BatchNorm -> ReLU -> Lin(H,H)
        "W1a": jax.random.uniform(ks[2], (H, H), jnp.float32, -s, s),
        "b1a": jax.random.uniform(ks[3], (H,), jnp.float32, -s, s),
        "g1a": jnp.ones((H,), jnp.float32),
        "be1a": jnp.zeros((H,), jnp.float32),
        "W2a": jax.random.uniform(ks[4], (H, H), jnp.float32, -s, s),
        "b2a": jax.random.uniform(ks[5], (H,), jnp.float32, -s, s),
        # conv2 MLP params
        "W1b": jax.random.uniform(ks[6], (H, H), jnp.float32, -s, s),
        "b1b": jax.random.uniform(ks[7], (H,), jnp.float32, -s, s),
        "g1b": jnp.ones((H,), jnp.float32),
        "be1b": jnp.zeros((H,), jnp.float32),
        "W2b": jax.random.uniform(ks[8], (H, H), jnp.float32, -s, s),
        "b2b": jax.random.uniform(ks[9], (H,), jnp.float32, -s, s),
    }
    return inp


def _mlp(h, W1, b1, g, be, W2, b2):
    h = h @ W1 + b1
    mu = jnp.mean(h, axis=0)
    var = jnp.var(h, axis=0)
    h = (h - mu) / jnp.sqrt(var + BN_EPS) * g + be
    h = jax.nn.relu(h)
    return h @ W2 + b2


def _gin_conv(x, edge_index, W1, b1, g, be, W2, b2, eps=0.0):
    src, dst = edge_index[0], edge_index[1]
    agg = jnp.zeros_like(x).at[dst].add(x[src])
    return _mlp((1.0 + eps) * x + agg, W1, b1, g, be, W2, b2)


def reference(x, edge_index, W1a, b1a, g1a, be1a, W2a, b2a, W1b, b1b, g1b, be1b, W2b, b2b):
    h1 = jax.nn.leaky_relu(_gin_conv(x, edge_index, W1a, b1a, g1a, be1a, W2a, b2a), negative_slope=0.01)
    h2 = _gin_conv(h1, edge_index, W1b, b1b, g1b, be1b, W2b, b2b)
    return h1 + h2

if __name__ == "__main__":
    import jax
    _d = setup_inputs()
    print(jax.jit(kernel)(*tuple(_d.values())))

</pallas_src>

<mosaic_0001>
#map = affine_map<(d0, d1) -> (0, 0)>
#map1 = affine_map<(d0, d1) -> (0, 0, 0)>
module attributes {stable_mosaic.version = 14 : i64} {
  func.func @body(%arg0: i32, %arg1: i32, %arg2: memref<10048x64xi32, #tpu.memory_space<hbm>>, %arg3: memref<2560x128xi32, #tpu.memory_space<hbm>>, %arg4: memref<2560x128xi32, #tpu.memory_space<hbm>>, %arg5: memref<10048x128xf32, #tpu.memory_space<hbm>>, %arg6: memref<2x10048x128xf32, #tpu.memory_space<hbm>>, %arg7: memref<10048x128xf32, #tpu.memory_space<vmem_shared>>, %arg8: memref<128xi32, #tpu.memory_space<vmem>>, %arg9: memref<128xi32, #tpu.memory_space<vmem>>, %arg10: memref<128xi32, #tpu.memory_space<vmem>>, %arg11: memref<128xi32, #tpu.memory_space<vmem>>, %arg12: memref<128x64xi32, #tpu.memory_space<vmem>>, %arg13: memref<128x64xi32, #tpu.memory_space<vmem>>, %arg14: memref<128x128xf32, #tpu.memory_space<vmem>>, %arg15: memref<128x128xf32, #tpu.memory_space<vmem>>, %arg16: memref<2x!tpu.dma_semaphore, #tpu.memory_space<semaphore_mem>>, %arg17: memref<2x!tpu.dma_semaphore, #tpu.memory_space<semaphore_mem>>, %arg18: memref<2x!tpu.dma_semaphore, #tpu.memory_space<semaphore_mem>>) attributes {dimension_semantics = [#tpu.dimension_semantics<core_parallel>, #tpu.dimension_semantics<subcore_parallel>], iteration_bounds = array<i64: 2, 16>, scalar_prefetch = 0 : i64, scratch_operands = 12 : i64, tpu.core_type = #tpu.core_type<sc_vector_subcore>, window_params = [{transform_indices = #map}, {transform_indices = #map}, {transform_indices = #map}, {transform_indices = #map}, {transform_indices = #map1}]} {
    %mul3A = arith.constant 628 : i32
    %mul3A_0 = arith.muli %arg1, %mul3A : i32
    "tpu.region"() ({
      %run_scoped3A = tpu.sem_alloc : memref<!tpu.dma_semaphore, #tpu.memory_space<semaphore_mem>>
      %dma_start3A_83 = arith.constant 0 : i32
      %dma_start3A_84 = tpu.memref_slice %arg7[%mul3A_0, %dma_start3A_83] : memref<10048x128xf32, #tpu.memory_space<vmem_shared>> -> memref<628x128xf32, #tpu.memory_space<vmem_shared>>
      %dma_start3A_85 = arith.constant 0 : i32
      %dma_start3A_86 = tpu.memref_slice %arg5[%mul3A_0, %dma_start3A_85] : memref<10048x128xf32, #tpu.memory_space<hbm>> -> memref<628x128xf32, #tpu.memory_space<hbm>>
      tpu.enqueue_dma source(%dma_start3A_86 : memref<628x128xf32, #tpu.memory_space<hbm>>) target(%dma_start3A_84 : memref<628x128xf32, #tpu.memory_space<vmem_shared>>) target_semaphore(%run_scoped3A : memref<!tpu.dma_semaphore, #tpu.memory_space<semaphore_mem>>)
      %dma_wait3A_87 = arith.constant 0 : i32
      %dma_wait3A_88 = tpu.memref_slice %arg7[%mul3A_0, %dma_wait3A_87] : memref<10048x128xf32, #tpu.memory_space<vmem_shared>> -> memref<628x128xf32, #tpu.memory_space<vmem_shared>>
      %dma_wait3A_89 = arith.constant 0 : i32
      %dma_wait3A_90 = tpu.memref_slice %arg5[%mul3A_0, %dma_wait3A_89] : memref<10048x128xf32, #tpu.memory_space<hbm>> -> memref<628x128xf32, #tpu.memory_space<hbm>>
      tpu.wait_dma2 semaphore(%run_scoped3A : memref<!tpu.dma_semaphore, #tpu.memory_space<semaphore_mem>>) src(%dma_wait3A_90 : memref<628x128xf32, #tpu.memory_space<hbm>>) dst(%dma_wait3A_88 : memref<628x128xf32, #tpu.memory_space<vmem_shared>>)
      tpu.yield
    }) : () -> ()
    %barrier3A = arith.constant 0 : index
    tpu.barrier barrier_id(%barrier3A)
    %mul3A_1 = arith.constant 2 : i32
    %mul3A_2 = arith.muli %arg1, %mul3A_1 : i32
    %add3A = arith.addi %mul3A_2, %arg0 : i32
    %mul3A_3 = arith.constant 80 : i32
    %mul3A_4 = arith.muli %add3A, %mul3A_3 : i32
    %add3A_5 = arith.constant 0 : i32
    %add3A_6 = arith.addi %mul3A_4, %add3A_5 : i32
    %dma_start3A = arith.constant 0 : i32
    %dma_start3A_7 = arith.constant 0 : i32
    %dma_start3A_8 = tpu.memref_slice %arg3[%add3A_6, %dma_start3A_7] : memref<2560x128xi32, #tpu.memory_space<hbm>> -> memref<1x128xi32, #tpu.memory_space<hbm>>
    %dma_start3A_9 = tpu.memref_squeeze %dma_start3A_8 : memref<1x128xi32, #tpu.memory_space<hbm>> -> memref<128xi32, #tpu.memory_space<hbm>>
    %dma_start3A_10 = tpu.memref_slice %arg18[%dma_start3A] : memref<2x!tpu.dma_semaphore, #tpu.memory_space<semaphore_mem>> -> memref<1x!tpu.dma_semaphore, #tpu.memory_space<semaphore_mem>>
    %dma_start3A_11 = tpu.memref_squeeze %dma_start3A_10 : memref<1x!tpu.dma_semaphore, #tpu.memory_space<semaphore_mem>> -> memref<!tpu.dma_semaphore, #tpu.memory_space<semaphore_mem>>
    %dma_start3A_12 = arith.constant 0 : i32
    %dma_start3A_13 = tpu.memref_slice %arg3[%add3A_6, %dma_start3A_12] : memref<2560x128xi32, #tpu.memory_space<hbm>> -> memref<1x128xi32, #tpu.memory_space<hbm>>
    %dma_start3A_14 = tpu.memref_squeeze %dma_start3A_13 : memref<1x128xi32, #tpu.memory_space<hbm>> -> memref<128xi32, #tpu.memory_space<hbm>>
    tpu.enqueue_dma source(%dma_start3A_14 : memref<128xi32, #tpu.memory_space<hbm>>) target(%arg8 : memref<128xi32, #tpu.memory_space<vmem>>) target_semaphore(%dma_start3A_11 : memref<!tpu.dma_semaphore, #tpu.memory_space<semaphore_mem>>)
    %add3A_15 = arith.constant 0 : i32
    %add3A_16 = arith.addi %mul3A_4, %add3A_15 : i32
    %dma_start3A_17 = arith.constant 0 : i32
    %dma_start3A_18 = arith.constant 0 : i32
    %dma_start3A_19 = tpu.memref_slice %arg4[%add3A_16, %dma_start3A_18] : memref<2560x128xi32, #tpu.memory_space<hbm>> -> memref<1x128xi32, #tpu.memory_space<hbm>>
    %dma_start3A_20 = tpu.memref_squeeze %dma_start3A_19 : memref<1x128xi32, #tpu.memory_space<hbm>> -> memref<128xi32, #tpu.memory_space<hbm>>
    %dma_start3A_21 = tpu.memref_slice %arg18[%dma_start3A_17] : memref<2x!tpu.dma_semaphore, #tpu.memory_space<semaphore_mem>> -> memref<1x!tpu.dma_semaphore, #tpu.memory_space<semaphore_mem>>
    %dma_start3A_22 = tpu.memref_squeeze %dma_start3A_21 : memref<1x!tpu.dma_semaphore, #tpu.memory_space<semaphore_mem>> -> memref<!tpu.dma_semaphore, #tpu.memory_space<semaphore_mem>>
    %dma_start3A_23 = arith.constant 0 : i32
    %dma_start3A_24 = tpu.memref_slice %arg4[%add3A_16, %dma_start3A_23] : memref<2560x128xi32, #tpu.memory_space<hbm>> -> memref<1x128xi32, #tpu.memory_space<hbm>>
    %dma_start3A_25 = tpu.memref_squeeze %dma_start3A_24 : memref<1x128xi32, #tpu.memory_space<hbm>> -> memref<128xi32, #tpu.memory_space<hbm>>
    tpu.enqueue_dma source(%dma_start3A_25 : memref<128xi32, #tpu.memory_space<hbm>>) target(%arg9 : memref<128xi32, #tpu.memory_space<vmem>>) target_semaphore(%dma_start3A_22 : memref<!tpu.dma_semaphore, #tpu.memory_space<semaphore_mem>>)
    %dma_wait3A = arith.constant 0 : i32
    %dma_wait3A_26 = arith.constant 0 : i32
    %dma_wait3A_27 = tpu.memref_slice %arg3[%mul3A_4, %dma_wait3A_26] : memref<2560x128xi32, #tpu.memory_space<hbm>> -> memref<1x128xi32, #tpu.memory_space<hbm>>
    %dma_wait3A_28 = tpu.memref_squeeze %dma_wait3A_27 : memref<1x128xi32, #tpu.memory_space<hbm>> -> memref<128xi32, #tpu.memory_space<hbm>>
    %dma_wait3A_29 = tpu.memref_slice %arg18[%dma_wait3A] : memref<2x!tpu.dma_semaphore, #tpu.memory_space<semaphore_mem>> -> memref<1x!tpu.dma_semaphore, #tpu.memory_space<semaphore_mem>>
    %dma_wait3A_30 = tpu.memref_squeeze %dma_wait3A_29 : memref<1x!tpu.dma_semaphore, #tpu.memory_space<semaphore_mem>> -> memref<!tpu.dma_semaphore, #tpu.memory_space<semaphore_mem>>
    %dma_wait3A_31 = arith.constant 0 : i32
    %dma_wait3A_32 = tpu.memref_slice %arg3[%mul3A_4, %dma_wait3A_31] : memref<2560x128xi32, #tpu.memory_space<hbm>> -> memref<1x128xi32, #tpu.memory_space<hbm>>
    %dma_wait3A_33 = tpu.memref_squeeze %dma_wait3A_32 : memref<1x128xi32, #tpu.memory_space<hbm>> -> memref<128xi32, #tpu.memory_space<hbm>>
    tpu.wait_dma2 semaphore(%dma_wait3A_30 : memref<!tpu.dma_semaphore, #tpu.memory_space<semaphore_mem>>) src(%dma_wait3A_33 : memref<128xi32, #tpu.memory_space<hbm>>) dst(%arg8 : memref<128xi32, #tpu.memory_space<vmem>>)
    %dma_wait3A_34 = arith.constant 0 : i32
    %dma_wait3A_35 = arith.constant 0 : i32
    %dma_wait3A_36 = tpu.memref_slice %arg4[%mul3A_4, %dma_wait3A_35] : memref<2560x128xi32, #tpu.memory_space<hbm>> -> memref<1x128xi32, #tpu.memory_space<hbm>>
    %dma_wait3A_37 = tpu.memref_squeeze %dma_wait3A_36 : memref<1x128xi32, #tpu.memory_space<hbm>> -> memref<128xi32, #tpu.memory_space<hbm>>
    %dma_wait3A_38 = tpu.memref_slice %arg18[%dma_wait3A_34] : memref<2x!tpu.dma_semaphore, #tpu.memory_space<semaphore_mem>> -> memref<1x!tpu.dma_semaphore, #tpu.memory_space<semaphore_mem>>
    %dma_wait3A_39 = tpu.memref_squeeze %dma_wait3A_38 : memref<1x!tpu.dma_semaphore, #tpu.memory_space<semaphore_mem>> -> memref<!tpu.dma_semaphore, #tpu.memory_space<semaphore_mem>>
    %dma_wait3A_40 = arith.constant 0 : i32
    %dma_wait3A_41 = tpu.memref_slice %arg4[%mul3A_4, %dma_wait3A_40] : memref<2560x128xi32, #tpu.memory_space<hbm>> -> memref<1x128xi32, #tpu.memory_space<hbm>>
    %dma_wait3A_42 = tpu.memref_squeeze %dma_wait3A_41 : memref<1x128xi32, #tpu.memory_space<hbm>> -> memref<128xi32, #tpu.memory_space<hbm>>
    tpu.wait_dma2 semaphore(%dma_wait3A_39 : memref<!tpu.dma_semaphore, #tpu.memory_space<semaphore_mem>>) src(%dma_wait3A_42 : memref<128xi32, #tpu.memory_space<hbm>>) dst(%arg9 : memref<128xi32, #tpu.memory_space<vmem>>)
    %dma_start3A_43 = arith.constant 0 : i32
    %dma_start3A_44 = arith.constant 0 : i32
    %dma_start3A_45 = arith.constant 0 : i32
    %dma_start3A_46 = tpu.memref_slice %arg2[%dma_start3A_44, %dma_start3A_45] : memref<10048x64xi32, #tpu.memory_space<hbm>> -> memref<10048x64xi32, #tpu.memory_space<hbm>>
    %dma_start3A_47 = tpu.memref_slice %arg16[%dma_start3A_43] : memref<2x!tpu.dma_semaphore, #tpu.memory_space<semaphore_mem>> -> memref<1x!tpu.dma_semaphore, #tpu.memory_space<semaphore_mem>>
    %dma_start3A_48 = tpu.memref_squeeze %dma_start3A_47 : memref<1x!tpu.dma_semaphore, #tpu.memory_space<semaphore_mem>> -> memref<!tpu.dma_semaphore, #tpu.memory_space<semaphore_mem>>
    tpu.enqueue_indirect_dma source(%dma_start3A_46 : memref<10048x64xi32, #tpu.memory_space<hbm>>) target(%arg12 : memref<128x64xi32, #tpu.memory_space<vmem>>) offsets(%arg8 : memref<128xi32, #tpu.memory_space<vmem>>) semaphore(%dma_start3A_48 : memref<!tpu.dma_semaphore, #tpu.memory_space<semaphore_mem>>)
    %add3A_49 = arith.constant 1 : i32
    %add3A_50 = arith.addi %mul3A_4, %add3A_49 : i32
    %dma_start3A_51 = arith.constant 1 : i32
    %dma_start3A_52 = arith.constant 0 : i32
    %dma_start3A_53 = tpu.memref_slice %arg3[%add3A_50, %dma_start3A_52] : memref<2560x128xi32, #tpu.memory_space<hbm>> -> memref<1x128xi32, #tpu.memory_space<hbm>>
    %dma_start3A_54 = tpu.memref_squeeze %dma_start3A_53 : memref<1x128xi32, #tpu.memory_space<hbm>> -> memref<128xi32, #tpu.memory_space<hbm>>
    %dma_start3A_55 = tpu.memref_slice %arg18[%dma_start3A_51] : memref<2x!tpu.dma_semaphore, #tpu.memory_space<semaphore_mem>> -> memref<1x!tpu.dma_semaphore, #tpu.memory_space<semaphore_mem>>
    %dma_start3A_56 = tpu.memref_squeeze %dma_start3A_55 : memref<1x!tpu.dma_semaphore, #tpu.memory_space<semaphore_mem>> -> memref<!tpu.dma_semaphore, #tpu.memory_space<semaphore_mem>>
    %dma_start3A_57 = arith.constant 0 : i32
    %dma_start3A_58 = tpu.memref_slice %arg3[%add3A_50, %dma_start3A_57] : memref<2560x128xi32, #tpu.memory_space<hbm>> -> memref<1x128xi32, #tpu.memory_space<hbm>>
    %dma_start3A_59 = tpu.memref_squeeze %dma_start3A_58 : memref<1x128xi32, #tpu.memory_space<hbm>> -> memref<128xi32, #tpu.memory_space<hbm>>
    tpu.enqueue_dma source(%dma_start3A_59 : memref<128xi32, #tpu.memory_space<hbm>>) target(%arg10 : memref<128xi32, #tpu.memory_space<vmem>>) target_semaphore(%dma_start3A_56 : memref<!tpu.dma_semaphore, #tpu.memory_space<semaphore_mem>>)
    %add3A_60 = arith.constant 1 : i32
    %add3A_61 = arith.addi %mul3A_4, %add3A_60 : i32
    %dma_start3A_62 = arith.constant 1 : i32
    %dma_start3A_63 = arith.constant 0 : i32
    %dma_start3A_64 = tpu.memref_slice %arg4[%add3A_61, %dma_start3A_63] : memref<2560x128xi32, #tpu.memory_space<hbm>> -> memref<1x128xi32, #tpu.memory_space<hbm>>
    %dma_start3A_65 = tpu.memref_squeeze %dma_start3A_64 : memref<1x128xi32, #tpu.memory_space<hbm>> -> memref<128xi32, #tpu.memory_space<hbm>>
    %dma_start3A_66 = tpu.memref_slice %arg18[%dma_start3A_62] : memref<2x!tpu.dma_semaphore, #tpu.memory_space<semaphore_mem>> -> memref<1x!tpu.dma_semaphore, #tpu.memory_space<semaphore_mem>>
    %dma_start3A_67 = tpu.memref_squeeze %dma_start3A_66 : memref<1x!tpu.dma_semaphore, #tpu.memory_space<semaphore_mem>> -> memref<!tpu.dma_semaphore, #tpu.memory_space<semaphore_mem>>
    %dma_start3A_68 = arith.constant 0 : i32
    %dma_start3A_69 = tpu.memref_slice %arg4[%add3A_61, %dma_start3A_68] : memref<2560x128xi32, #tpu.memory_space<hbm>> -> memref<1x128xi32, #tpu.memory_space<hbm>>
    %dma_start3A_70 = tpu.memref_squeeze %dma_start3A_69 : memref<1x128xi32, #tpu.memory_space<hbm>> -> memref<128xi32, #tpu.memory_space<hbm>>
    tpu.enqueue_dma source(%dma_start3A_70 : memref<128xi32, #tpu.memory_space<hbm>>) target(%arg11 : memref<128xi32, #tpu.memory_space<vmem>>) target_semaphore(%dma_start3A_67 : memref<!tpu.dma_semaphore, #tpu.memory_space<semaphore_mem>>)
    %scan3A = arith.constant 0 : i32
    %scan3A_71 = arith.constant 0 : i32
    %scan3A_72 = arith.constant 40 : i32
    %scan3A_73 = arith.addi %scan3A_71, %scan3A_72 : i32
    %scan3A_74 = arith.constant 1 : i32
    scf.for %scan3A_83 = %scan3A_71 to %scan3A_73 step %scan3A_74  : i32 {
      %mul3A_84 = arith.constant 2 : i32
      %mul3A_85 = arith.muli %scan3A_83, %mul3A_84 : i32
      %dma_wait3A_86 = arith.constant 0 : i32
      %dma_wait3A_87 = arith.constant 0 : i32
      %dma_wait3A_88 = arith.constant 0 : i32
      %dma_wait3A_89 = tpu.memref_slice %arg2[%dma_wait3A_87, %dma_wait3A_88] : memref<10048x64xi32, #tpu.memory_space<hbm>> -> memref<10048x64xi32, #tpu.memory_space<hbm>>
      %dma_wait3A_90 = tpu.memref_slice %arg16[%dma_wait3A_86] : memref<2x!tpu.dma_semaphore, #tpu.memory_space<semaphore_mem>> -> memref<1x!tpu.dma_semaphore, #tpu.memory_space<semaphore_mem>>
      %dma_wait3A_91 = tpu.memref_squeeze %dma_wait3A_90 : memref<1x!tpu.dma_semaphore, #tpu.memory_space<semaphore_mem>> -> memref<!tpu.dma_semaphore, #tpu.memory_space<semaphore_mem>>
      tpu.wait_indirect_dma semaphore(%dma_wait3A_91 : memref<!tpu.dma_semaphore, #tpu.memory_space<semaphore_mem>>) src(%dma_wait3A_89 : memref<10048x64xi32, #tpu.memory_space<hbm>>) dst(%arg12 : memref<128x64xi32, #tpu.memory_space<vmem>>)
      %dma_wait3A_92 = arith.constant 1 : i32
      %dma_wait3A_93 = arith.constant 0 : i32
      %dma_wait3A_94 = tpu.memref_slice %arg3[%mul3A_4, %dma_wait3A_93] : memref<2560x128xi32, #tpu.memory_space<hbm>> -> memref<1x128xi32, #tpu.memory_space<hbm>>
      %dma_wait3A_95 = tpu.memref_squeeze %dma_wait3A_94 : memref<1x128xi32, #tpu.memory_space<hbm>> -> memref<128xi32, #tpu.memory_space<hbm>>
      %dma_wait3A_96 = tpu.memref_slice %arg18[%dma_wait3A_92] : memref<2x!tpu.dma_semaphore, #tpu.memory_space<semaphore_mem>> -> memref<1x!tpu.dma_semaphore, #tpu.memory_space<semaphore_mem>>
      %dma_wait3A_97 = tpu.memref_squeeze %dma_wait3A_96 : memref<1x!tpu.dma_semaphore, #tpu.memory_space<semaphore_mem>> -> memref<!tpu.dma_semaphore, #tpu.memory_space<semaphore_mem>>
      %dma_wait3A_98 = arith.constant 0 : i32
      %dma_wait3A_99 = tpu.memref_slice %arg3[%mul3A_4, %dma_wait3A_98] : memref<2560x128xi32, #tpu.memory_space<hbm>> -> memref<1x128xi32, #tpu.memory_space<hbm>>
      %dma_wait3A_100 = tpu.memref_squeeze %dma_wait3A_99 : memref<1x128xi32, #tpu.memory_space<hbm>> -> memref<128xi32, #tpu.memory_space<hbm>>
      tpu.wait_dma2 semaphore(%dma_wait3A_97 : memref<!tpu.dma_semaphore, #tpu.memory_space<semaphore_mem>>) src(%dma_wait3A_100 : memref<128xi32, #tpu.memory_space<hbm>>) dst(%arg10 : memref<128xi32, #tpu.memory_space<vmem>>)
      %dma_wait3A_101 = arith.constant 1 : i32
      %dma_wait3A_102 = arith.constant 0 : i32
      %dma_wait3A_103 = tpu.memref_slice %arg4[%mul3A_4, %dma_wait3A_102] : memref<2560x128xi32, #tpu.memory_space<hbm>> -> memref<1x128xi32, #tpu.memory_space<hbm>>
      %dma_wait3A_104 = tpu.memref_squeeze %dma_wait3A_103 : memref<1x128xi32, #tpu.memory_space<hbm>> -> memref<128xi32, #tpu.memory_space<hbm>>
      %dma_wait3A_105 = tpu.memref_slice %arg18[%dma_wait3A_101] : memref<2x!tpu.dma_semaphore, #tpu.memory_space<semaphore_mem>> -> memref<1x!tpu.dma_semaphore, #tpu.memory_space<semaphore_mem>>
      %dma_wait3A_106 = tpu.memref_squeeze %dma_wait3A_105 : memref<1x!tpu.dma_semaphore, #tpu.memory_space<semaphore_mem>> -> memref<!tpu.dma_semaphore, #tpu.memory_space<semaphore_mem>>
      %dma_wait3A_107 = arith.constant 0 : i32
      %dma_wait3A_108 = tpu.memref_slice %arg4[%mul3A_4, %dma_wait3A_107] : memref<2560x128xi32, #tpu.memory_space<hbm>> -> memref<1x128xi32, #tpu.memory_space<hbm>>
      %dma_wait3A_109 = tpu.memref_squeeze %dma_wait3A_108 : memref<1x128xi32, #tpu.memory_space<hbm>> -> memref<128xi32, #tpu.memory_space<hbm>>
      tpu.wait_dma2 semaphore(%dma_wait3A_106 : memref<!tpu.dma_semaphore, #tpu.memory_space<semaphore_mem>>) src(%dma_wait3A_109 : memref<128xi32, #tpu.memory_space<hbm>>) dst(%arg11 : memref<128xi32, #tpu.memory_space<vmem>>)
      %dma_start3A_110 = arith.constant 1 : i32
      %dma_start3A_111 = arith.constant 0 : i32
      %dma_start3A_112 = arith.constant 0 : i32
      %dma_start3A_113 = tpu.memref_slice %arg2[%dma_start3A_111, %dma_start3A_112] : memref<10048x64xi32, #tpu.memory_space<hbm>> -> memref<10048x64xi32, #tpu.memory_space<hbm>>
      %dma_start3A_114 = tpu.memref_slice %arg16[%dma_start3A_110] : memref<2x!tpu.dma_semaphore, #tpu.memory_space<semaphore_mem>> -> memref<1x!tpu.dma_semaphore, #tpu.memory_space<semaphore_mem>>
      %dma_start3A_115 = tpu.memref_squeeze %dma_start3A_114 : memref<1x!tpu.dma_semaphore, #tpu.memory_space<semaphore_mem>> -> memref<!tpu.dma_semaphore, #tpu.memory_space<semaphore_mem>>
      tpu.enqueue_indirect_dma source(%dma_start3A_113 : memref<10048x64xi32, #tpu.memory_space<hbm>>) target(%arg13 : memref<128x64xi32, #tpu.memory_space<vmem>>) offsets(%arg10 : memref<128xi32, #tpu.memory_space<vmem>>) semaphore(%dma_start3A_115 : memref<!tpu.dma_semaphore, #tpu.memory_space<semaphore_mem>>)
      %scan3A_116 = arith.constant 0 : i32
      %scan3A_117 = arith.constant -65536 : i32
      %scan3A_118 = arith.constant 0 : i32
      %scan3A_119 = arith.constant 128 : i32
      %scan3A_120 = arith.addi %scan3A_118, %scan3A_119 : i32
      %scan3A_121 = arith.constant 4 : i32
      scf.for %scan3A_176 = %scan3A_118 to %scan3A_120 step %scan3A_121  : i32 {
        %get3A = arith.index_cast %scan3A_176 : i32 to index
        %get3A_177 = arith.constant 0 : index
        %get3A_178 = tpu.vector_load %arg12[%get3A, %get3A_177] {strides = array<i32>} : memref<128x64xi32, #tpu.memory_space<vmem>>, vector<16xi32>,
        %shift_left3A = arith.constant 16 : i32
        %shift_left3A_179 = vector.broadcast %shift_left3A : i32 to vector<16xi32>
        %shift_left3A_180 = arith.shli %get3A_178, %shift_left3A_179 : vector<16xi32>
        %bitcast3A = vector.bitcast %shift_left3A_180 : vector<16xi32> to vector<16xf32>
        %swap3A = arith.index_cast %scan3A_176 : i32 to index
        %swap3A_181 = arith.constant 0 : index
        %swap3A_182 = tpu.vector_load %arg14[%swap3A, %swap3A_181] {strides = array<i32>} : memref<128x128xf32, #tpu.memory_space<vmem>>, vector<16xf32>,
        tpu.vector_store %arg14[%swap3A, %swap3A_181], %bitcast3A {strides = array<i32>} : memref<128x128xf32, #tpu.memory_space<vmem>>, vector<16xf32>,
        %and3A = vector.broadcast %scan3A_117 : i32 to vector<16xi32>
        %and3A_183 = arith.andi %get3A_178, %and3A : vector<16xi32>
        %bitcast3A_184 = vector.bitcast %and3A_183 : vector<16xi32> to vector<16xf32>
        %swap3A_185 = arith.index_cast %scan3A_176 : i32 to index
        %swap3A_186 = arith.constant 64 : index
        %swap3A_187 = tpu.vector_load %arg14[%swap3A_185, %swap3A_186] {strides = array<i32>} : memref<128x128xf32, #tpu.memory_space<vmem>>, vector<16xf32>,
        tpu.vector_store %arg14[%swap3A_185, %swap3A_186], %bitcast3A_184 {strides = array<i32>} : memref<128x128xf32, #tpu.memory_space<vmem>>, vector<16xf32>,
        %get3A_188 = arith.index_cast %scan3A_176 : i32 to index
        %get3A_189 = arith.constant 16 : index
        %get3A_190 = tpu.vector_load %arg12[%get3A_188, %get3A_189] {strides = array<i32>} : memref<128x64xi32, #tpu.memory_space<vmem>>, vector<16xi32>,
        %shift_left3A_191 = arith.constant 16 : i32
        %shift_left3A_192 = vector.broadcast %shift_left3A_191 : i32 to vector<16xi32>
        %shift_left3A_193 = arith.shli %get3A_190, %shift_left3A_192 : vector<16xi32>
        %bitcast3A_194 = vector.bitcast %shift_left3A_193 : vector<16xi32> to vector<16xf32>
        %swap3A_195 = arith.index_cast %scan3A_176 : i32 to index
        %swap3A_196 = arith.constant 16 : index
        %swap3A_197 = tpu.vector_load %arg14[%swap3A_195, %swap3A_196] {strides = array<i32>} : memref<128x128xf32, #tpu.memory_space<vmem>>, vector<16xf32>,
        tpu.vector_store %arg14[%swap3A_195, %swap3A_196], %bitcast3A_194 {strides = array<i32>} : memref<128x128xf32, #tpu.memory_space<vmem>>, vector<16xf32>,
        %and3A_198 = vector.broadcast %scan3A_117 : i32 to vector<16xi32>
        %and3A_199 = arith.andi %get3A_190, %and3A_198 : vector<16xi32>
        %bitcast3A_200 = vector.bitcast %and3A_199 : vector<16xi32> to vector<16xf32>
        %swap3A_201 = arith.index_cast %scan3A_176 : i32 to index
        %swap3A_202 = arith.constant 80 : index
        %swap3A_203 = tpu.vector_load %arg14[%swap3A_201, %swap3A_202] {strides = array<i32>} : memref<128x128xf32, #tpu.memory_space<vmem>>, vector<16xf32>,
        tpu.vector_store %arg14[%swap3A_201, %swap3A_202], %bitcast3A_200 {strides = array<i32>} : memref<128x128xf32, #tpu.memory_space<vmem>>, vector<16xf32>,
        %get3A_204 = arith.index_cast %scan3A_176 : i32 to index
        %get3A_205 = arith.constant 32 : index
        %get3A_206 = tpu.vector_load %arg12[%get3A_204, %get3A_205] {strides = array<i32>} : memref<128x64xi32, #tpu.memory_space<vmem>>, vector<16xi32>,
        %shift_left3A_207 = arith.constant 16 : i32
        %shift_left3A_208 = vector.broadcast %shift_left3A_207 : i32 to vector<16xi32>
        %shift_left3A_209 = arith.shli %get3A_206, %shift_left3A_208 : vector<16xi32>
        %bitcast3A_210 = vector.bitcast %shift_left3A_209 : vector<16xi32> to vector<16xf32>
        %swap3A_211 = arith.index_cast %scan3A_176 : i32 to index
        %swap3A_212 = arith.constant 32 : index
        %swap3A_213 = tpu.vector_load %arg14[%swap3A_211, %swap3A_212] {strides = array<i32>} : memref<128x128xf32, #tpu.memory_space<vmem>>, vector<16xf32>,
        tpu.vector_store %arg14[%swap3A_211, %swap3A_212], %bitcast3A_210 {strides = array<i32>} : memref<128x128xf32, #tpu.memory_space<vmem>>, vector<16xf32>,
        %and3A_214 = vector.broadcast %scan3A_117 : i32 to vector<16xi32>
        %and3A_215 = arith.andi %get3A_206, %and3A_214 : vector<16xi32>
        %bitcast3A_216 = vector.bitcast %and3A_215 : vector<16xi32> to vector<16xf32>
        %swap3A_217 = arith.index_cast %scan3A_176 : i32 to index
        %swap3A_218 = arith.constant 96 : index
        %swap3A_219 = tpu.vector_load %arg14[%swap3A_217, %swap3A_218] {strides = array<i32>} : memref<128x128xf32, #tpu.memory_space<vmem>>, vector<16xf32>,
        tpu.vector_store %arg14[%swap3A_217, %swap3A_218], %bitcast3A_216 {strides = array<i32>} : memref<128x128xf32, #tpu.memory_space<vmem>>, vector<16xf32>,
        %get3A_220 = arith.index_cast %scan3A_176 : i32 to index
        %get3A_221 = arith.constant 48 : index
        %get3A_222 = tpu.vector_load %arg12[%get3A_220, %get3A_221] {strides = array<i32>} : memref<128x64xi32, #tpu.memory_space<vmem>>, vector<16xi32>,
        %shift_left3A_223 = arith.constant 16 : i32
        %shift_left3A_224 = vector.broadcast %shift_left3A_223 : i32 to vector<16xi32>
        %shift_left3A_225 = arith.shli %get3A_222, %shift_left3A_224 : vector<16xi32>
        %bitcast3A_226 = vector.bitcast %shift_left3A_225 : vector<16xi32> to vector<16xf32>
        %swap3A_227 = arith.index_cast %scan3A_176 : i32 to index
        %swap3A_228 = arith.constant 48 : index
        %swap3A_229 = tpu.vector_load %arg14[%swap3A_227, %swap3A_228] {strides = array<i32>} : memref<128x128xf32, #tpu.memory_space<vmem>>, vector<16xf32>,
        tpu.vector_store %arg14[%swap3A_227, %swap3A_228], %bitcast3A_226 {strides = array<i32>} : memref<128x128xf32, #tpu.memory_space<vmem>>, vector<16xf32>,
        %and3A_230 = vector.broadcast %scan3A_117 : i32 to vector<16xi32>
        %and3A_231 = arith.andi %get3A_222, %and3A_230 : vector<16xi32>
        %bitcast3A_232 = vector.bitcast %and3A_231 : vector<16xi32> to vector<16xf32>
        %swap3A_233 = arith.index_cast %scan3A_176 : i32 to index
        %swap3A_234 = arith.constant 112 : index
        %swap3A_235 = tpu.vector_load %arg14[%swap3A_233, %swap3A_234] {strides = array<i32>} : memref<128x128xf32, #tpu.memory_space<vmem>>, vector<16xf32>,
        tpu.vector_store %arg14[%swap3A_233, %swap3A_234], %bitcast3A_232 {strides = array<i32>} : memref<128x128xf32, #tpu.memory_space<vmem>>, vector<16xf32>,
        %scan3A_236 = arith.constant 1 : i32
        %scan3A_237 = arith.addi %scan3A_176, %scan3A_236 : i32
        %get3A_238 = arith.index_cast %scan3A_237 : i32 to index
        %get3A_239 = arith.constant 0 : index
        %get3A_240 = tpu.vector_load %arg12[%get3A_238, %get3A_239] {strides = array<i32>} : memref<128x64xi32, #tpu.memory_space<vmem>>, vector<16xi32>,
        %shift_left3A_241 = arith.constant 16 : i32
        %shift_left3A_242 = vector.broadcast %shift_left3A_241 : i32 to vector<16xi32>
        %shift_left3A_243 = arith.shli %get3A_240, %shift_left3A_242 : vector<16xi32>
        %bitcast3A_244 = vector.bitcast %shift_left3A_243 : vector<16xi32> to vector<16xf32>
        %swap3A_245 = arith.index_cast %scan3A_237 : i32 to index
        %swap3A_246 = arith.constant 0 : index
        %swap3A_247 = tpu.vector_load %arg14[%swap3A_245, %swap3A_246] {strides = array<i32>} : memref<128x128xf32, #tpu.memory_space<vmem>>, vector<16xf32>,
        tpu.vector_store %arg14[%swap3A_245, %swap3A_246], %bitcast3A_244 {strides = array<i32>} : memref<128x128xf32, #tpu.memory_space<vmem>>, vector<16xf32>,
        %and3A_248 = vector.broadcast %scan3A_117 : i32 to vector<16xi32>
        %and3A_249 = arith.andi %get3A_240, %and3A_248 : vector<16xi32>
        %bitcast3A_250 = vector.bitcast %and3A_249 : vector<16xi32> to vector<16xf32>
        %swap3A_251 = arith.index_cast %scan3A_237 : i32 to index
        %swap3A_252 = arith.constant 64 : index
        %swap3A_253 = tpu.vector_load %arg14[%swap3A_251, %swap3A_252] {strides = array<i32>} : memref<128x128xf32, #tpu.memory_space<vmem>>, vector<16xf32>,
        tpu.vector_store %arg14[%swap3A_251, %swap3A_252], %bitcast3A_250 {strides = array<i32>} : memref<128x128xf32, #tpu.memory_space<vmem>>, vector<16xf32>,
        %get3A_254 = arith.index_cast %scan3A_237 : i32 to index
        %get3A_255 = arith.constant 16 : index
        %get3A_256 = tpu.vector_load %arg12[%get3A_254, %get3A_255] {strides = array<i32>} : memref<128x64xi32, #tpu.memory_space<vmem>>, vector<16xi32>,
        %shift_left3A_257 = arith.constant 16 : i32
        %shift_left3A_258 = vector.broadcast %shift_left3A_257 : i32 to vector<16xi32>
        %shift_left3A_259 = arith.shli %get3A_256, %shift_left3A_258 : vector<16xi32>
        %bitcast3A_260 = vector.bitcast %shift_left3A_259 : vector<16xi32> to vector<16xf32>
        %swap3A_261 = arith.index_cast %scan3A_237 : i32 to index
        %swap3A_262 = arith.constant 16 : index
        %swap3A_263 = tpu.vector_load %arg14[%swap3A_261, %swap3A_262] {strides = array<i32>} : memref<128x128xf32, #tpu.memory_space<vmem>>, vector<16xf32>,
        tpu.vector_store %arg14[%swap3A_261, %swap3A_262], %bitcast3A_260 {strides = array<i32>} : memref<128x128xf32, #tpu.memory_space<vmem>>, vector<16xf32>,
        %and3A_264 = vector.broadcast %scan3A_117 : i32 to vector<16xi32>
        %and3A_265 = arith.andi %get3A_256, %and3A_264 : vector<16xi32>
        %bitcast3A_266 = vector.bitcast %and3A_265 : vector<16xi32> to vector<16xf32>
        %swap3A_267 = arith.index_cast %scan3A_237 : i32 to index
        %swap3A_268 = arith.constant 80 : index
        %swap3A_269 = tpu.vector_load %arg14[%swap3A_267, %swap3A_268] {strides = array<i32>} : memref<128x128xf32, #tpu.memory_space<vmem>>, vector<16xf32>,
        tpu.vector_store %arg14[%swap3A_267, %swap3A_268], %bitcast3A_266 {strides = array<i32>} : memref<128x128xf32, #tpu.memory_space<vmem>>, vector<16xf32>,
        %get3A_270 = arith.index_cast %scan3A_237 : i32 to index
        %get3A_271 = arith.constant 32 : index
        %get3A_272 = tpu.vector_load %arg12[%get3A_270, %get3A_271] {strides = array<i32>} : memref<128x64xi32, #tpu.memory_space<vmem>>, vector<16xi32>,
        %shift_left3A_273 = arith.constant 16 : i32
        %shift_left3A_274 = vector.broadcast %shift_left3A_273 : i32 to vector<16xi32>
        %shift_left3A_275 = arith.shli %get3A_272, %shift_left3A_274 : vector<16xi32>
        %bitcast3A_276 = vector.bitcast %shift_left3A_275 : vector<16xi32> to vector<16xf32>
        %swap3A_277 = arith.index_cast %scan3A_237 : i32 to index
        %swap3A_278 = arith.constant 32 : index
        %swap3A_279 = tpu.vector_load %arg14[%swap3A_277, %swap3A_278] {strides = array<i32>} : memref<128x128xf32, #tpu.memory_space<vmem>>, vector<16xf32>,
        tpu.vector_store %arg14[%swap3A_277, %swap3A_278], %bitcast3A_276 {strides = array<i32>} : memref<128x128xf32, #tpu.memory_space<vmem>>, vector<16xf32>,
        %and3A_280 = vector.broadcast %scan3A_117 : i32 to vector<16xi32>
        %and3A_281 = arith.andi %get3A_272, %and3A_280 : vector<16xi32>
        %bitcast3A_282 = vector.bitcast %and3A_281 : vector<16xi32> to vector<16xf32>
        %swap3A_283 = arith.index_cast %scan3A_237 : i32 to index
        %swap3A_284 = arith.constant 96 : index
        %swap3A_285 = tpu.vector_load %arg14[%swap3A_283, %swap3A_284] {strides = array<i32>} : memref<128x128xf32, #tpu.memory_space<vmem>>, vector<16xf32>,
        tpu.vector_store %arg14[%swap3A_283, %swap3A_284], %bitcast3A_282 {strides = array<i32>} : memref<128x128xf32, #tpu.memory_space<vmem>>, vector<16xf32>,
        %get3A_286 = arith.index_cast %scan3A_237 : i32 to index
        %get3A_287 = arith.constant 48 : index
        %get3A_288 = tpu.vector_load %arg12[%get3A_286, %get3A_287] {strides = array<i32>} : memref<128x64xi32, #tpu.memory_space<vmem>>, vector<16xi32>,
        %shift_left3A_289 = arith.constant 16 : i32
        %shift_left3A_290 = vector.broadcast %shift_left3A_289 : i32 to vector<16xi32>
        %shift_left3A_291 = arith.shli %get3A_288, %shift_left3A_290 : vector<16xi32>
        %bitcast3A_292 = vector.bitcast %shift_left3A_291 : vector<16xi32> to vector<16xf32>
        %swap3A_293 = arith.index_cast %scan3A_237 : i32 to index
        %swap3A_294 = arith.constant 48 : index
        %swap3A_295 = tpu.vector_load %arg14[%swap3A_293, %swap3A_294] {strides = array<i32>} : memref<128x128xf32, #tpu.memory_space<vmem>>, vector<16xf32>,
        tpu.vector_store %arg14[%swap3A_293, %swap3A_294], %bitcast3A_292 {strides = array<i32>} : memref<128x128xf32, #tpu.memory_space<vmem>>, vector<16xf32>,
        %and3A_296 = vector.broadcast %scan3A_117 : i32 to vector<16xi32>
        %and3A_297 = arith.andi %get3A_288, %and3A_296 : vector<16xi32>
        %bitcast3A_298 = vector.bitcast %and3A_297 : vector<16xi32> to vector<16xf32>
        %swap3A_299 = arith.index_cast %scan3A_237 : i32 to index
        %swap3A_300 = arith.constant 112 : index
        %swap3A_301 = tpu.vector_load %arg14[%swap3A_299, %swap3A_300] {strides = array<i32>} : memref<128x128xf32, #tpu.memory_space<vmem>>, vector<16xf32>,
        tpu.vector_store %arg14[%swap3A_299, %swap3A_300], %bitcast3A_298 {strides = array<i32>} : memref<128x128xf32, #tpu.memory_space<vmem>>, vector<16xf32>,
        %scan3A_302 = arith.constant 2 : i32
        %scan3A_303 = arith.addi %scan3A_176, %scan3A_302 : i32
        %get3A_304 = arith.index_cast %scan3A_303 : i32 to index
        %get3A_305 = arith.constant 0 : index
        %get3A_306 = tpu.vector_load %arg12[%get3A_304, %get3A_305] {strides = array<i32>} : memref<128x64xi32, #tpu.memory_space<vmem>>, vector<16xi32>,
        %shift_left3A_307 = arith.constant 16 : i32
        %shift_left3A_308 = vector.broadcast %shift_left3A_307 : i32 to vector<16xi32>
        %shift_left3A_309 = arith.shli %get3A_306, %shift_left3A_308 : vector<16xi32>
        %bitcast3A_310 = vector.bitcast %shift_left3A_309 : vector<16xi32> to vector<16xf32>
        %swap3A_311 = arith.index_cast %scan3A_303 : i32 to index
        %swap3A_312 = arith.constant 0 : index
        %swap3A_313 = tpu.vector_load %arg14[%swap3A_311, %swap3A_312] {strides = array<i32>} : memref<128x128xf32, #tpu.memory_space<vmem>>, vector<16xf32>,
        tpu.vector_store %arg14[%swap3A_311, %swap3A_312], %bitcast3A_310 {strides = array<i32>} : memref<128x128xf32, #tpu.memory_space<vmem>>, vector<16xf32>,
        %and3A_314 = vector.broadcast %scan3A_117 : i32 to vector<16xi32>
        %and3A_315 = arith.andi %get3A_306, %and3A_314 : vector<16xi32>
        %bitcast3A_316 = vector.bitcast %and3A_315 : vector<16xi32> to vector<16xf32>
        %swap3A_317 = arith.index_cast %scan3A_303 : i32 to index
        %swap3A_318 = arith.constant 64 : index
        %swap3A_319 = tpu.vector_load %arg14[%swap3A_317, %swap3A_318] {strides = array<i32>} : memref<128x128xf32, #tpu.memory_space<vmem>>, vector<16xf32>,
        tpu.vector_store %arg14[%swap3A_317, %swap3A_318], %bitcast3A_316 {strides = array<i32>} : memref<128x128xf32, #tpu.memory_space<vmem>>, vector<16xf32>,
        %get3A_320 = arith.index_cast %scan3A_303 : i32 to index
        %get3A_321 = arith.constant 16 : index
        %get3A_322 = tpu.vector_load %arg12[%get3A_320, %get3A_321] {strides = array<i32>} : memref<128x64xi32, #tpu.memory_space<vmem>>, vector<16xi32>,
        %shift_left3A_323 = arith.constant 16 : i32
        %shift_left3A_324 = vector.broadcast %shift_left3A_323 : i32 to vector<16xi32>
        %shift_left3A_325 = arith.shli %get3A_322, %shift_left3A_324 : vector<16xi32>
        %bitcast3A_326 = vector.bitcast %shift_left3A_325 : vector<16xi32> to vector<16xf32>
        %swap3A_327 = arith.index_cast %scan3A_303 : i32 to index
        %swap3A_328 = arith.constant 16 : index
        %swap3A_329 = tpu.vector_load %arg14[%swap3A_327, %swap3A_328] {strides = array<i32>} : memref<128x128xf32, #tpu.memory_space<vmem>>, vector<16xf32>,
        tpu.vector_store %arg14[%swap3A_327, %swap3A_328], %bitcast3A_326 {strides = array<i32>} : memref<128x128xf32, #tpu.memory_space<vmem>>, vector<16xf32>,
        %and3A_330 = vector.broadcast %scan3A_117 : i32 to vector<16xi32>
        %and3A_331 = arith.andi %get3A_322, %and3A_330 : vector<16xi32>
        %bitcast3A_332 = vector.bitcast %and3A_331 : vector<16xi32> to vector<16xf32>
        %swap3A_333 = arith.index_cast %scan3A_303 : i32 to index
        %swap3A_334 = arith.constant 80 : index
        %swap3A_335 = tpu.vector_load %arg14[%swap3A_333, %swap3A_334] {strides = array<i32>} : memref<128x128xf32, #tpu.memory_space<vmem>>, vector<16xf32>,
        tpu.vector_store %arg14[%swap3A_333, %swap3A_334], %bitcast3A_332 {strides = array<i32>} : memref<128x128xf32, #tpu.memory_space<vmem>>, vector<16xf32>,
        %get3A_336 = arith.index_cast %scan3A_303 : i32 to index
        %get3A_337 = arith.constant 32 : index
        %get3A_338 = tpu.vector_load %arg12[%get3A_336, %get3A_337] {strides = array<i32>} : memref<128x64xi32, #tpu.memory_space<vmem>>, vector<16xi32>,
        %shift_left3A_339 = arith.constant 16 : i32
        %shift_left3A_340 = vector.broadcast %shift_left3A_339 : i32 to vector<16xi32>
        %shift_left3A_341 = arith.shli %get3A_338, %shift_left3A_340 : vector<16xi32>
        %bitcast3A_342 = vector.bitcast %shift_left3A_341 : vector<16xi32> to vector<16xf32>
        %swap3A_343 = arith.index_cast %scan3A_303 : i32 to index
        %swap3A_344 = arith.constant 32 : index
        %swap3A_345 = tpu.vector_load %arg14[%swap3A_343, %swap3A_344] {strides = array<i32>} : memref<128x128xf32, #tpu.memory_space<vmem>>, vector<16xf32>,
        tpu.vector_store %arg14[%swap3A_343, %swap3A_344], %bitcast3A_342 {strides = array<i32>} : memref<128x128xf32, #tpu.memory_space<vmem>>, vector<16xf32>,
        %and3A_346 = vector.broadcast %scan3A_117 : i32 to vector<16xi32>
        %and3A_347 = arith.andi %get3A_338, %and3A_346 : vector<16xi32>
        %bitcast3A_348 = vector.bitcast %and3A_347 : vector<16xi32> to vector<16xf32>
        %swap3A_349 = arith.index_cast %scan3A_303 : i32 to index
        %swap3A_350 = arith.constant 96 : index
        %swap3A_351 = tpu.vector_load %arg14[%swap3A_349, %swap3A_350] {strides = array<i32>} : memref<128x128xf32, #tpu.memory_space<vmem>>, vector<16xf32>,
        tpu.vector_store %arg14[%swap3A_349, %swap3A_350], %bitcast3A_348 {strides = array<i32>} : memref<128x128xf32, #tpu.memory_space<vmem>>, vector<16xf32>,
        %get3A_352 = arith.index_cast %scan3A_303 : i32 to index
        %get3A_353 = arith.constant 48 : index
        %get3A_354 = tpu.vector_load %arg12[%get3A_352, %get3A_353] {strides = array<i32>} : memref<128x64xi32, #tpu.memory_space<vmem>>, vector<16xi32>,
        %shift_left3A_355 = arith.constant 16 : i32
        %shift_left3A_356 = vector.broadcast %shift_left3A_355 : i32 to vector<16xi32>
        %shift_left3A_357 = arith.shli %get3A_354, %shift_left3A_356 : vector<16xi32>
        %bitcast3A_358 = vector.bitcast %shift_left3A_357 : vector<16xi32> to vector<16xf32>
        %swap3A_359 = arith.index_cast %scan3A_303 : i32 to index
        %swap3A_360 = arith.constant 48 : index
        %swap3A_361 = tpu.vector_load %arg14[%swap3A_359, %swap3A_360] {strides = array<i32>} : memref<128x128xf32, #tpu.memory_space<vmem>>, vector<16xf32>,
        tpu.vector_store %arg14[%swap3A_359, %swap3A_360], %bitcast3A_358 {strides = array<i32>} : memref<128x128xf32, #tpu.memory_space<vmem>>, vector<16xf32>,
        %and3A_362 = vector.broadcast %scan3A_117 : i32 to vector<16xi32>
        %and3A_363 = arith.andi %get3A_354, %and3A_362 : vector<16xi32>
        %bitcast3A_364 = vector.bitcast %and3A_363 : vector<16xi32> to vector<16xf32>
        %swap3A_365 = arith.index_cast %scan3A_303 : i32 to index
        %swap3A_366 = arith.constant 112 : index
        %swap3A_367 = tpu.vector_load %arg14[%swap3A_365, %swap3A_366] {strides = array<i32>} : memref<128x128xf32, #tpu.memory_space<vmem>>, vector<16xf32>,
        tpu.vector_store %arg14[%swap3A_365, %swap3A_366], %bitcast3A_364 {strides = array<i32>} : memref<128x128xf32, #tpu.memory_space<vmem>>, vector<16xf32>,
        %scan3A_368 = arith.constant 3 : i32
        %scan3A_369 = arith.addi %scan3A_176, %scan3A_368 : i32
        %get3A_370 = arith.index_cast %scan3A_369 : i32 to index
        %get3A_371 = arith.constant 0 : index
        %get3A_372 = tpu.vector_load %arg12[%get3A_370, %get3A_371] {strides = array<i32>} : memref<128x64xi32, #tpu.memory_space<vmem>>, vector<16xi32>,
        %shift_left3A_373 = arith.constant 16 : i32
        %shift_left3A_374 = vector.broadcast %shift_left3A_373 : i32 to vector<16xi32>
        %shift_left3A_375 = arith.shli %get3A_372, %shift_left3A_374 : vector<16xi32>
        %bitcast3A_376 = vector.bitcast %shift_left3A_375 : vector<16xi32> to vector<16xf32>
        %swap3A_377 = arith.index_cast %scan3A_369 : i32 to index
        %swap3A_378 = arith.constant 0 : index
        %swap3A_379 = tpu.vector_load %arg14[%swap3A_377, %swap3A_378] {strides = array<i32>} : memref<128x128xf32, #tpu.memory_space<vmem>>, vector<16xf32>,
        tpu.vector_store %arg14[%swap3A_377, %swap3A_378], %bitcast3A_376 {strides = array<i32>} : memref<128x128xf32, #tpu.memory_space<vmem>>, vector<16xf32>,
        %and3A_380 = vector.broadcast %scan3A_117 : i32 to vector<16xi32>
        %and3A_381 = arith.andi %get3A_372, %and3A_380 : vector<16xi32>
        %bitcast3A_382 = vector.bitcast %and3A_381 : vector<16xi32> to vector<16xf32>
        %swap3A_383 = arith.index_cast %scan3A_369 : i32 to index
        %swap3A_384 = arith.constant 64 : index
        %swap3A_385 = tpu.vector_load %arg14[%swap3A_383, %swap3A_384] {strides = array<i32>} : memref<128x128xf32, #tpu.memory_space<vmem>>, vector<16xf32>,
        tpu.vector_store %arg14[%swap3A_383, %swap3A_384], %bitcast3A_382 {strides = array<i32>} : memref<128x128xf32, #tpu.memory_space<vmem>>, vector<16xf32>,
        %get3A_386 = arith.index_cast %scan3A_369 : i32 to index
        %get3A_387 = arith.constant 16 : index
        %get3A_388 = tpu.vector_load %arg12[%get3A_386, %get3A_387] {strides = array<i32>} : memref<128x64xi32, #tpu.memory_space<vmem>>, vector<16xi32>,
        %shift_left3A_389 = arith.constant 16 : i32
        %shift_left3A_390 = vector.broadcast %shift_left3A_389 : i32 to vector<16xi32>
        %shift_left3A_391 = arith.shli %get3A_388, %shift_left3A_390 : vector<16xi32>
        %bitcast3A_392 = vector.bitcast %shift_left3A_391 : vector<16xi32> to vector<16xf32>
        %swap3A_393 = arith.index_cast %scan3A_369 : i32 to index
        %swap3A_394 = arith.constant 16 : index
        %swap3A_395 = tpu.vector_load %arg14[%swap3A_393, %swap3A_394] {strides = array<i32>} : memref<128x128xf32, #tpu.memory_space<vmem>>, vector<16xf32>,
        tpu.vector_store %arg14[%swap3A_393, %swap3A_394], %bitcast3A_392 {strides = array<i32>} : memref<128x128xf32, #tpu.memory_space<vmem>>, vector<16xf32>,
        %and3A_396 = vector.broadcast %scan3A_117 : i32 to vector<16xi32>
        %and3A_397 = arith.andi %get3A_388, %and3A_396 : vector<16xi32>
        %bitcast3A_398 = vector.bitcast %and3A_397 : vector<16xi32> to vector<16xf32>
        %swap3A_399 = arith.index_cast %scan3A_369 : i32 to index
        %swap3A_400 = arith.constant 80 : index
        %swap3A_401 = tpu.vector_load %arg14[%swap3A_399, %swap3A_400] {strides = array<i32>} : memref<128x128xf32, #tpu.memory_space<vmem>>, vector<16xf32>,
        tpu.vector_store %arg14[%swap3A_399, %swap3A_400], %bitcast3A_398 {strides = array<i32>} : memref<128x128xf32, #tpu.memory_space<vmem>>, vector<16xf32>,
        %get3A_402 = arith.index_cast %scan3A_369 : i32 to index
        %get3A_403 = arith.constant 32 : index
        %get3A_404 = tpu.vector_load %arg12[%get3A_402, %get3A_403] {strides = array<i32>} : memref<128x64xi32, #tpu.memory_space<vmem>>, vector<16xi32>,
        %shift_left3A_405 = arith.constant 16 : i32
        %shift_left3A_406 = vector.broadcast %shift_left3A_405 : i32 to vector<16xi32>
        %shift_left3A_407 = arith.shli %get3A_404, %shift_left3A_406 : vector<16xi32>
        %bitcast3A_408 = vector.bitcast %shift_left3A_407 : vector<16xi32> to vector<16xf32>
        %swap3A_409 = arith.index_cast %scan3A_369 : i32 to index
        %swap3A_410 = arith.constant 32 : index
        %swap3A_411 = tpu.vector_load %arg14[%swap3A_409, %swap3A_410] {strides = array<i32>} : memref<128x128xf32, #tpu.memory_space<vmem>>, vector<16xf32>,
        tpu.vector_store %arg14[%swap3A_409, %swap3A_410], %bitcast3A_408 {strides = array<i32>} : memref<128x128xf32, #tpu.memory_space<vmem>>, vector<16xf32>,
        %and3A_412 = vector.broadcast %scan3A_117 : i32 to vector<16xi32>
        %and3A_413 = arith.andi %get3A_404, %and3A_412 : vector<16xi32>
        %bitcast3A_414 = vector.bitcast %and3A_413 : vector<16xi32> to vector<16xf32>
        %swap3A_415 = arith.index_cast %scan3A_369 : i32 to index
        %swap3A_416 = arith.constant 96 : index
        %swap3A_417 = tpu.vector_load %arg14[%swap3A_415, %swap3A_416] {strides = array<i32>} : memref<128x128xf32, #tpu.memory_space<vmem>>, vector<16xf32>,
        tpu.vector_store %arg14[%swap3A_415, %swap3A_416], %bitcast3A_414 {strides = array<i32>} : memref<128x128xf32, #tpu.memory_space<vmem>>, vector<16xf32>,
        %get3A_418 = arith.index_cast %scan3A_369 : i32 to index
        %get3A_419 = arith.constant 48 : index
        %get3A_420 = tpu.vector_load %arg12[%get3A_418, %get3A_419] {strides = array<i32>} : memref<128x64xi32, #tpu.memory_space<vmem>>, vector<16xi32>,
        %shift_left3A_421 = arith.constant 16 : i32
        %shift_left3A_422 = vector.broadcast %shift_left3A_421 : i32 to vector<16xi32>
        %shift_left3A_423 = arith.shli %get3A_420, %shift_left3A_422 : vector<16xi32>
        %bitcast3A_424 = vector.bitcast %shift_left3A_423 : vector<16xi32> to vector<16xf32>
        %swap3A_425 = arith.index_cast %scan3A_369 : i32 to index
        %swap3A_426 = arith.constant 48 : index
        %swap3A_427 = tpu.vector_load %arg14[%swap3A_425, %swap3A_426] {strides = array<i32>} : memref<128x128xf32, #tpu.memory_space<vmem>>, vector<16xf32>,
        tpu.vector_store %arg14[%swap3A_425, %swap3A_426], %bitcast3A_424 {strides = array<i32>} : memref<128x128xf32, #tpu.memory_space<vmem>>, vector<16xf32>,
        %and3A_428 = vector.broadcast %scan3A_117 : i32 to vector<16xi32>
        %and3A_429 = arith.andi %get3A_420, %and3A_428 : vector<16xi32>
        %bitcast3A_430 = vector.bitcast %and3A_429 : vector<16xi32> to vector<16xf32>
        %swap3A_431 = arith.index_cast %scan3A_369 : i32 to index
        %swap3A_432 = arith.constant 112 : index
        %swap3A_433 = tpu.vector_load %arg14[%swap3A_431, %swap3A_432] {strides = array<i32>} : memref<128x128xf32, #tpu.memory_space<vmem>>, vector<16xf32>,
        tpu.vector_store %arg14[%swap3A_431, %swap3A_432], %bitcast3A_430 {strides = array<i32>} : memref<128x128xf32, #tpu.memory_space<vmem>>, vector<16xf32>,
      }
      %scan3A_122 = arith.constant 128 : i32
      %gt3A = arith.constant 0 : i32
      %gt3A_123 = arith.cmpi sgt, %mul3A_85, %gt3A : i32
      %convert_element_type3A = arith.extui %gt3A_123 : i1 to i32
      %cond3A = arith.constant 0 : i32
      %cond3A_124 = arith.cmpi ne, %convert_element_type3A, %cond3A : i32
      scf.if %cond3A_124 {
        %dma_wait3A_176 = arith.constant 1 : i32
        %dma_wait3A_177 = arith.constant 0 : i32
        %dma_wait3A_178 = arith.constant 0 : i32
        %dma_wait3A_179 = tpu.memref_slice %arg7[%dma_wait3A_177, %dma_wait3A_178] : memref<10048x128xf32, #tpu.memory_space<vmem_shared>> -> memref<10048x128xf32, #tpu.memory_space<vmem_shared>>
        %dma_wait3A_180 = tpu.memref_slice %arg17[%dma_wait3A_176] : memref<2x!tpu.dma_semaphore, #tpu.memory_space<semaphore_mem>> -> memref<1x!tpu.dma_semaphore, #tpu.memory_space<semaphore_mem>>
        %dma_wait3A_181 = tpu.memref_squeeze %dma_wait3A_180 : memref<1x!tpu.dma_semaphore, #tpu.memory_space<semaphore_mem>> -> memref<!tpu.dma_semaphore, #tpu.memory_space<semaphore_mem>>
        tpu.wait_indirect_dma semaphore(%dma_wait3A_181 : memref<!tpu.dma_semaphore, #tpu.memory_space<semaphore_mem>>) src(%arg15 : memref<128x128xf32, #tpu.memory_space<vmem>>) dst(%dma_wait3A_179 : memref<10048x128xf32, #tpu.memory_space<vmem_shared>>)
      } else {
      }
      %add3A_125 = arith.constant 2 : i32
      %add3A_126 = arith.addi %mul3A_85, %add3A_125 : i32
      %lt3A = arith.constant 80 : i32
      %lt3A_127 = arith.cmpi slt, %add3A_126, %lt3A : i32
      %convert_element_type3A_128 = arith.extui %lt3A_127 : i1 to i32
      %cond3A_129 = arith.constant 0 : i32
      %cond3A_130 = arith.cmpi ne, %convert_element_type3A_128, %cond3A_129 : i32
      scf.if %cond3A_130 {
        %add3A_176 = arith.constant 2 : i32
        %add3A_177 = arith.addi %mul3A_85, %add3A_176 : i32
        %add3A_178 = arith.addi %mul3A_4, %add3A_177 : i32
        %dma_start3A_179 = arith.constant 0 : i32
        %dma_start3A_180 = arith.constant 0 : i32
        %dma_start3A_181 = tpu.memref_slice %arg3[%add3A_178, %dma_start3A_180] : memref<2560x128xi32, #tpu.memory_space<hbm>> -> memref<1x128xi32, #tpu.memory_space<hbm>>
        %dma_start3A_182 = tpu.memref_squeeze %dma_start3A_181 : memref<1x128xi32, #tpu.memory_space<hbm>> -> memref<128xi32, #tpu.memory_space<hbm>>
        %dma_start3A_183 = tpu.memref_slice %arg18[%dma_start3A_179] : memref<2x!tpu.dma_semaphore, #tpu.memory_space<semaphore_mem>> -> memref<1x!tpu.dma_semaphore, #tpu.memory_space<semaphore_mem>>
        %dma_start3A_184 = tpu.memref_squeeze %dma_start3A_183 : memref<1x!tpu.dma_semaphore, #tpu.memory_space<semaphore_mem>> -> memref<!tpu.dma_semaphore, #tpu.memory_space<semaphore_mem>>
        %dma_start3A_185 = arith.constant 0 : i32
        %dma_start3A_186 = tpu.memref_slice %arg3[%add3A_178, %dma_start3A_185] : memref<2560x128xi32, #tpu.memory_space<hbm>> -> memref<1x128xi32, #tpu.memory_space<hbm>>
        %dma_start3A_187 = tpu.memref_squeeze %dma_start3A_186 : memref<1x128xi32, #tpu.memory_space<hbm>> -> memref<128xi32, #tpu.memory_space<hbm>>
        tpu.enqueue_dma source(%dma_start3A_187 : memref<128xi32, #tpu.memory_space<hbm>>) target(%arg8 : memref<128xi32, #tpu.memory_space<vmem>>) target_semaphore(%dma_start3A_184 : memref<!tpu.dma_semaphore, #tpu.memory_space<semaphore_mem>>)
        %add3A_188 = arith.addi %mul3A_4, %add3A_177 : i32
        %dma_start3A_189 = arith.constant 0 : i32
        %dma_start3A_190 = arith.constant 0 : i32
        %dma_start3A_191 = tpu.memref_slice %arg4[%add3A_188, %dma_start3A_190] : memref<2560x128xi32, #tpu.memory_space<hbm>> -> memref<1x128xi32, #tpu.memory_space<hbm>>
        %dma_start3A_192 = tpu.memref_squeeze %dma_start3A_191 : memref<1x128xi32, #tpu.memory_space<hbm>> -> memref<128xi32, #tpu.memory_space<hbm>>
        %dma_start3A_193 = tpu.memref_slice %arg18[%dma_start3A_189] : memref<2x!tpu.dma_semaphore, #tpu.memory_space<semaphore_mem>> -> memref<1x!tpu.dma_semaphore, #tpu.memory_space<semaphore_mem>>
        %dma_start3A_194 = tpu.memref_squeeze %dma_start3A_193 : memref<1x!tpu.dma_semaphore, #tpu.memory_space<semaphore_mem>> -> memref<!tpu.dma_semaphore, #tpu.memory_space<semaphore_mem>>
        %dma_start3A_195 = arith.constant 0 : i32
        %dma_start3A_196 = tpu.memref_slice %arg4[%add3A_188, %dma_start3A_195] : memref<2560x128xi32, #tpu.memory_space<hbm>> -> memref<1x128xi32, #tpu.memory_space<hbm>>
        %dma_start3A_197 = tpu.memref_squeeze %dma_start3A_196 : memref<1x128xi32, #tpu.memory_space<hbm>> -> memref<128xi32, #tpu.memory_space<hbm>>
        tpu.enqueue_dma source(%dma_start3A_197 : memref<128xi32, #tpu.memory_space<hbm>>) target(%arg9 : memref<128xi32, #tpu.memory_space<vmem>>) target_semaphore(%dma_start3A_194 : memref<!tpu.dma_semaphore, #tpu.memory_space<semaphore_mem>>)
      } else {
      }
      %dma_start3A_131 = arith.constant 0 : i32
      %dma_start3A_132 = arith.constant 0 : i32
      %dma_start3A_133 = arith.constant 0 : i32
      %dma_start3A_134 = tpu.memref_slice %arg7[%dma_start3A_132, %dma_start3A_133] : memref<10048x128xf32, #tpu.memory_space<vmem_shared>> -> memref<10048x128xf32, #tpu.memory_space<vmem_shared>>
      %dma_start3A_135 = tpu.memref_slice %arg17[%dma_start3A_131] : memref<2x!tpu.dma_semaphore, #tpu.memory_space<semaphore_mem>> -> memref<1x!tpu.dma_semaphore, #tpu.memory_space<semaphore_mem>>
      %dma_start3A_136 = tpu.memref_squeeze %dma_start3A_135 : memref<1x!tpu.dma_semaphore, #tpu.memory_space<semaphore_mem>> -> memref<!tpu.dma_semaphore, #tpu.memory_space<semaphore_mem>>
      tpu.enqueue_indirect_dma source(%arg14 : memref<128x128xf32, #tpu.memory_space<vmem>>) target(%dma_start3A_134 : memref<10048x128xf32, #tpu.memory_space<vmem_shared>>) offsets(%arg9 : memref<128xi32, #tpu.memory_space<vmem>>) semaphore(%dma_start3A_136 : memref<!tpu.dma_semaphore, #tpu.memory_space<semaphore_mem>>) {add = true}
      %dma_wait3A_137 = arith.constant 1 : i32
      %dma_wait3A_138 = arith.constant 0 : i32
      %dma_wait3A_139 = arith.constant 0 : i32
      %dma_wait3A_140 = tpu.memref_slice %arg2[%dma_wait3A_138, %dma_wait3A_139] : memref<10048x64xi32, #tpu.memory_space<hbm>> -> memref<10048x64xi32, #tpu.memory_space<hbm>>
      %dma_wait3A_141 = tpu.memref_slice %arg16[%dma_wait3A_137] : memref<2x!tpu.dma_semaphore, #tpu.memory_space<semaphore_mem>> -> memref<1x!tpu.dma_semaphore, #tpu.memory_space<semaphore_mem>>
      %dma_wait3A_142 = tpu.memref_squeeze %dma_wait3A_141 : memref<1x!tpu.dma_semaphore, #tpu.memory_space<semaphore_mem>> -> memref<!tpu.dma_semaphore, #tpu.memory_space<semaphore_mem>>
      tpu.wait_indirect_dma semaphore(%dma_wait3A_142 : memref<!tpu.dma_semaphore, #tpu.memory_space<semaphore_mem>>) src(%dma_wait3A_140 : memref<10048x64xi32, #tpu.memory_space<hbm>>) dst(%arg13 : memref<128x64xi32, #tpu.memory_space<vmem>>)
      %add3A_143 = arith.constant 2 : i32
      %add3A_144 = arith.addi %mul3A_85, %add3A_143 : i32
      %lt3A_145 = arith.constant 80 : i32
      %lt3A_146 = arith.cmpi slt, %add3A_144, %lt3A_145 : i32
      %convert_element_type3A_147 = arith.extui %lt3A_146 : i1 to i32
      %cond3A_148 = arith.constant 0 : i32
      %cond3A_149 = arith.cmpi ne, %convert_element_type3A_147, %cond3A_148 : i32
      scf.if %cond3A_149 {
        %dma_wait3A_176 = arith.constant 0 : i32
        %dma_wait3A_177 = arith.constant 0 : i32
        %dma_wait3A_178 = tpu.memref_slice %arg3[%mul3A_4, %dma_wait3A_177] : memref<2560x128xi32, #tpu.memory_space<hbm>> -> memref<1x128xi32, #tpu.memory_space<hbm>>
        %dma_wait3A_179 = tpu.memref_squeeze %dma_wait3A_178 : memref<1x128xi32, #tpu.memory_space<hbm>> -> memref<128xi32, #tpu.memory_space<hbm>>
        %dma_wait3A_180 = tpu.memref_slice %arg18[%dma_wait3A_176] : memref<2x!tpu.dma_semaphore, #tpu.memory_space<semaphore_mem>> -> memref<1x!tpu.dma_semaphore, #tpu.memory_space<semaphore_mem>>
        %dma_wait3A_181 = tpu.memref_squeeze %dma_wait3A_180 : memref<1x!tpu.dma_semaphore, #tpu.memory_space<semaphore_mem>> -> memref<!tpu.dma_semaphore, #tpu.memory_space<semaphore_mem>>
        %dma_wait3A_182 = arith.constant 0 : i32
        %dma_wait3A_183 = tpu.memref_slice %arg3[%mul3A_4, %dma_wait3A_182] : memref<2560x128xi32, #tpu.memory_space<hbm>> -> memref<1x128xi32, #tpu.memory_space<hbm>>
        %dma_wait3A_184 = tpu.memref_squeeze %dma_wait3A_183 : memref<1x128xi32, #tpu.memory_space<hbm>> -> memref<128xi32, #tpu.memory_space<hbm>>
        tpu.wait_dma2 semaphore(%dma_wait3A_181 : memref<!tpu.dma_semaphore, #tpu.memory_space<semaphore_mem>>) src(%dma_wait3A_184 : memref<128xi32, #tpu.memory_space<hbm>>) dst(%arg8 : memref<128xi32, #tpu.memory_space<vmem>>)
        %dma_wait3A_185 = arith.constant 0 : i32
        %dma_wait3A_186 = arith.constant 0 : i32
        %dma_wait3A_187 = tpu.memref_slice %arg4[%mul3A_4, %dma_wait3A_186] : memref<2560x128xi32, #tpu.memory_space<hbm>> -> memref<1x128xi32, #tpu.memory_space<hbm>>
        %dma_wait3A_188 = tpu.memref_squeeze %dma_wait3A_187 : memref<1x128xi32, #tpu.memory_space<hbm>> -> memref<128xi32, #tpu.memory_space<hbm>>
        %dma_wait3A_189 = tpu.memref_slice %arg18[%dma_wait3A_185] : memref<2x!tpu.dma_semaphore, #tpu.memory_space<semaphore_mem>> -> memref<1x!tpu.dma_semaphore, #tpu.memory_space<semaphore_mem>>
        %dma_wait3A_190 = tpu.memref_squeeze %dma_wait3A_189 : memref<1x!tpu.dma_semaphore, #tpu.memory_space<semaphore_mem>> -> memref<!tpu.dma_semaphore, #tpu.memory_space<semaphore_mem>>
        %dma_wait3A_191 = arith.constant 0 : i32
        %dma_wait3A_192 = tpu.memref_slice %arg4[%mul3A_4, %dma_wait3A_191] : memref<2560x128xi32, #tpu.memory_space<hbm>> -> memref<1x128xi32, #tpu.memory_space<hbm>>
        %dma_wait3A_193 = tpu.memref_squeeze %dma_wait3A_192 : memref<1x128xi32, #tpu.memory_space<hbm>> -> memref<128xi32, #tpu.memory_space<hbm>>
        tpu.wait_dma2 semaphore(%dma_wait3A_190 : memref<!tpu.dma_semaphore, #tpu.memory_space<semaphore_mem>>) src(%dma_wait3A_193 : memref<128xi32, #tpu.memory_space<hbm>>) dst(%arg9 : memref<128xi32, #tpu.memory_space<vmem>>)
        %dma_start3A_194 = arith.constant 0 : i32
        %dma_start3A_195 = arith.constant 0 : i32
        %dma_start3A_196 = arith.constant 0 : i32
        %dma_start3A_197 = tpu.memref_slice %arg2[%dma_start3A_195, %dma_start3A_196] : memref<10048x64xi32, #tpu.memory_space<hbm>> -> memref<10048x64xi32, #tpu.memory_space<hbm>>
        %dma_start3A_198 = tpu.memref_slice %arg16[%dma_start3A_194] : memref<2x!tpu.dma_semaphore, #tpu.memory_space<semaphore_mem>> -> memref<1x!tpu.dma_semaphore, #tpu.memory_space<semaphore_mem>>
        %dma_start3A_199 = tpu.memref_squeeze %dma_start3A_198 : memref<1x!tpu.dma_semaphore, #tpu.memory_space<semaphore_mem>> -> memref<!tpu.dma_semaphore, #tpu.memory_space<semaphore_mem>>
        tpu.enqueue_indirect_dma source(%dma_start3A_197 : memref<10048x64xi32, #tpu.memory_space<hbm>>) target(%arg12 : memref<128x64xi32, #tpu.memory_space<vmem>>) offsets(%arg8 : memref<128xi32, #tpu.memory_space<vmem>>) semaphore(%dma_start3A_199 : memref<!tpu.dma_semaphore, #tpu.memory_space<semaphore_mem>>)
      } else {
      }
      %scan3A_150 = arith.constant 0 : i32
      %scan3A_151 = arith.constant -65536 : i32
      %scan3A_152 = arith.constant 0 : i32
      %scan3A_153 = arith.constant 128 : i32
      %scan3A_154 = arith.addi %scan3A_152, %scan3A_153 : i32
      %scan3A_155 = arith.constant 4 : i32
      scf.for %scan3A_176 = %scan3A_152 to %scan3A_154 step %scan3A_155  : i32 {
        %get3A = arith.index_cast %scan3A_176 : i32 to index
        %get3A_177 = arith.constant 0 : index
        %get3A_178 = tpu.vector_load %arg13[%get3A, %get3A_177] {strides = array<i32>} : memref<128x64xi32, #tpu.memory_space<vmem>>, vector<16xi32>,
        %shift_left3A = arith.constant 16 : i32
        %shift_left3A_179 = vector.broadcast %shift_left3A : i32 to vector<16xi32>
        %shift_left3A_180 = arith.shli %get3A_178, %shift_left3A_179 : vector<16xi32>
        %bitcast3A = vector.bitcast %shift_left3A_180 : vector<16xi32> to vector<16xf32>
        %swap3A = arith.index_cast %scan3A_176 : i32 to index
        %swap3A_181 = arith.constant 0 : index
        %swap3A_182 = tpu.vector_load %arg15[%swap3A, %swap3A_181] {strides = array<i32>} : memref<128x128xf32, #tpu.memory_space<vmem>>, vector<16xf32>,
        tpu.vector_store %arg15[%swap3A, %swap3A_181], %bitcast3A {strides = array<i32>} : memref<128x128xf32, #tpu.memory_space<vmem>>, vector<16xf32>,
        %and3A = vector.broadcast %scan3A_151 : i32 to vector<16xi32>
        %and3A_183 = arith.andi %get3A_178, %and3A : vector<16xi32>
        %bitcast3A_184 = vector.bitcast %and3A_183 : vector<16xi32> to vector<16xf32>
        %swap3A_185 = arith.index_cast %scan3A_176 : i32 to index
        %swap3A_186 = arith.constant 64 : index
        %swap3A_187 = tpu.vector_load %arg15[%swap3A_185, %swap3A_186] {strides = array<i32>} : memref<128x128xf32, #tpu.memory_space<vmem>>, vector<16xf32>,
        tpu.vector_store %arg15[%swap3A_185, %swap3A_186], %bitcast3A_184 {strides = array<i32>} : memref<128x128xf32, #tpu.memory_space<vmem>>, vector<16xf32>,
        %get3A_188 = arith.index_cast %scan3A_176 : i32 to index
        %get3A_189 = arith.constant 16 : index
        %get3A_190 = tpu.vector_load %arg13[%get3A_188, %get3A_189] {strides = array<i32>} : memref<128x64xi32, #tpu.memory_space<vmem>>, vector<16xi32>,
        %shift_left3A_191 = arith.constant 16 : i32
        %shift_left3A_192 = vector.broadcast %shift_left3A_191 : i32 to vector<16xi32>
        %shift_left3A_193 = arith.shli %get3A_190, %shift_left3A_192 : vector<16xi32>
        %bitcast3A_194 = vector.bitcast %shift_left3A_193 : vector<16xi32> to vector<16xf32>
        %swap3A_195 = arith.index_cast %scan3A_176 : i32 to index
        %swap3A_196 = arith.constant 16 : index
        %swap3A_197 = tpu.vector_load %arg15[%swap3A_195, %swap3A_196] {strides = array<i32>} : memref<128x128xf32, #tpu.memory_space<vmem>>, vector<16xf32>,
        tpu.vector_store %arg15[%swap3A_195, %swap3A_196], %bitcast3A_194 {strides = array<i32>} : memref<128x128xf32, #tpu.memory_space<vmem>>, vector<16xf32>,
        %and3A_198 = vector.broadcast %scan3A_151 : i32 to vector<16xi32>
        %and3A_199 = arith.andi %get3A_190, %and3A_198 : vector<16xi32>
        %bitcast3A_200 = vector.bitcast %and3A_199 : vector<16xi32> to vector<16xf32>
        %swap3A_201 = arith.index_cast %scan3A_176 : i32 to index
        %swap3A_202 = arith.constant 80 : index
        %swap3A_203 = tpu.vector_load %arg15[%swap3A_201, %swap3A_202] {strides = array<i32>} : memref<128x128xf32, #tpu.memory_space<vmem>>, vector<16xf32>,
        tpu.vector_store %arg15[%swap3A_201, %swap3A_202], %bitcast3A_200 {strides = array<i32>} : memref<128x128xf32, #tpu.memory_space<vmem>>, vector<16xf32>,
        %get3A_204 = arith.index_cast %scan3A_176 : i32 to index
        %get3A_205 = arith.constant 32 : index
        %get3A_206 = tpu.vector_load %arg13[%get3A_204, %get3A_205] {strides = array<i32>} : memref<128x64xi32, #tpu.memory_space<vmem>>, vector<16xi32>,
        %shift_left3A_207 = arith.constant 16 : i32
        %shift_left3A_208 = vector.broadcast %shift_left3A_207 : i32 to vector<16xi32>
        %shift_left3A_209 = arith.shli %get3A_206, %shift_left3A_208 : vector<16xi32>
        %bitcast3A_210 = vector.bitcast %shift_left3A_209 : vector<16xi32> to vector<16xf32>
        %swap3A_211 = arith.index_cast %scan3A_176 : i32 to index
        %swap3A_212 = arith.constant 32 : index
        %swap3A_213 = tpu.vector_load %arg15[%swap3A_211, %swap3A_212] {strides = array<i32>} : memref<128x128xf32, #tpu.memory_space<vmem>>, vector<16xf32>,
        tpu.vector_store %arg15[%swap3A_211, %swap3A_212], %bitcast3A_210 {strides = array<i32>} : memref<128x128xf32, #tpu.memory_space<vmem>>, vector<16xf32>,
        %and3A_214 = vector.broadcast %scan3A_151 : i32 to vector<16xi32>
        %and3A_215 = arith.andi %get3A_206, %and3A_214 : vector<16xi32>
        %bitcast3A_216 = vector.bitcast %and3A_215 : vector<16xi32> to vector<16xf32>
        %swap3A_217 = arith.index_cast %scan3A_176 : i32 to index
        %swap3A_218 = arith.constant 96 : index
        %swap3A_219 = tpu.vector_load %arg15[%swap3A_217, %swap3A_218] {strides = array<i32>} : memref<128x128xf32, #tpu.memory_space<vmem>>, vector<16xf32>,
        tpu.vector_store %arg15[%swap3A_217, %swap3A_218], %bitcast3A_216 {strides = array<i32>} : memref<128x128xf32, #tpu.memory_space<vmem>>, vector<16xf32>,
        %get3A_220 = arith.index_cast %scan3A_176 : i32 to index
        %get3A_221 = arith.constant 48 : index
        %get3A_222 = tpu.vector_load %arg13[%get3A_220, %get3A_221] {strides = array<i32>} : memref<128x64xi32, #tpu.memory_space<vmem>>, vector<16xi32>,
        %shift_left3A_223 = arith.constant 16 : i32
        %shift_left3A_224 = vector.broadcast %shift_left3A_223 : i32 to vector<16xi32>
        %shift_left3A_225 = arith.shli %get3A_222, %shift_left3A_224 : vector<16xi32>
        %bitcast3A_226 = vector.bitcast %shift_left3A_225 : vector<16xi32> to vector<16xf32>
        %swap3A_227 = arith.index_cast %scan3A_176 : i32 to index
        %swap3A_228 = arith.constant 48 : index
        %swap3A_229 = tpu.vector_load %arg15[%swap3A_227, %swap3A_228] {strides = array<i32>} : memref<128x128xf32, #tpu.memory_space<vmem>>, vector<16xf32>,
        tpu.vector_store %arg15[%swap3A_227, %swap3A_228], %bitcast3A_226 {strides = array<i32>} : memref<128x128xf32, #tpu.memory_space<vmem>>, vector<16xf32>,
        %and3A_230 = vector.broadcast %scan3A_151 : i32 to vector<16xi32>
        %and3A_231 = arith.andi %get3A_222, %and3A_230 : vector<16xi32>
        %bitcast3A_232 = vector.bitcast %and3A_231 : vector<16xi32> to vector<16xf32>
        %swap3A_233 = arith.index_cast %scan3A_176 : i32 to index
        %swap3A_234 = arith.constant 112 : index
        %swap3A_235 = tpu.vector_load %arg15[%swap3A_233, %swap3A_234] {strides = array<i32>} : memref<128x128xf32, #tpu.memory_space<vmem>>, vector<16xf32>,
        tpu.vector_store %arg15[%swap3A_233, %swap3A_234], %bitcast3A_232 {strides = array<i32>} : memref<128x128xf32, #tpu.memory_space<vmem>>, vector<16xf32>,
        %scan3A_236 = arith.constant 1 : i32
        %scan3A_237 = arith.addi %scan3A_176, %scan3A_236 : i32
        %get3A_238 = arith.index_cast %scan3A_237 : i32 to index
        %get3A_239 = arith.constant 0 : index
        %get3A_240 = tpu.vector_load %arg13[%get3A_238, %get3A_239] {strides = array<i32>} : memref<128x64xi32, #tpu.memory_space<vmem>>, vector<16xi32>,
        %shift_left3A_241 = arith.constant 16 : i32
        %shift_left3A_242 = vector.broadcast %shift_left3A_241 : i32 to vector<16xi32>
        %shift_left3A_243 = arith.shli %get3A_240, %shift_left3A_242 : vector<16xi32>
        %bitcast3A_244 = vector.bitcast %shift_left3A_243 : vector<16xi32> to vector<16xf32>
        %swap3A_245 = arith.index_cast %scan3A_237 : i32 to index
        %swap3A_246 = arith.constant 0 : index
        %swap3A_247 = tpu.vector_load %arg15[%swap3A_245, %swap3A_246] {strides = array<i32>} : memref<128x128xf32, #tpu.memory_space<vmem>>, vector<16xf32>,
        tpu.vector_store %arg15[%swap3A_245, %swap3A_246], %bitcast3A_244 {strides = array<i32>} : memref<128x128xf32, #tpu.memory_space<vmem>>, vector<16xf32>,
        %and3A_248 = vector.broadcast %scan3A_151 : i32 to vector<16xi32>
        %and3A_249 = arith.andi %get3A_240, %and3A_248 : vector<16xi32>
        %bitcast3A_250 = vector.bitcast %and3A_249 : vector<16xi32> to vector<16xf32>
        %swap3A_251 = arith.index_cast %scan3A_237 : i32 to index
        %swap3A_252 = arith.constant 64 : index
        %swap3A_253 = tpu.vector_load %arg15[%swap3A_251, %swap3A_252] {strides = array<i32>} : memref<128x128xf32, #tpu.memory_space<vmem>>, vector<16xf32>,
        tpu.vector_store %arg15[%swap3A_251, %swap3A_252], %bitcast3A_250 {strides = array<i32>} : memref<128x128xf32, #tpu.memory_space<vmem>>, vector<16xf32>,
        %get3A_254 = arith.index_cast %scan3A_237 : i32 to index
        %get3A_255 = arith.constant 16 : index
        %get3A_256 = tpu.vector_load %arg13[%get3A_254, %get3A_255] {strides = array<i32>} : memref<128x64xi32, #tpu.memory_space<vmem>>, vector<16xi32>,
        %shift_left3A_257 = arith.constant 16 : i32
        %shift_left3A_258 = vector.broadcast %shift_left3A_257 : i32 to vector<16xi32>
        %shift_left3A_259 = arith.shli %get3A_256, %shift_left3A_258 : vector<16xi32>
        %bitcast3A_260 = vector.bitcast %shift_left3A_259 : vector<16xi32> to vector<16xf32>
        %swap3A_261 = arith.index_cast %scan3A_237 : i32 to index
        %swap3A_262 = arith.constant 16 : index
        %swap3A_263 = tpu.vector_load %arg15[%swap3A_261, %swap3A_262] {strides = array<i32>} : memref<128x128xf32, #tpu.memory_space<vmem>>, vector<16xf32>,
        tpu.vector_store %arg15[%swap3A_261, %swap3A_262], %bitcast3A_260 {strides = array<i32>} : memref<128x128xf32, #tpu.memory_space<vmem>>, vector<16xf32>,
        %and3A_264 = vector.broadcast %scan3A_151 : i32 to vector<16xi32>
        %and3A_265 = arith.andi %get3A_256, %and3A_264 : vector<16xi32>
        %bitcast3A_266 = vector.bitcast %and3A_265 : vector<16xi32> to vector<16xf32>
        %swap3A_267 = arith.index_cast %scan3A_237 : i32 to index
        %swap3A_268 = arith.constant 80 : index
        %swap3A_269 = tpu.vector_load %arg15[%swap3A_267, %swap3A_268] {strides = array<i32>} : memref<128x128xf32, #tpu.memory_space<vmem>>, vector<16xf32>,
        tpu.vector_store %arg15[%swap3A_267, %swap3A_268], %bitcast3A_266 {strides = array<i32>} : memref<128x128xf32, #tpu.memory_space<vmem>>, vector<16xf32>,
        %get3A_270 = arith.index_cast %scan3A_237 : i32 to index
        %get3A_271 = arith.constant 32 : index
        %get3A_272 = tpu.vector_load %arg13[%get3A_270, %get3A_271] {strides = array<i32>} : memref<128x64xi32, #tpu.memory_space<vmem>>, vector<16xi32>,
        %shift_left3A_273 = arith.constant 16 : i32
        %shift_left3A_274 = vector.broadcast %shift_left3A_273 : i32 to vector<16xi32>
        %shift_left3A_275 = arith.shli %get3A_272, %shift_left3A_274 : vector<16xi32>
        %bitcast3A_276 = vector.bitcast %shift_left3A_275 : vector<16xi32> to vector<16xf32>
        %swap3A_277 = arith.index_cast %scan3A_237 : i32 to index
        %swap3A_278 = arith.constant 32 : index
        %swap3A_279 = tpu.vector_load %arg15[%swap3A_277, %swap3A_278] {strides = array<i32>} : memref<128x128xf32, #tpu.memory_space<vmem>>, vector<16xf32>,
        tpu.vector_store %arg15[%swap3A_277, %swap3A_278], %bitcast3A_276 {strides = array<i32>} : memref<128x128xf32, #tpu.memory_space<vmem>>, vector<16xf32>,
        %and3A_280 = vector.broadcast %scan3A_151 : i32 to vector<16xi32>
        %and3A_281 = arith.andi %get3A_272, %and3A_280 : vector<16xi32>
        %bitcast3A_282 = vector.bitcast %and3A_281 : vector<16xi32> to vector<16xf32>
        %swap3A_283 = arith.index_cast %scan3A_237 : i32 to index
        %swap3A_284 = arith.constant 96 : index
        %swap3A_285 = tpu.vector_load %arg15[%swap3A_283, %swap3A_284] {strides = array<i32>} : memref<128x128xf32, #tpu.memory_space<vmem>>, vector<16xf32>,
        tpu.vector_store %arg15[%swap3A_283, %swap3A_284], %bitcast3A_282 {strides = array<i32>} : memref<128x128xf32, #tpu.memory_space<vmem>>, vector<16xf32>,
        %get3A_286 = arith.index_cast %scan3A_237 : i32 to index
        %get3A_287 = arith.constant 48 : index
        %get3A_288 = tpu.vector_load %arg13[%get3A_286, %get3A_287] {strides = array<i32>} : memref<128x64xi32, #tpu.memory_space<vmem>>, vector<16xi32>,
        %shift_left3A_289 = arith.constant 16 : i32
        %shift_left3A_290 = vector.broadcast %shift_left3A_289 : i32 to vector<16xi32>
        %shift_left3A_291 = arith.shli %get3A_288, %shift_left3A_290 : vector<16xi32>
        %bitcast3A_292 = vector.bitcast %shift_left3A_291 : vector<16xi32> to vector<16xf32>
        %swap3A_293 = arith.index_cast %scan3A_237 : i32 to index
        %swap3A_294 = arith.constant 48 : index
        %swap3A_295 = tpu.vector_load %arg15[%swap3A_293, %swap3A_294] {strides = array<i32>} : memref<128x128xf32, #tpu.memory_space<vmem>>, vector<16xf32>,
        tpu.vector_store %arg15[%swap3A_293, %swap3A_294], %bitcast3A_292 {strides = array<i32>} : memref<128x128xf32, #tpu.memory_space<vmem>>, vector<16xf32>,
        %and3A_296 = vector.broadcast %scan3A_151 : i32 to vector<16xi32>
        %and3A_297 = arith.andi %get3A_288, %and3A_296 : vector<16xi32>
        %bitcast3A_298 = vector.bitcast %and3A_297 : vector<16xi32> to vector<16xf32>
        %swap3A_299 = arith.index_cast %scan3A_237 : i32 to index
        %swap3A_300 = arith.constant 112 : index
        %swap3A_301 = tpu.vector_load %arg15[%swap3A_299, %swap3A_300] {strides = array<i32>} : memref<128x128xf32, #tpu.memory_space<vmem>>, vector<16xf32>,
        tpu.vector_store %arg15[%swap3A_299, %swap3A_300], %bitcast3A_298 {strides = array<i32>} : memref<128x128xf32, #tpu.memory_space<vmem>>, vector<16xf32>,
        %scan3A_302 = arith.constant 2 : i32
        %scan3A_303 = arith.addi %scan3A_176, %scan3A_302 : i32
        %get3A_304 = arith.index_cast %scan3A_303 : i32 to index
        %get3A_305 = arith.constant 0 : index
        %get3A_306 = tpu.vector_load %arg13[%get3A_304, %get3A_305] {strides = array<i32>} : memref<128x64xi32, #tpu.memory_space<vmem>>, vector<16xi32>,
        %shift_left3A_307 = arith.constant 16 : i32
        %shift_left3A_308 = vector.broadcast %shift_left3A_307 : i32 to vector<16xi32>
        %shift_left3A_309 = arith.shli %get3A_306, %shift_left3A_308 : vector<16xi32>
        %bitcast3A_310 = vector.bitcast %shift_left3A_309 : vector<16xi32> to vector<16xf32>
        %swap3A_311 = arith.index_cast %scan3A_303 : i32 to index
        %swap3A_312 = arith.constant 0 : index
        %swap3A_313 = tpu.vector_load %arg15[%swap3A_311, %swap3A_312] {strides = array<i32>} : memref<128x128xf32, #tpu.memory_space<vmem>>, vector<16xf32>,
        tpu.vector_store %arg15[%swap3A_311, %swap3A_312], %bitcast3A_310 {strides = array<i32>} : memref<128x128xf32, #tpu.memory_space<vmem>>, vector<16xf32>,
        %and3A_314 = vector.broadcast %scan3A_151 : i32 to vector<16xi32>
        %and3A_315 = arith.andi %get3A_306, %and3A_314 : vector<16xi32>
        %bitcast3A_316 = vector.bitcast %and3A_315 : vector<16xi32> to vector<16xf32>
        %swap3A_317 = arith.index_cast %scan3A_303 : i32 to index
        %swap3A_318 = arith.constant 64 : index
        %swap3A_319 = tpu.vector_load %arg15[%swap3A_317, %swap3A_318] {strides = array<i32>} : memref<128x128xf32, #tpu.memory_space<vmem>>, vector<16xf32>,
        tpu.vector_store %arg15[%swap3A_317, %swap3A_318], %bitcast3A_316 {strides = array<i32>} : memref<128x128xf32, #tpu.memory_space<vmem>>, vector<16xf32>,
        %get3A_320 = arith.index_cast %scan3A_303 : i32 to index
        %get3A_321 = arith.constant 16 : index
        %get3A_322 = tpu.vector_load %arg13[%get3A_320, %get3A_321] {strides = array<i32>} : memref<128x64xi32, #tpu.memory_space<vmem>>, vector<16xi32>,
        %shift_left3A_323 = arith.constant 16 : i32
        %shift_left3A_324 = vector.broadcast %shift_left3A_323 : i32 to vector<16xi32>
        %shift_left3A_325 = arith.shli %get3A_322, %shift_left3A_324 : vector<16xi32>
        %bitcast3A_326 = vector.bitcast %shift_left3A_325 : vector<16xi32> to vector<16xf32>
        %swap3A_327 = arith.index_cast %scan3A_303 : i32 to index
        %swap3A_328 = arith.constant 16 : index
        %swap3A_329 = tpu.vector_load %arg15[%swap3A_327, %swap3A_328] {strides = array<i32>} : memref<128x128xf32, #tpu.memory_space<vmem>>, vector<16xf32>,
        tpu.vector_store %arg15[%swap3A_327, %swap3A_328], %bitcast3A_326 {strides = array<i32>} : memref<128x128xf32, #tpu.memory_space<vmem>>, vector<16xf32>,
        %and3A_330 = vector.broadcast %scan3A_151 : i32 to vector<16xi32>
        %and3A_331 = arith.andi %get3A_322, %and3A_330 : vector<16xi32>
        %bitcast3A_332 = vector.bitcast %and3A_331 : vector<16xi32> to vector<16xf32>
        %swap3A_333 = arith.index_cast %scan3A_303 : i32 to index
        %swap3A_334 = arith.constant 80 : index
        %swap3A_335 = tpu.vector_load %arg15[%swap3A_333, %swap3A_334] {strides = array<i32>} : memref<128x128xf32, #tpu.memory_space<vmem>>, vector<16xf32>,
        tpu.vector_store %arg15[%swap3A_333, %swap3A_334], %bitcast3A_332 {strides = array<i32>} : memref<128x128xf32, #tpu.memory_space<vmem>>, vector<16xf32>,
        %get3A_336 = arith.index_cast %scan3A_303 : i32 to index
        %get3A_337 = arith.constant 32 : index
        %get3A_338 = tpu.vector_load %arg13[%get3A_336, %get3A_337] {strides = array<i32>} : memref<128x64xi32, #tpu.memory_space<vmem>>, vector<16xi32>,
        %shift_left3A_339 = arith.constant 16 : i32
        %shift_left3A_340 = vector.broadcast %shift_left3A_339 : i32 to vector<16xi32>
        %shift_left3A_341 = arith.shli %get3A_338, %shift_left3A_340 : vector<16xi32>
        %bitcast3A_342 = vector.bitcast %shift_left3A_341 : vector<16xi32> to vector<16xf32>
        %swap3A_343 = arith.index_cast %scan3A_303 : i32 to index
        %swap3A_344 = arith.constant 32 : index
        %swap3A_345 = tpu.vector_load %arg15[%swap3A_343, %swap3A_344] {strides = array<i32>} : memref<128x128xf32, #tpu.memory_space<vmem>>, vector<16xf32>,
        tpu.vector_store %arg15[%swap3A_343, %swap3A_344], %bitcast3A_342 {strides = array<i32>} : memref<128x128xf32, #tpu.memory_space<vmem>>, vector<16xf32>,
        %and3A_346 = vector.broadcast %scan3A_151 : i32 to vector<16xi32>
        %and3A_347 = arith.andi %get3A_338, %and3A_346 : vector<16xi32>
        %bitcast3A_348 = vector.bitcast %and3A_347 : vector<16xi32> to vector<16xf32>
        %swap3A_349 = arith.index_cast %scan3A_303 : i32 to index
        %swap3A_350 = arith.constant 96 : index
        %swap3A_351 = tpu.vector_load %arg15[%swap3A_349, %swap3A_350] {strides = array<i32>} : memref<128x128xf32, #tpu.memory_space<vmem>>, vector<16xf32>,
        tpu.vector_store %arg15[%swap3A_349, %swap3A_350], %bitcast3A_348 {strides = array<i32>} : memref<128x128xf32, #tpu.memory_space<vmem>>, vector<16xf32>,
        %get3A_352 = arith.index_cast %scan3A_303 : i32 to index
        %get3A_353 = arith.constant 48 : index
        %get3A_354 = tpu.vector_load %arg13[%get3A_352, %get3A_353] {strides = array<i32>} : memref<128x64xi32, #tpu.memory_space<vmem>>, vector<16xi32>,
        %shift_left3A_355 = arith.constant 16 : i32
        %shift_left3A_356 = vector.broadcast %shift_left3A_355 : i32 to vector<16xi32>
        %shift_left3A_357 = arith.shli %get3A_354, %shift_left3A_356 : vector<16xi32>
        %bitcast3A_358 = vector.bitcast %shift_left3A_357 : vector<16xi32> to vector<16xf32>
        %swap3A_359 = arith.index_cast %scan3A_303 : i32 to index
        %swap3A_360 = arith.constant 48 : index
        %swap3A_361 = tpu.vector_load %arg15[%swap3A_359, %swap3A_360] {strides = array<i32>} : memref<128x128xf32, #tpu.memory_space<vmem>>, vector<16xf32>,
        tpu.vector_store %arg15[%swap3A_359, %swap3A_360], %bitcast3A_358 {strides = array<i32>} : memref<128x128xf32, #tpu.memory_space<vmem>>, vector<16xf32>,
        %and3A_362 = vector.broadcast %scan3A_151 : i32 to vector<16xi32>
        %and3A_363 = arith.andi %get3A_354, %and3A_362 : vector<16xi32>
        %bitcast3A_364 = vector.bitcast %and3A_363 : vector<16xi32> to vector<16xf32>
        %swap3A_365 = arith.index_cast %scan3A_303 : i32 to index
        %swap3A_366 = arith.constant 112 : index
        %swap3A_367 = tpu.vector_load %arg15[%swap3A_365, %swap3A_366] {strides = array<i32>} : memref<128x128xf32, #tpu.memory_space<vmem>>, vector<16xf32>,
        tpu.vector_store %arg15[%swap3A_365, %swap3A_366], %bitcast3A_364 {strides = array<i32>} : memref<128x128xf32, #tpu.memory_space<vmem>>, vector<16xf32>,
        %scan3A_368 = arith.constant 3 : i32
        %scan3A_369 = arith.addi %scan3A_176, %scan3A_368 : i32
        %get3A_370 = arith.index_cast %scan3A_369 : i32 to index
        %get3A_371 = arith.constant 0 : index
        %get3A_372 = tpu.vector_load %arg13[%get3A_370, %get3A_371] {strides = array<i32>} : memref<128x64xi32, #tpu.memory_space<vmem>>, vector<16xi32>,
        %shift_left3A_373 = arith.constant 16 : i32
        %shift_left3A_374 = vector.broadcast %shift_left3A_373 : i32 to vector<16xi32>
        %shift_left3A_375 = arith.shli %get3A_372, %shift_left3A_374 : vector<16xi32>
        %bitcast3A_376 = vector.bitcast %shift_left3A_375 : vector<16xi32> to vector<16xf32>
        %swap3A_377 = arith.index_cast %scan3A_369 : i32 to index
        %swap3A_378 = arith.constant 0 : index
        %swap3A_379 = tpu.vector_load %arg15[%swap3A_377, %swap3A_378] {strides = array<i32>} : memref<128x128xf32, #tpu.memory_space<vmem>>, vector<16xf32>,
        tpu.vector_store %arg15[%swap3A_377, %swap3A_378], %bitcast3A_376 {strides = array<i32>} : memref<128x128xf32, #tpu.memory_space<vmem>>, vector<16xf32>,
        %and3A_380 = vector.broadcast %scan3A_151 : i32 to vector<16xi32>
        %and3A_381 = arith.andi %get3A_372, %and3A_380 : vector<16xi32>
        %bitcast3A_382 = vector.bitcast %and3A_381 : vector<16xi32> to vector<16xf32>
        %swap3A_383 = arith.index_cast %scan3A_369 : i32 to index
        %swap3A_384 = arith.constant 64 : index
        %swap3A_385 = tpu.vector_load %arg15[%swap3A_383, %swap3A_384] {strides = array<i32>} : memref<128x128xf32, #tpu.memory_space<vmem>>, vector<16xf32>,
        tpu.vector_store %arg15[%swap3A_383, %swap3A_384], %bitcast3A_382 {strides = array<i32>} : memref<128x128xf32, #tpu.memory_space<vmem>>, vector<16xf32>,
        %get3A_386 = arith.index_cast %scan3A_369 : i32 to index
        %get3A_387 = arith.constant 16 : index
        %get3A_388 = tpu.vector_load %arg13[%get3A_386, %get3A_387] {strides = array<i32>} : memref<128x64xi32, #tpu.memory_space<vmem>>, vector<16xi32>,
        %shift_left3A_389 = arith.constant 16 : i32
        %shift_left3A_390 = vector.broadcast %shift_left3A_389 : i32 to vector<16xi32>
        %shift_left3A_391 = arith.shli %get3A_388, %shift_left3A_390 : vector<16xi32>
        %bitcast3A_392 = vector.bitcast %shift_left3A_391 : vector<16xi32> to vector<16xf32>
        %swap3A_393 = arith.index_cast %scan3A_369 : i32 to index
        %swap3A_394 = arith.constant 16 : index
        %swap3A_395 = tpu.vector_load %arg15[%swap3A_393, %swap3A_394] {strides = array<i32>} : memref<128x128xf32, #tpu.memory_space<vmem>>, vector<16xf32>,
        tpu.vector_store %arg15[%swap3A_393, %swap3A_394], %bitcast3A_392 {strides = array<i32>} : memref<128x128xf32, #tpu.memory_space<vmem>>, vector<16xf32>,
        %and3A_396 = vector.broadcast %scan3A_151 : i32 to vector<16xi32>
        %and3A_397 = arith.andi %get3A_388, %and3A_396 : vector<16xi32>
        %bitcast3A_398 = vector.bitcast %and3A_397 : vector<16xi32> to vector<16xf32>
        %swap3A_399 = arith.index_cast %scan3A_369 : i32 to index
        %swap3A_400 = arith.constant 80 : index
        %swap3A_401 = tpu.vector_load %arg15[%swap3A_399, %swap3A_400] {strides = array<i32>} : memref<128x128xf32, #tpu.memory_space<vmem>>, vector<16xf32>,
        tpu.vector_store %arg15[%swap3A_399, %swap3A_400], %bitcast3A_398 {strides = array<i32>} : memref<128x128xf32, #tpu.memory_space<vmem>>, vector<16xf32>,
        %get3A_402 = arith.index_cast %scan3A_369 : i32 to index
        %get3A_403 = arith.constant 32 : index
        %get3A_404 = tpu.vector_load %arg13[%get3A_402, %get3A_403] {strides = array<i32>} : memref<128x64xi32, #tpu.memory_space<vmem>>, vector<16xi32>,
        %shift_left3A_405 = arith.constant 16 : i32
        %shift_left3A_406 = vector.broadcast %shift_left3A_405 : i32 to vector<16xi32>
        %shift_left3A_407 = arith.shli %get3A_404, %shift_left3A_406 : vector<16xi32>
        %bitcast3A_408 = vector.bitcast %shift_left3A_407 : vector<16xi32> to vector<16xf32>
        %swap3A_409 = arith.index_cast %scan3A_369 : i32 to index
        %swap3A_410 = arith.constant 32 : index
        %swap3A_411 = tpu.vector_load %arg15[%swap3A_409, %swap3A_410] {strides = array<i32>} : memref<128x128xf32, #tpu.memory_space<vmem>>, vector<16xf32>,
        tpu.vector_store %arg15[%swap3A_409, %swap3A_410], %bitcast3A_408 {strides = array<i32>} : memref<128x128xf32, #tpu.memory_space<vmem>>, vector<16xf32>,
        %and3A_412 = vector.broadcast %scan3A_151 : i32 to vector<16xi32>
        %and3A_413 = arith.andi %get3A_404, %and3A_412 : vector<16xi32>
        %bitcast3A_414 = vector.bitcast %and3A_413 : vector<16xi32> to vector<16xf32>
        %swap3A_415 = arith.index_cast %scan3A_369 : i32 to index
        %swap3A_416 = arith.constant 96 : index
        %swap3A_417 = tpu.vector_load %arg15[%swap3A_415, %swap3A_416] {strides = array<i32>} : memref<128x128xf32, #tpu.memory_space<vmem>>, vector<16xf32>,
        tpu.vector_store %arg15[%swap3A_415, %swap3A_416], %bitcast3A_414 {strides = array<i32>} : memref<128x128xf32, #tpu.memory_space<vmem>>, vector<16xf32>,
        %get3A_418 = arith.index_cast %scan3A_369 : i32 to index
        %get3A_419 = arith.constant 48 : index
        %get3A_420 = tpu.vector_load %arg13[%get3A_418, %get3A_419] {strides = array<i32>} : memref<128x64xi32, #tpu.memory_space<vmem>>, vector<16xi32>,
        %shift_left3A_421 = arith.constant 16 : i32
        %shift_left3A_422 = vector.broadcast %shift_left3A_421 : i32 to vector<16xi32>
        %shift_left3A_423 = arith.shli %get3A_420, %shift_left3A_422 : vector<16xi32>
        %bitcast3A_424 = vector.bitcast %shift_left3A_423 : vector<16xi32> to vector<16xf32>
        %swap3A_425 = arith.index_cast %scan3A_369 : i32 to index
        %swap3A_426 = arith.constant 48 : index
        %swap3A_427 = tpu.vector_load %arg15[%swap3A_425, %swap3A_426] {strides = array<i32>} : memref<128x128xf32, #tpu.memory_space<vmem>>, vector<16xf32>,
        tpu.vector_store %arg15[%swap3A_425, %swap3A_426], %bitcast3A_424 {strides = array<i32>} : memref<128x128xf32, #tpu.memory_space<vmem>>, vector<16xf32>,
        %and3A_428 = vector.broadcast %scan3A_151 : i32 to vector<16xi32>
        %and3A_429 = arith.andi %get3A_420, %and3A_428 : vector<16xi32>
        %bitcast3A_430 = vector.bitcast %and3A_429 : vector<16xi32> to vector<16xf32>
        %swap3A_431 = arith.index_cast %scan3A_369 : i32 to index
        %swap3A_432 = arith.constant 112 : index
        %swap3A_433 = tpu.vector_load %arg15[%swap3A_431, %swap3A_432] {strides = array<i32>} : memref<128x128xf32, #tpu.memory_space<vmem>>, vector<16xf32>,
        tpu.vector_store %arg15[%swap3A_431, %swap3A_432], %bitcast3A_430 {strides = array<i32>} : memref<128x128xf32, #tpu.memory_space<vmem>>, vector<16xf32>,
      }
      %scan3A_156 = arith.constant 128 : i32
      %dma_wait3A_157 = arith.constant 0 : i32
      %dma_wait3A_158 = arith.constant 0 : i32
      %dma_wait3A_159 = arith.constant 0 : i32
      %dma_wait3A_160 = tpu.memref_slice %arg7[%dma_wait3A_158, %dma_wait3A_159] : memref<10048x128xf32, #tpu.memory_space<vmem_shared>> -> memref<10048x128xf32, #tpu.memory_space<vmem_shared>>
      %dma_wait3A_161 = tpu.memref_slice %arg17[%dma_wait3A_157] : memref<2x!tpu.dma_semaphore, #tpu.memory_space<semaphore_mem>> -> memref<1x!tpu.dma_semaphore, #tpu.memory_space<semaphore_mem>>
      %dma_wait3A_162 = tpu.memref_squeeze %dma_wait3A_161 : memref<1x!tpu.dma_semaphore, #tpu.memory_space<semaphore_mem>> -> memref<!tpu.dma_semaphore, #tpu.memory_space<semaphore_mem>>
      tpu.wait_indirect_dma semaphore(%dma_wait3A_162 : memref<!tpu.dma_semaphore, #tpu.memory_space<semaphore_mem>>) src(%arg14 : memref<128x128xf32, #tpu.memory_space<vmem>>) dst(%dma_wait3A_160 : memref<10048x128xf32, #tpu.memory_space<vmem_shared>>)
      %add3A_163 = arith.constant 3 : i32
      %add3A_164 = arith.addi %mul3A_85, %add3A_163 : i32
      %lt3A_165 = arith.constant 80 : i32
      %lt3A_166 = arith.cmpi slt, %add3A_164, %lt3A_165 : i32
      %convert_element_type3A_167 = arith.extui %lt3A_166 : i1 to i32
      %cond3A_168 = arith.constant 0 : i32
      %cond3A_169 = arith.cmpi ne, %convert_element_type3A_167, %cond3A_168 : i32
      scf.if %cond3A_169 {
        %add3A_176 = arith.constant 3 : i32
        %add3A_177 = arith.addi %mul3A_85, %add3A_176 : i32
        %add3A_178 = arith.addi %mul3A_4, %add3A_177 : i32
        %dma_start3A_179 = arith.constant 1 : i32
        %dma_start3A_180 = arith.constant 0 : i32
        %dma_start3A_181 = tpu.memref_slice %arg3[%add3A_178, %dma_start3A_180] : memref<2560x128xi32, #tpu.memory_space<hbm>> -> memref<1x128xi32, #tpu.memory_space<hbm>>
        %dma_start3A_182 = tpu.memref_squeeze %dma_start3A_181 : memref<1x128xi32, #tpu.memory_space<hbm>> -> memref<128xi32, #tpu.memory_space<hbm>>
        %dma_start3A_183 = tpu.memref_slice %arg18[%dma_start3A_179] : memref<2x!tpu.dma_semaphore, #tpu.memory_space<semaphore_mem>> -> memref<1x!tpu.dma_semaphore, #tpu.memory_space<semaphore_mem>>
        %dma_start3A_184 = tpu.memref_squeeze %dma_start3A_183 : memref<1x!tpu.dma_semaphore, #tpu.memory_space<semaphore_mem>> -> memref<!tpu.dma_semaphore, #tpu.memory_space<semaphore_mem>>
        %dma_start3A_185 = arith.constant 0 : i32
        %dma_start3A_186 = tpu.memref_slice %arg3[%add3A_178, %dma_start3A_185] : memref<2560x128xi32, #tpu.memory_space<hbm>> -> memref<1x128xi32, #tpu.memory_space<hbm>>
        %dma_start3A_187 = tpu.memref_squeeze %dma_start3A_186 : memref<1x128xi32, #tpu.memory_space<hbm>> -> memref<128xi32, #tpu.memory_space<hbm>>
        tpu.enqueue_dma source(%dma_start3A_187 : memref<128xi32, #tpu.memory_space<hbm>>) target(%arg10 : memref<128xi32, #tpu.memory_space<vmem>>) target_semaphore(%dma_start3A_184 : memref<!tpu.dma_semaphore, #tpu.memory_space<semaphore_mem>>)
        %add3A_188 = arith.addi %mul3A_4, %add3A_177 : i32
        %dma_start3A_189 = arith.constant 1 : i32
        %dma_start3A_190 = arith.constant 0 : i32
        %dma_start3A_191 = tpu.memref_slice %arg4[%add3A_188, %dma_start3A_190] : memref<2560x128xi32, #tpu.memory_space<hbm>> -> memref<1x128xi32, #tpu.memory_space<hbm>>
        %dma_start3A_192 = tpu.memref_squeeze %dma_start3A_191 : memref<1x128xi32, #tpu.memory_space<hbm>> -> memref<128xi32, #tpu.memory_space<hbm>>
        %dma_start3A_193 = tpu.memref_slice %arg18[%dma_start3A_189] : memref<2x!tpu.dma_semaphore, #tpu.memory_space<semaphore_mem>> -> memref<1x!tpu.dma_semaphore, #tpu.memory_space<semaphore_mem>>
        %dma_start3A_194 = tpu.memref_squeeze %dma_start3A_193 : memref<1x!tpu.dma_semaphore, #tpu.memory_space<semaphore_mem>> -> memref<!tpu.dma_semaphore, #tpu.memory_space<semaphore_mem>>
        %dma_start3A_195 = arith.constant 0 : i32
        %dma_start3A_196 = tpu.memref_slice %arg4[%add3A_188, %dma_start3A_195] : memref<2560x128xi32, #tpu.memory_space<hbm>> -> memref<1x128xi32, #tpu.memory_space<hbm>>
        %dma_start3A_197 = tpu.memref_squeeze %dma_start3A_196 : memref<1x128xi32, #tpu.memory_space<hbm>> -> memref<128xi32, #tpu.memory_space<hbm>>
        tpu.enqueue_dma source(%dma_start3A_197 : memref<128xi32, #tpu.memory_space<hbm>>) target(%arg11 : memref<128xi32, #tpu.memory_space<vmem>>) target_semaphore(%dma_start3A_194 : memref<!tpu.dma_semaphore, #tpu.memory_space<semaphore_mem>>)
      } else {
      }
      %dma_start3A_170 = arith.constant 1 : i32
      %dma_start3A_171 = arith.constant 0 : i32
      %dma_start3A_172 = arith.constant 0 : i32
      %dma_start3A_173 = tpu.memref_slice %arg7[%dma_start3A_171, %dma_start3A_172] : memref<10048x128xf32, #tpu.memory_space<vmem_shared>> -> memref<10048x128xf32, #tpu.memory_space<vmem_shared>>
      %dma_start3A_174 = tpu.memref_slice %arg17[%dma_start3A_170] : memref<2x!tpu.dma_semaphore, #tpu.memory_space<semaphore_mem>> -> memref<1x!tpu.dma_semaphore, #tpu.memory_space<semaphore_mem>>
      %dma_start3A_175 = tpu.memref_squeeze %dma_start3A_174 : memref<1x!tpu.dma_semaphore, #tpu.memory_space<semaphore_mem>> -> memref<!tpu.dma_semaphore, #tpu.memory_space<semaphore_mem>>
      tpu.enqueue_indirect_dma source(%arg15 : memref<128x128xf32, #tpu.memory_space<vmem>>) target(%dma_start3A_173 : memref<10048x128xf32, #tpu.memory_space<vmem_shared>>) offsets(%arg11 : memref<128xi32, #tpu.memory_space<vmem>>) semaphore(%dma_start3A_175 : memref<!tpu.dma_semaphore, #tpu.memory_space<semaphore_mem>>) {add = true}
    }
    %scan3A_75 = arith.constant 40 : i32
    %dma_wait3A_76 = arith.constant 1 : i32
    %dma_wait3A_77 = arith.constant 0 : i32
    %dma_wait3A_78 = arith.constant 0 : i32
    %dma_wait3A_79 = tpu.memref_slice %arg7[%dma_wait3A_77, %dma_wait3A_78] : memref<10048x128xf32, #tpu.memory_space<vmem_shared>> -> memref<10048x128xf32, #tpu.memory_space<vmem_shared>>
    %dma_wait3A_80 = tpu.memref_slice %arg17[%dma_wait3A_76] : memref<2x!tpu.dma_semaphore, #tpu.memory_space<semaphore_mem>> -> memref<1x!tpu.dma_semaphore, #tpu.memory_space<semaphore_mem>>
    %dma_wait3A_81 = tpu.memref_squeeze %dma_wait3A_80 : memref<1x!tpu.dma_semaphore, #tpu.memory_space<semaphore_mem>> -> memref<!tpu.dma_semaphore, #tpu.memory_space<semaphore_mem>>
    tpu.wait_indirect_dma semaphore(%dma_wait3A_81 : memref<!tpu.dma_semaphore, #tpu.memory_space<semaphore_mem>>) src(%arg15 : memref<128x128xf32, #tpu.memory_space<vmem>>) dst(%dma_wait3A_79 : memref<10048x128xf32, #tpu.memory_space<vmem_shared>>)
    %barrier3A_82 = arith.constant 0 : index
    tpu.barrier barrier_id(%barrier3A_82)
    "tpu.region"() ({
      %run_scoped3A = tpu.sem_alloc : memref<!tpu.dma_semaphore, #tpu.memory_space<semaphore_mem>>
      %dma_start3A_83 = arith.constant 0 : i32
      %dma_start3A_84 = tpu.memref_slice %arg6[%arg0, %mul3A_0, %dma_start3A_83] : memref<2x10048x128xf32, #tpu.memory_space<hbm>> -> memref<1x628x128xf32, #tpu.memory_space<hbm>>
      %dma_start3A_85 = tpu.memref_squeeze %dma_start3A_84 : memref<1x628x128xf32, #tpu.memory_space<hbm>> -> memref<628x128xf32, #tpu.memory_space<hbm>>
      %dma_start3A_86 = arith.constant 0 : i32
      %dma_start3A_87 = tpu.memref_slice %arg7[%mul3A_0, %dma_start3A_86] : memref<10048x128xf32, #tpu.memory_space<vmem_shared>> -> memref<628x128xf32, #tpu.memory_space<vmem_shared>>
      tpu.enqueue_dma source(%dma_start3A_87 : memref<628x128xf32, #tpu.memory_space<vmem_shared>>) target(%dma_start3A_85 : memref<628x128xf32, #tpu.memory_space<hbm>>) target_semaphore(%run_scoped3A : memref<!tpu.dma_semaphore, #tpu.memory_space<semaphore_mem>>)
      %dma_wait3A_88 = arith.constant 0 : i32
      %dma_wait3A_89 = tpu.memref_slice %arg6[%arg0, %mul3A_0, %dma_wait3A_88] : memref<2x10048x128xf32, #tpu.memory_space<hbm>> -> memref<1x628x128xf32, #tpu.memory_space<hbm>>
      %dma_wait3A_90 = tpu.memref_squeeze %dma_wait3A_89 : memref<1x628x128xf32, #tpu.memory_space<hbm>> -> memref<628x128xf32, #tpu.memory_space<hbm>>
      %dma_wait3A_91 = arith.constant 0 : i32
      %dma_wait3A_92 = tpu.memref_slice %arg7[%mul3A_0, %dma_wait3A_91] : memref<10048x128xf32, #tpu.memory_space<vmem_shared>> -> memref<628x128xf32, #tpu.memory_space<vmem_shared>>
      tpu.wait_dma2 semaphore(%run_scoped3A : memref<!tpu.dma_semaphore, #tpu.memory_space<semaphore_mem>>) src(%dma_wait3A_92 : memref<628x128xf32, #tpu.memory_space<vmem_shared>>) dst(%dma_wait3A_90 : memref<628x128xf32, #tpu.memory_space<hbm>>)
      tpu.yield
    }) : () -> ()
    return
  }
}

#map = affine_map<(d0, d1) -> (0, 0)>
#map1 = affine_map<(d0, d1) -> (0, 0, 0)>
module attributes {stable_mosaic.version = 14 : i64} {
  func.func @body(%arg0: i32, %arg1: i32, %arg2: memref<10048x64xi32, #tpu.memory_space<hbm>>, %arg3: memref<2560x128xi32, #tpu.memory_space<hbm>>, %arg4: memref<2560x128xi32, #tpu.memory_space<hbm>>, %arg5: memref<10048x128xf32, #tpu.memory_space<hbm>>, %arg6: memref<2x10048x128xf32, #tpu.memory_space<hbm>>, %arg7: memref<10048x128xf32, #tpu.memory_space<vmem_shared>>, %arg8: memref<128xi32, #tpu.memory_space<vmem>>, %arg9: memref<128xi32, #tpu.memory_space<vmem>>, %arg10: memref<128xi32, #tpu.memory_space<vmem>>, %arg11: memref<128xi32, #tpu.memory_space<vmem>>, %arg12: memref<128x64xi32, #tpu.memory_space<vmem>>, %arg13: memref<128x64xi32, #tpu.memory_space<vmem>>, %arg14: memref<128x128xf32, #tpu.memory_space<vmem>>, %arg15: memref<128x128xf32, #tpu.memory_space<vmem>>, %arg16: memref<2x!tpu.dma_semaphore, #tpu.memory_space<semaphore_mem>>, %arg17: memref<2x!tpu.dma_semaphore, #tpu.memory_space<semaphore_mem>>, %arg18: memref<2x!tpu.dma_semaphore, #tpu.memory_space<semaphore_mem>>) attributes {dimension_semantics = [#tpu.dimension_semantics<core_parallel>, #tpu.dimension_semantics<subcore_parallel>], iteration_bounds = array<i64: 2, 16>, scalar_prefetch = 0 : i64, scratch_operands = 12 : i64, tpu.core_type = #tpu.core_type<sc_vector_subcore>, window_params = [{transform_indices = #map}, {transform_indices = #map}, {transform_indices = #map}, {transform_indices = #map}, {transform_indices = #map1}]} {
    %mul3A = arith.constant 628 : i32
    %mul3A_0 = arith.muli %arg1, %mul3A : i32
    "tpu.region"() ({
      %run_scoped3A = tpu.sem_alloc : memref<!tpu.dma_semaphore, #tpu.memory_space<semaphore_mem>>
      %dma_start3A_83 = arith.constant 0 : i32
      %dma_start3A_84 = tpu.memref_slice %arg7[%mul3A_0, %dma_start3A_83] : memref<10048x128xf32, #tpu.memory_space<vmem_shared>> -> memref<628x128xf32, #tpu.memory_space<vmem_shared>>
      %dma_start3A_85 = arith.constant 0 : i32
      %dma_start3A_86 = tpu.memref_slice %arg5[%mul3A_0, %dma_start3A_85] : memref<10048x128xf32, #tpu.memory_space<hbm>> -> memref<628x128xf32, #tpu.memory_space<hbm>>
      tpu.enqueue_dma source(%dma_start3A_86 : memref<628x128xf32, #tpu.memory_space<hbm>>) target(%dma_start3A_84 : memref<628x128xf32, #tpu.memory_space<vmem_shared>>) target_semaphore(%run_scoped3A : memref<!tpu.dma_semaphore, #tpu.memory_space<semaphore_mem>>)
      %dma_wait3A_87 = arith.constant 0 : i32
      %dma_wait3A_88 = tpu.memref_slice %arg7[%mul3A_0, %dma_wait3A_87] : memref<10048x128xf32, #tpu.memory_space<vmem_shared>> -> memref<628x128xf32, #tpu.memory_space<vmem_shared>>
      %dma_wait3A_89 = arith.constant 0 : i32
      %dma_wait3A_90 = tpu.memref_slice %arg5[%mul3A_0, %dma_wait3A_89] : memref<10048x128xf32, #tpu.memory_space<hbm>> -> memref<628x128xf32, #tpu.memory_space<hbm>>
      tpu.wait_dma2 semaphore(%run_scoped3A : memref<!tpu.dma_semaphore, #tpu.memory_space<semaphore_mem>>) src(%dma_wait3A_90 : memref<628x128xf32, #tpu.memory_space<hbm>>) dst(%dma_wait3A_88 : memref<628x128xf32, #tpu.memory_space<vmem_shared>>)
      tpu.yield
    }) : () -> ()
    %barrier3A = arith.constant 0 : index
    tpu.barrier barrier_id(%barrier3A)
    %mul3A_1 = arith.constant 2 : i32
    %mul3A_2 = arith.muli %arg1, %mul3A_1 : i32
    %add3A = arith.addi %mul3A_2, %arg0 : i32
    %mul3A_3 = arith.constant 80 : i32
    %mul3A_4 = arith.muli %add3A, %mul3A_3 : i32
    %add3A_5 = arith.constant 0 : i32
    %add3A_6 = arith.addi %mul3A_4, %add3A_5 : i32
    %dma_start3A = arith.constant 0 : i32
    %dma_start3A_7 = arith.constant 0 : i32
    %dma_start3A_8 = tpu.memref_slice %arg3[%add3A_6, %dma_start3A_7] : memref<2560x128xi32, #tpu.memory_space<hbm>> -> memref<1x128xi32, #tpu.memory_space<hbm>>
    %dma_start3A_9 = tpu.memref_squeeze %dma_start3A_8 : memref<1x128xi32, #tpu.memory_space<hbm>> -> memref<128xi32, #tpu.memory_space<hbm>>
    %dma_start3A_10 = tpu.memref_slice %arg18[%dma_start3A] : memref<2x!tpu.dma_semaphore, #tpu.memory_space<semaphore_mem>> -> memref<1x!tpu.dma_semaphore, #tpu.memory_space<semaphore_mem>>
    %dma_start3A_11 = tpu.memref_squeeze %dma_start3A_10 : memref<1x!tpu.dma_semaphore, #tpu.memory_space<semaphore_mem>> -> memref<!tpu.dma_semaphore, #tpu.memory_space<semaphore_mem>>
    %dma_start3A_12 = arith.constant 0 : i32
    %dma_start3A_13 = tpu.memref_slice %arg3[%add3A_6, %dma_start3A_12] : memref<2560x128xi32, #tpu.memory_space<hbm>> -> memref<1x128xi32, #tpu.memory_space<hbm>>
    %dma_start3A_14 = tpu.memref_squeeze %dma_start3A_13 : memref<1x128xi32, #tpu.memory_space<hbm>> -> memref<128xi32, #tpu.memory_space<hbm>>
    tpu.enqueue_dma source(%dma_start3A_14 : memref<128xi32, #tpu.memory_space<hbm>>) target(%arg8 : memref<128xi32, #tpu.memory_space<vmem>>) target_semaphore(%dma_start3A_11 : memref<!tpu.dma_semaphore, #tpu.memory_space<semaphore_mem>>)
    %add3A_15 = arith.constant 0 : i32
    %add3A_16 = arith.addi %mul3A_4, %add3A_15 : i32
    %dma_start3A_17 = arith.constant 0 : i32
    %dma_start3A_18 = arith.constant 0 : i32
    %dma_start3A_19 = tpu.memref_slice %arg4[%add3A_16, %dma_start3A_18] : memref<2560x128xi32, #tpu.memory_space<hbm>> -> memref<1x128xi32, #tpu.memory_space<hbm>>
    %dma_start3A_20 = tpu.memref_squeeze %dma_start3A_19 : memref<1x128xi32, #tpu.memory_space<hbm>> -> memref<128xi32, #tpu.memory_space<hbm>>
    %dma_start3A_21 = tpu.memref_slice %arg18[%dma_start3A_17] : memref<2x!tpu.dma_semaphore, #tpu.memory_space<semaphore_mem>> -> memref<1x!tpu.dma_semaphore, #tpu.memory_space<semaphore_mem>>
    %dma_start3A_22 = tpu.memref_squeeze %dma_start3A_21 : memref<1x!tpu.dma_semaphore, #tpu.memory_space<semaphore_mem>> -> memref<!tpu.dma_semaphore, #tpu.memory_space<semaphore_mem>>
    %dma_start3A_23 = arith.constant 0 : i32
    %dma_start3A_24 = tpu.memref_slice %arg4[%add3A_16, %dma_start3A_23] : memref<2560x128xi32, #tpu.memory_space<hbm>> -> memref<1x128xi32, #tpu.memory_space<hbm>>
    %dma_start3A_25 = tpu.memref_squeeze %dma_start3A_24 : memref<1x128xi32, #tpu.memory_space<hbm>> -> memref<128xi32, #tpu.memory_space<hbm>>
    tpu.enqueue_dma source(%dma_start3A_25 : memref<128xi32, #tpu.memory_space<hbm>>) target(%arg9 : memref<128xi32, #tpu.memory_space<vmem>>) target_semaphore(%dma_start3A_22 : memref<!tpu.dma_semaphore, #tpu.memory_space<semaphore_mem>>)
    %dma_wait3A = arith.constant 0 : i32
    %dma_wait3A_26 = arith.constant 0 : i32
    %dma_wait3A_27 = tpu.memref_slice %arg3[%mul3A_4, %dma_wait3A_26] : memref<2560x128xi32, #tpu.memory_space<hbm>> -> memref<1x128xi32, #tpu.memory_space<hbm>>
    %dma_wait3A_28 = tpu.memref_squeeze %dma_wait3A_27 : memref<1x128xi32, #tpu.memory_space<hbm>> -> memref<128xi32, #tpu.memory_space<hbm>>
    %dma_wait3A_29 = tpu.memref_slice %arg18[%dma_wait3A] : memref<2x!tpu.dma_semaphore, #tpu.memory_space<semaphore_mem>> -> memref<1x!tpu.dma_semaphore, #tpu.memory_space<semaphore_mem>>
    %dma_wait3A_30 = tpu.memref_squeeze %dma_wait3A_29 : memref<1x!tpu.dma_semaphore, #tpu.memory_space<semaphore_mem>> -> memref<!tpu.dma_semaphore, #tpu.memory_space<semaphore_mem>>
    %dma_wait3A_31 = arith.constant 0 : i32
    %dma_wait3A_32 = tpu.memref_slice %arg3[%mul3A_4, %dma_wait3A_31] : memref<2560x128xi32, #tpu.memory_space<hbm>> -> memref<1x128xi32, #tpu.memory_space<hbm>>
    %dma_wait3A_33 = tpu.memref_squeeze %dma_wait3A_32 : memref<1x128xi32, #tpu.memory_space<hbm>> -> memref<128xi32, #tpu.memory_space<hbm>>
    tpu.wait_dma2 semaphore(%dma_wait3A_30 : memref<!tpu.dma_semaphore, #tpu.memory_space<semaphore_mem>>) src(%dma_wait3A_33 : memref<128xi32, #tpu.memory_space<hbm>>) dst(%arg8 : memref<128xi32, #tpu.memory_space<vmem>>)
    %dma_wait3A_34 = arith.constant 0 : i32
    %dma_wait3A_35 = arith.constant 0 : i32
    %dma_wait3A_36 = tpu.memref_slice %arg4[%mul3A_4, %dma_wait3A_35] : memref<2560x128xi32, #tpu.memory_space<hbm>> -> memref<1x128xi32, #tpu.memory_space<hbm>>
    %dma_wait3A_37 = tpu.memref_squeeze %dma_wait3A_36 : memref<1x128xi32, #tpu.memory_space<hbm>> -> memref<128xi32, #tpu.memory_space<hbm>>
    %dma_wait3A_38 = tpu.memref_slice %arg18[%dma_wait3A_34] : memref<2x!tpu.dma_semaphore, #tpu.memory_space<semaphore_mem>> -> memref<1x!tpu.dma_semaphore, #tpu.memory_space<semaphore_mem>>
    %dma_wait3A_39 = tpu.memref_squeeze %dma_wait3A_38 : memref<1x!tpu.dma_semaphore, #tpu.memory_space<semaphore_mem>> -> memref<!tpu.dma_semaphore, #tpu.memory_space<semaphore_mem>>
    %dma_wait3A_40 = arith.constant 0 : i32
    %dma_wait3A_41 = tpu.memref_slice %arg4[%mul3A_4, %dma_wait3A_40] : memref<2560x128xi32, #tpu.memory_space<hbm>> -> memref<1x128xi32, #tpu.memory_space<hbm>>
    %dma_wait3A_42 = tpu.memref_squeeze %dma_wait3A_41 : memref<1x128xi32, #tpu.memory_space<hbm>> -> memref<128xi32, #tpu.memory_space<hbm>>
    tpu.wait_dma2 semaphore(%dma_wait3A_39 : memref<!tpu.dma_semaphore, #tpu.memory_space<semaphore_mem>>) src(%dma_wait3A_42 : memref<128xi32, #tpu.memory_space<hbm>>) dst(%arg9 : memref<128xi32, #tpu.memory_space<vmem>>)
    %dma_start3A_43 = arith.constant 0 : i32
    %dma_start3A_44 = arith.constant 0 : i32
    %dma_start3A_45 = arith.constant 0 : i32
    %dma_start3A_46 = tpu.memref_slice %arg2[%dma_start3A_44, %dma_start3A_45] : memref<10048x64xi32, #tpu.memory_space<hbm>> -> memref<10048x64xi32, #tpu.memory_space<hbm>>
    %dma_start3A_47 = tpu.memref_slice %arg16[%dma_start3A_43] : memref<2x!tpu.dma_semaphore, #tpu.memory_space<semaphore_mem>> -> memref<1x!tpu.dma_semaphore, #tpu.memory_space<semaphore_mem>>
    %dma_start3A_48 = tpu.memref_squeeze %dma_start3A_47 : memref<1x!tpu.dma_semaphore, #tpu.memory_space<semaphore_mem>> -> memref<!tpu.dma_semaphore, #tpu.memory_space<semaphore_mem>>
    tpu.enqueue_indirect_dma source(%dma_start3A_46 : memref<10048x64xi32, #tpu.memory_space<hbm>>) target(%arg12 : memref<128x64xi32, #tpu.memory_space<vmem>>) offsets(%arg8 : memref<128xi32, #tpu.memory_space<vmem>>) semaphore(%dma_start3A_48 : memref<!tpu.dma_semaphore, #tpu.memory_space<semaphore_mem>>)
    %add3A_49 = arith.constant 1 : i32
    %add3A_50 = arith.addi %mul3A_4, %add3A_49 : i32
    %dma_start3A_51 = arith.constant 1 : i32
    %dma_start3A_52 = arith.constant 0 : i32
    %dma_start3A_53 = tpu.memref_slice %arg3[%add3A_50, %dma_start3A_52] : memref<2560x128xi32, #tpu.memory_space<hbm>> -> memref<1x128xi32, #tpu.memory_space<hbm>>
    %dma_start3A_54 = tpu.memref_squeeze %dma_start3A_53 : memref<1x128xi32, #tpu.memory_space<hbm>> -> memref<128xi32, #tpu.memory_space<hbm>>
    %dma_start3A_55 = tpu.memref_slice %arg18[%dma_start3A_51] : memref<2x!tpu.dma_semaphore, #tpu.memory_space<semaphore_mem>> -> memref<1x!tpu.dma_semaphore, #tpu.memory_space<semaphore_mem>>
    %dma_start3A_56 = tpu.memref_squeeze %dma_start3A_55 : memref<1x!tpu.dma_semaphore, #tpu.memory_space<semaphore_mem>> -> memref<!tpu.dma_semaphore, #tpu.memory_space<semaphore_mem>>
    %dma_start3A_57 = arith.constant 0 : i32
    %dma_start3A_58 = tpu.memref_slice %arg3[%add3A_50, %dma_start3A_57] : memref<2560x128xi32, #tpu.memory_space<hbm>> -> memref<1x128xi32, #tpu.memory_space<hbm>>
    %dma_start3A_59 = tpu.memref_squeeze %dma_start3A_58 : memref<1x128xi32, #tpu.memory_space<hbm>> -> memref<128xi32, #tpu.memory_space<hbm>>
    tpu.enqueue_dma source(%dma_start3A_59 : memref<128xi32, #tpu.memory_space<hbm>>) target(%arg10 : memref<128xi32, #tpu.memory_space<vmem>>) target_semaphore(%dma_start3A_56 : memref<!tpu.dma_semaphore, #tpu.memory_space<semaphore_mem>>)
    %add3A_60 = arith.constant 1 : i32
    %add3A_61 = arith.addi %mul3A_4, %add3A_60 : i32
    %dma_start3A_62 = arith.constant 1 : i32
    %dma_start3A_63 = arith.constant 0 : i32
    %dma_start3A_64 = tpu.memref_slice %arg4[%add3A_61, %dma_start3A_63] : memref<2560x128xi32, #tpu.memory_space<hbm>> -> memref<1x128xi32, #tpu.memory_space<hbm>>
    %dma_start3A_65 = tpu.memref_squeeze %dma_start3A_64 : memref<1x128xi32, #tpu.memory_space<hbm>> -> memref<128xi32, #tpu.memory_space<hbm>>
    %dma_start3A_66 = tpu.memref_slice %arg18[%dma_start3A_62] : memref<2x!tpu.dma_semaphore, #tpu.memory_space<semaphore_mem>> -> memref<1x!tpu.dma_semaphore, #tpu.memory_space<semaphore_mem>>
    %dma_start3A_67 = tpu.memref_squeeze %dma_start3A_66 : memref<1x!tpu.dma_semaphore, #tpu.memory_space<semaphore_mem>> -> memref<!tpu.dma_semaphore, #tpu.memory_space<semaphore_mem>>
    %dma_start3A_68 = arith.constant 0 : i32
    %dma_start3A_69 = tpu.memref_slice %arg4[%add3A_61, %dma_start3A_68] : memref<2560x128xi32, #tpu.memory_space<hbm>> -> memref<1x128xi32, #tpu.memory_space<hbm>>
    %dma_start3A_70 = tpu.memref_squeeze %dma_start3A_69 : memref<1x128xi32, #tpu.memory_space<hbm>> -> memref<128xi32, #tpu.memory_space<hbm>>
    tpu.enqueue_dma source(%dma_start3A_70 : memref<128xi32, #tpu.memory_space<hbm>>) target(%arg11 : memref<128xi32, #tpu.memory_space<vmem>>) target_semaphore(%dma_start3A_67 : memref<!tpu.dma_semaphore, #tpu.memory_space<semaphore_mem>>)
    %scan3A = arith.constant 0 : i32
    %scan3A_71 = arith.constant 0 : i32
    %scan3A_72 = arith.constant 40 : i32
    %scan3A_73 = arith.addi %scan3A_71, %scan3A_72 : i32
    %scan3A_74 = arith.constant 1 : i32
    scf.for %scan3A_83 = %scan3A_71 to %scan3A_73 step %scan3A_74  : i32 {
      %mul3A_84 = arith.constant 2 : i32
      %mul3A_85 = arith.muli %scan3A_83, %mul3A_84 : i32
      %dma_wait3A_86 = arith.constant 0 : i32
      %dma_wait3A_87 = arith.constant 0 : i32
      %dma_wait3A_88 = arith.constant 0 : i32
      %dma_wait3A_89 = tpu.memref_slice %arg2[%dma_wait3A_87, %dma_wait3A_88] : memref<10048x64xi32, #tpu.memory_space<hbm>> -> memref<10048x64xi32, #tpu.memory_space<hbm>>
      %dma_wait3A_90 = tpu.memref_slice %arg16[%dma_wait3A_86] : memref<2x!tpu.dma_semaphore, #tpu.memory_space<semaphore_mem>> -> memref<1x!tpu.dma_semaphore, #tpu.memory_space<semaphore_mem>>
      %dma_wait3A_91 = tpu.memref_squeeze %dma_wait3A_90 : memref<1x!tpu.dma_semaphore, #tpu.memory_space<semaphore_mem>> -> memref<!tpu.dma_semaphore, #tpu.memory_space<semaphore_mem>>
      tpu.wait_indirect_dma semaphore(%dma_wait3A_91 : memref<!tpu.dma_semaphore, #tpu.memory_space<semaphore_mem>>) src(%dma_wait3A_89 : memref<10048x64xi32, #tpu.memory_space<hbm>>) dst(%arg12 : memref<128x64xi32, #tpu.memory_space<vmem>>)
      %dma_wait3A_92 = arith.constant 1 : i32
      %dma_wait3A_93 = arith.constant 0 : i32
      %dma_wait3A_94 = tpu.memref_slice %arg3[%mul3A_4, %dma_wait3A_93] : memref<2560x128xi32, #tpu.memory_space<hbm>> -> memref<1x128xi32, #tpu.memory_space<hbm>>
      %dma_wait3A_95 = tpu.memref_squeeze %dma_wait3A_94 : memref<1x128xi32, #tpu.memory_space<hbm>> -> memref<128xi32, #tpu.memory_space<hbm>>
      %dma_wait3A_96 = tpu.memref_slice %arg18[%dma_wait3A_92] : memref<2x!tpu.dma_semaphore, #tpu.memory_space<semaphore_mem>> -> memref<1x!tpu.dma_semaphore, #tpu.memory_space<semaphore_mem>>
      %dma_wait3A_97 = tpu.memref_squeeze %dma_wait3A_96 : memref<1x!tpu.dma_semaphore, #tpu.memory_space<semaphore_mem>> -> memref<!tpu.dma_semaphore, #tpu.memory_space<semaphore_mem>>
      %dma_wait3A_98 = arith.constant 0 : i32
      %dma_wait3A_99 = tpu.memref_slice %arg3[%mul3A_4, %dma_wait3A_98] : memref<2560x128xi32, #tpu.memory_space<hbm>> -> memref<1x128xi32, #tpu.memory_space<hbm>>
      %dma_wait3A_100 = tpu.memref_squeeze %dma_wait3A_99 : memref<1x128xi32, #tpu.memory_space<hbm>> -> memref<128xi32, #tpu.memory_space<hbm>>
      tpu.wait_dma2 semaphore(%dma_wait3A_97 : memref<!tpu.dma_semaphore, #tpu.memory_space<semaphore_mem>>) src(%dma_wait3A_100 : memref<128xi32, #tpu.memory_space<hbm>>) dst(%arg10 : memref<128xi32, #tpu.memory_space<vmem>>)
      %dma_wait3A_101 = arith.constant 1 : i32
      %dma_wait3A_102 = arith.constant 0 : i32
      %dma_wait3A_103 = tpu.memref_slice %arg4[%mul3A_4, %dma_wait3A_102] : memref<2560x128xi32, #tpu.memory_space<hbm>> -> memref<1x128xi32, #tpu.memory_space<hbm>>
      %dma_wait3A_104 = tpu.memref_squeeze %dma_wait3A_103 : memref<1x128xi32, #tpu.memory_space<hbm>> -> memref<128xi32, #tpu.memory_space<hbm>>
      %dma_wait3A_105 = tpu.memref_slice %arg18[%dma_wait3A_101] : memref<2x!tpu.dma_semaphore, #tpu.memory_space<semaphore_mem>> -> memref<1x!tpu.dma_semaphore, #tpu.memory_space<semaphore_mem>>
      %dma_wait3A_106 = tpu.memref_squeeze %dma_wait3A_105 : memref<1x!tpu.dma_semaphore, #tpu.memory_space<semaphore_mem>> -> memref<!tpu.dma_semaphore, #tpu.memory_space<semaphore_mem>>
      %dma_wait3A_107 = arith.constant 0 : i32
      %dma_wait3A_108 = tpu.memref_slice %arg4[%mul3A_4, %dma_wait3A_107] : memref<2560x128xi32, #tpu.memory_space<hbm>> -> memref<1x128xi32, #tpu.memory_space<hbm>>
      %dma_wait3A_109 = tpu.memref_squeeze %dma_wait3A_108 : memref<1x128xi32, #tpu.memory_space<hbm>> -> memref<128xi32, #tpu.memory_space<hbm>>
      tpu.wait_dma2 semaphore(%dma_wait3A_106 : memref<!tpu.dma_semaphore, #tpu.memory_space<semaphore_mem>>) src(%dma_wait3A_109 : memref<128xi32, #tpu.memory_space<hbm>>) dst(%arg11 : memref<128xi32, #tpu.memory_space<vmem>>)
      %dma_start3A_110 = arith.constant 1 : i32
      %dma_start3A_111 = arith.constant 0 : i32
      %dma_start3A_112 = arith.constant 0 : i32
      %dma_start3A_113 = tpu.memref_slice %arg2[%dma_start3A_111, %dma_start3A_112] : memref<10048x64xi32, #tpu.memory_space<hbm>> -> memref<10048x64xi32, #tpu.memory_space<hbm>>
      %dma_start3A_114 = tpu.memref_slice %arg16[%dma_start3A_110] : memref<2x!tpu.dma_semaphore, #tpu.memory_space<semaphore_mem>> -> memref<1x!tpu.dma_semaphore, #tpu.memory_space<semaphore_mem>>
      %dma_start3A_115 = tpu.memref_squeeze %dma_start3A_114 : memref<1x!tpu.dma_semaphore, #tpu.memory_space<semaphore_mem>> -> memref<!tpu.dma_semaphore, #tpu.memory_space<semaphore_mem>>
      tpu.enqueue_indirect_dma source(%dma_start3A_113 : memref<10048x64xi32, #tpu.memory_space<hbm>>) target(%arg13 : memref<128x64xi32, #tpu.memory_space<vmem>>) offsets(%arg10 : memref<128xi32, #tpu.memory_space<vmem>>) semaphore(%dma_start3A_115 : memref<!tpu.dma_semaphore, #tpu.memory_space<semaphore_mem>>)
      %scan3A_116 = arith.constant 0 : i32
      %scan3A_117 = arith.constant -65536 : i32
      %scan3A_118 = arith.constant 0 : i32
      %scan3A_119 = arith.constant 128 : i32
      %scan3A_120 = arith.addi %scan3A_118, %scan3A_119 : i32
      %scan3A_121 = arith.constant 4 : i32
      scf.for %scan3A_176 = %scan3A_118 to %scan3A_120 step %scan3A_121  : i32 {
        %get3A = arith.index_cast %scan3A_176 : i32 to index
        %get3A_177 = arith.constant 0 : index
        %get3A_178 = tpu.vector_load %arg12[%get3A, %get3A_177] {strides = array<i32>} : memref<128x64xi32, #tpu.memory_space<vmem>>, vector<16xi32>,
        %shift_left3A = arith.constant 16 : i32
        %shift_left3A_179 = vector.broadcast %shift_left3A : i32 to vector<16xi32>
        %shift_left3A_180 = arith.shli %get3A_178, %shift_left3A_179 : vector<16xi32>
        %bitcast3A = vector.bitcast %shift_left3A_180 : vector<16xi32> to vector<16xf32>
        %swap3A = arith.index_cast %scan3A_176 : i32 to index
        %swap3A_181 = arith.constant 0 : index
        %swap3A_182 = tpu.vector_load %arg14[%swap3A, %swap3A_181] {strides = array<i32>} : memref<128x128xf32, #tpu.memory_space<vmem>>, vector<16xf32>,
        tpu.vector_store %arg14[%swap3A, %swap3A_181], %bitcast3A {strides = array<i32>} : memref<128x128xf32, #tpu.memory_space<vmem>>, vector<16xf32>,
        %and3A = vector.broadcast %scan3A_117 : i32 to vector<16xi32>
        %and3A_183 = arith.andi %get3A_178, %and3A : vector<16xi32>
        %bitcast3A_184 = vector.bitcast %and3A_183 : vector<16xi32> to vector<16xf32>
        %swap3A_185 = arith.index_cast %scan3A_176 : i32 to index
        %swap3A_186 = arith.constant 64 : index
        %swap3A_187 = tpu.vector_load %arg14[%swap3A_185, %swap3A_186] {strides = array<i32>} : memref<128x128xf32, #tpu.memory_space<vmem>>, vector<16xf32>,
        tpu.vector_store %arg14[%swap3A_185, %swap3A_186], %bitcast3A_184 {strides = array<i32>} : memref<128x128xf32, #tpu.memory_space<vmem>>, vector<16xf32>,
        %get3A_188 = arith.index_cast %scan3A_176 : i32 to index
        %get3A_189 = arith.constant 16 : index
        %get3A_190 = tpu.vector_load %arg12[%get3A_188, %get3A_189] {strides = array<i32>} : memref<128x64xi32, #tpu.memory_space<vmem>>, vector<16xi32>,
        %shift_left3A_191 = arith.constant 16 : i32
        %shift_left3A_192 = vector.broadcast %shift_left3A_191 : i32 to vector<16xi32>
        %shift_left3A_193 = arith.shli %get3A_190, %shift_left3A_192 : vector<16xi32>
        %bitcast3A_194 = vector.bitcast %shift_left3A_193 : vector<16xi32> to vector<16xf32>
        %swap3A_195 = arith.index_cast %scan3A_176 : i32 to index
        %swap3A_196 = arith.constant 16 : index
        %swap3A_197 = tpu.vector_load %arg14[%swap3A_195, %swap3A_196] {strides = array<i32>} : memref<128x128xf32, #tpu.memory_space<vmem>>, vector<16xf32>,
        tpu.vector_store %arg14[%swap3A_195, %swap3A_196], %bitcast3A_194 {strides = array<i32>} : memref<128x128xf32, #tpu.memory_space<vmem>>, vector<16xf32>,
        %and3A_198 = vector.broadcast %scan3A_117 : i32 to vector<16xi32>
        %and3A_199 = arith.andi %get3A_190, %and3A_198 : vector<16xi32>
        %bitcast3A_200 = vector.bitcast %and3A_199 : vector<16xi32> to vector<16xf32>
        %swap3A_201 = arith.index_cast %scan3A_176 : i32 to index
        %swap3A_202 = arith.constant 80 : index
        %swap3A_203 = tpu.vector_load %arg14[%swap3A_201, %swap3A_202] {strides = array<i32>} : memref<128x128xf32, #tpu.memory_space<vmem>>, vector<16xf32>,
        tpu.vector_store %arg14[%swap3A_201, %swap3A_202], %bitcast3A_200 {strides = array<i32>} : memref<128x128xf32, #tpu.memory_space<vmem>>, vector<16xf32>,
        %get3A_204 = arith.index_cast %scan3A_176 : i32 to index
        %get3A_205 = arith.constant 32 : index
        %get3A_206 = tpu.vector_load %arg12[%get3A_204, %get3A_205] {strides = array<i32>} : memref<128x64xi32, #tpu.memory_space<vmem>>, vector<16xi32>,
        %shift_left3A_207 = arith.constant 16 : i32
        %shift_left3A_208 = vector.broadcast %shift_left3A_207 : i32 to vector<16xi32>
        %shift_left3A_209 = arith.shli %get3A_206, %shift_left3A_208 : vector<16xi32>
        %bitcast3A_210 = vector.bitcast %shift_left3A_209 : vector<16xi32> to vector<16xf32>
        %swap3A_211 = arith.index_cast %scan3A_176 : i32 to index
        %swap3A_212 = arith.constant 32 : index
        %swap3A_213 = tpu.vector_load %arg14[%swap3A_211, %swap3A_212] {strides = array<i32>} : memref<128x128xf32, #tpu.memory_space<vmem>>, vector<16xf32>,
        tpu.vector_store %arg14[%swap3A_211, %swap3A_212], %bitcast3A_210 {strides = array<i32>} : memref<128x128xf32, #tpu.memory_space<vmem>>, vector<16xf32>,
        %and3A_214 = vector.broadcast %scan3A_117 : i32 to vector<16xi32>
        %and3A_215 = arith.andi %get3A_206, %and3A_214 : vector<16xi32>
        %bitcast3A_216 = vector.bitcast %and3A_215 : vector<16xi32> to vector<16xf32>
        %swap3A_217 = arith.index_cast %scan3A_176 : i32 to index
        %swap3A_218 = arith.constant 96 : index
        %swap3A_219 = tpu.vector_load %arg14[%swap3A_217, %swap3A_218] {strides = array<i32>} : memref<128x128xf32, #tpu.memory_space<vmem>>, vector<16xf32>,
        tpu.vector_store %arg14[%swap3A_217, %swap3A_218], %bitcast3A_216 {strides = array<i32>} : memref<128x128xf32, #tpu.memory_space<vmem>>, vector<16xf32>,
        %get3A_220 = arith.index_cast %scan3A_176 : i32 to index
        %get3A_221 = arith.constant 48 : index
        %get3A_222 = tpu.vector_load %arg12[%get3A_220, %get3A_221] {strides = array<i32>} : memref<128x64xi32, #tpu.memory_space<vmem>>, vector<16xi32>,
        %shift_left3A_223 = arith.constant 16 : i32
        %shift_left3A_224 = vector.broadcast %shift_left3A_223 : i32 to vector<16xi32>
        %shift_left3A_225 = arith.shli %get3A_222, %shift_left3A_224 : vector<16xi32>
        %bitcast3A_226 = vector.bitcast %shift_left3A_225 : vector<16xi32> to vector<16xf32>
        %swap3A_227 = arith.index_cast %scan3A_176 : i32 to index
        %swap3A_228 = arith.constant 48 : index
        %swap3A_229 = tpu.vector_load %arg14[%swap3A_227, %swap3A_228] {strides = array<i32>} : memref<128x128xf32, #tpu.memory_space<vmem>>, vector<16xf32>,
        tpu.vector_store %arg14[%swap3A_227, %swap3A_228], %bitcast3A_226 {strides = array<i32>} : memref<128x128xf32, #tpu.memory_space<vmem>>, vector<16xf32>,
        %and3A_230 = vector.broadcast %scan3A_117 : i32 to vector<16xi32>
        %and3A_231 = arith.andi %get3A_222, %and3A_230 : vector<16xi32>
        %bitcast3A_232 = vector.bitcast %and3A_231 : vector<16xi32> to vector<16xf32>
        %swap3A_233 = arith.index_cast %scan3A_176 : i32 to index
        %swap3A_234 = arith.constant 112 : index
        %swap3A_235 = tpu.vector_load %arg14[%swap3A_233, %swap3A_234] {strides = array<i32>} : memref<128x128xf32, #tpu.memory_space<vmem>>, vector<16xf32>,
        tpu.vector_store %arg14[%swap3A_233, %swap3A_234], %bitcast3A_232 {strides = array<i32>} : memref<128x128xf32, #tpu.memory_space<vmem>>, vector<16xf32>,
        %scan3A_236 = arith.constant 1 : i32
        %scan3A_237 = arith.addi %scan3A_176, %scan3A_236 : i32
        %get3A_238 = arith.index_cast %scan3A_237 : i32 to index
        %get3A_239 = arith.constant 0 : index
        %get3A_240 = tpu.vector_load %arg12[%get3A_238, %get3A_239] {strides = array<i32>} : memref<128x64xi32, #tpu.memory_space<vmem>>, vector<16xi32>,
        %shift_left3A_241 = arith.constant 16 : i32
        %shift_left3A_242 = vector.broadcast %shift_left3A_241 : i32 to vector<16xi32>
        %shift_left3A_243 = arith.shli %get3A_240, %shift_left3A_242 : vector<16xi32>
        %bitcast3A_244 = vector.bitcast %shift_left3A_243 : vector<16xi32> to vector<16xf32>
        %swap3A_245 = arith.index_cast %scan3A_237 : i32 to index
        %swap3A_246 = arith.constant 0 : index
        %swap3A_247 = tpu.vector_load %arg14[%swap3A_245, %swap3A_246] {strides = array<i32>} : memref<128x128xf32, #tpu.memory_space<vmem>>, vector<16xf32>,
        tpu.vector_store %arg14[%swap3A_245, %swap3A_246], %bitcast3A_244 {strides = array<i32>} : memref<128x128xf32, #tpu.memory_space<vmem>>, vector<16xf32>,
        %and3A_248 = vector.broadcast %scan3A_117 : i32 to vector<16xi32>
        %and3A_249 = arith.andi %get3A_240, %and3A_248 : vector<16xi32>
        %bitcast3A_250 = vector.bitcast %and3A_249 : vector<16xi32> to vector<16xf32>
        %swap3A_251 = arith.index_cast %scan3A_237 : i32 to index
        %swap3A_252 = arith.constant 64 : index
        %swap3A_253 = tpu.vector_load %arg14[%swap3A_251, %swap3A_252] {strides = array<i32>} : memref<128x128xf32, #tpu.memory_space<vmem>>, vector<16xf32>,
        tpu.vector_store %arg14[%swap3A_251, %swap3A_252], %bitcast3A_250 {strides = array<i32>} : memref<128x128xf32, #tpu.memory_space<vmem>>, vector<16xf32>,
        %get3A_254 = arith.index_cast %scan3A_237 : i32 to index
        %get3A_255 = arith.constant 16 : index
        %get3A_256 = tpu.vector_load %arg12[%get3A_254, %get3A_255] {strides = array<i32>} : memref<128x64xi32, #tpu.memory_space<vmem>>, vector<16xi32>,
        %shift_left3A_257 = arith.constant 16 : i32
        %shift_left3A_258 = vector.broadcast %shift_left3A_257 : i32 to vector<16xi32>
        %shift_left3A_259 = arith.shli %get3A_256, %shift_left3A_258 : vector<16xi32>
        %bitcast3A_260 = vector.bitcast %shift_left3A_259 : vector<16xi32> to vector<16xf32>
        %swap3A_261 = arith.index_cast %scan3A_237 : i32 to index
        %swap3A_262 = arith.constant 16 : index
        %swap3A_263 = tpu.vector_load %arg14[%swap3A_261, %swap3A_262] {strides = array<i32>} : memref<128x128xf32, #tpu.memory_space<vmem>>, vector<16xf32>,
        tpu.vector_store %arg14[%swap3A_261, %swap3A_262], %bitcast3A_260 {strides = array<i32>} : memref<128x128xf32, #tpu.memory_space<vmem>>, vector<16xf32>,
        %and3A_264 = vector.broadcast %scan3A_117 : i32 to vector<16xi32>
        %and3A_265 = arith.andi %get3A_256, %and3A_264 : vector<16xi32>
        %bitcast3A_266 = vector.bitcast %and3A_265 : vector<16xi32> to vector<16xf32>
        %swap3A_267 = arith.index_cast %scan3A_237 : i32 to index
        %swap3A_268 = arith.constant 80 : index
        %swap3A_269 = tpu.vector_load %arg14[%swap3A_267, %swap3A_268] {strides = array<i32>} : memref<128x128xf32, #tpu.memory_space<vmem>>, vector<16xf32>,
        tpu.vector_store %arg14[%swap3A_267, %swap3A_268], %bitcast3A_266 {strides = array<i32>} : memref<128x128xf32, #tpu.memory_space<vmem>>, vector<16xf32>,
        %get3A_270 = arith.index_cast %scan3A_237 : i32 to index
        %get3A_271 = arith.constant 32 : index
        %get3A_272 = tpu.vector_load %arg12[%get3A_270, %get3A_271] {strides = array<i32>} : memref<128x64xi32, #tpu.memory_space<vmem>>, vector<16xi32>,
        %shift_left3A_273 = arith.constant 16 : i32
        %shift_left3A_274 = vector.broadcast %shift_left3A_273 : i32 to vector<16xi32>
        %shift_left3A_275 = arith.shli %get3A_272, %shift_left3A_274 : vector<16xi32>
        %bitcast3A_276 = vector.bitcast %shift_left3A_275 : vector<16xi32> to vector<16xf32>
        %swap3A_277 = arith.index_cast %scan3A_237 : i32 to index
        %swap3A_278 = arith.constant 32 : index
        %swap3A_279 = tpu.vector_load %arg14[%swap3A_277, %swap3A_278] {strides = array<i32>} : memref<128x128xf32, #tpu.memory_space<vmem>>, vector<16xf32>,
        tpu.vector_store %arg14[%swap3A_277, %swap3A_278], %bitcast3A_276 {strides = array<i32>} : memref<128x128xf32, #tpu.memory_space<vmem>>, vector<16xf32>,
        %and3A_280 = vector.broadcast %scan3A_117 : i32 to vector<16xi32>
        %and3A_281 = arith.andi %get3A_272, %and3A_280 : vector<16xi32>
        %bitcast3A_282 = vector.bitcast %and3A_281 : vector<16xi32> to vector<16xf32>
        %swap3A_283 = arith.index_cast %scan3A_237 : i32 to index
        %swap3A_284 = arith.constant 96 : index
        %swap3A_285 = tpu.vector_load %arg14[%swap3A_283, %swap3A_284] {strides = array<i32>} : memref<128x128xf32, #tpu.memory_space<vmem>>, vector<16xf32>,
        tpu.vector_store %arg14[%swap3A_283, %swap3A_284], %bitcast3A_282 {strides = array<i32>} : memref<128x128xf32, #tpu.memory_space<vmem>>, vector<16xf32>,
        %get3A_286 = arith.index_cast %scan3A_237 : i32 to index
        %get3A_287 = arith.constant 48 : index
        %get3A_288 = tpu.vector_load %arg12[%get3A_286, %get3A_287] {strides = array<i32>} : memref<128x64xi32, #tpu.memory_space<vmem>>, vector<16xi32>,
        %shift_left3A_289 = arith.constant 16 : i32
        %shift_left3A_290 = vector.broadcast %shift_left3A_289 : i32 to vector<16xi32>
        %shift_left3A_291 = arith.shli %get3A_288, %shift_left3A_290 : vector<16xi32>
        %bitcast3A_292 = vector.bitcast %shift_left3A_291 : vector<16xi32> to vector<16xf32>
        %swap3A_293 = arith.index_cast %scan3A_237 : i32 to index
        %swap3A_294 = arith.constant 48 : index
        %swap3A_295 = tpu.vector_load %arg14[%swap3A_293, %swap3A_294] {strides = array<i32>} : memref<128x128xf32, #tpu.memory_space<vmem>>, vector<16xf32>,
        tpu.vector_store %arg14[%swap3A_293, %swap3A_294], %bitcast3A_292 {strides = array<i32>} : memref<128x128xf32, #tpu.memory_space<vmem>>, vector<16xf32>,
        %and3A_296 = vector.broadcast %scan3A_117 : i32 to vector<16xi32>
        %and3A_297 = arith.andi %get3A_288, %and3A_296 : vector<16xi32>
        %bitcast3A_298 = vector.bitcast %and3A_297 : vector<16xi32> to vector<16xf32>
        %swap3A_299 = arith.index_cast %scan3A_237 : i32 to index
        %swap3A_300 = arith.constant 112 : index
        %swap3A_301 = tpu.vector_load %arg14[%swap3A_299, %swap3A_300] {strides = array<i32>} : memref<128x128xf32, #tpu.memory_space<vmem>>, vector<16xf32>,
        tpu.vector_store %arg14[%swap3A_299, %swap3A_300], %bitcast3A_298 {strides = array<i32>} : memref<128x128xf32, #tpu.memory_space<vmem>>, vector<16xf32>,
        %scan3A_302 = arith.constant 2 : i32
        %scan3A_303 = arith.addi %scan3A_176, %scan3A_302 : i32
        %get3A_304 = arith.index_cast %scan3A_303 : i32 to index
        %get3A_305 = arith.constant 0 : index
        %get3A_306 = tpu.vector_load %arg12[%get3A_304, %get3A_305] {strides = array<i32>} : memref<128x64xi32, #tpu.memory_space<vmem>>, vector<16xi32>,
        %shift_left3A_307 = arith.constant 16 : i32
        %shift_left3A_308 = vector.broadcast %shift_left3A_307 : i32 to vector<16xi32>
        %shift_left3A_309 = arith.shli %get3A_306, %shift_left3A_308 : vector<16xi32>
        %bitcast3A_310 = vector.bitcast %shift_left3A_309 : vector<16xi32> to vector<16xf32>
        %swap3A_311 = arith.index_cast %scan3A_303 : i32 to index
        %swap3A_312 = arith.constant 0 : index
        %swap3A_313 = tpu.vector_load %arg14[%swap3A_311, %swap3A_312] {strides = array<i32>} : memref<128x128xf32, #tpu.memory_space<vmem>>, vector<16xf32>,
        tpu.vector_store %arg14[%swap3A_311, %swap3A_312], %bitcast3A_310 {strides = array<i32>} : memref<128x128xf32, #tpu.memory_space<vmem>>, vector<16xf32>,
        %and3A_314 = vector.broadcast %scan3A_117 : i32 to vector<16xi32>
        %and3A_315 = arith.andi %get3A_306, %and3A_314 : vector<16xi32>
        %bitcast3A_316 = vector.bitcast %and3A_315 : vector<16xi32> to vector<16xf32>
        %swap3A_317 = arith.index_cast %scan3A_303 : i32 to index
        %swap3A_318 = arith.constant 64 : index
        %swap3A_319 = tpu.vector_load %arg14[%swap3A_317, %swap3A_318] {strides = array<i32>} : memref<128x128xf32, #tpu.memory_space<vmem>>, vector<16xf32>,
        tpu.vector_store %arg14[%swap3A_317, %swap3A_318], %bitcast3A_316 {strides = array<i32>} : memref<128x128xf32, #tpu.memory_space<vmem>>, vector<16xf32>,
        %get3A_320 = arith.index_cast %scan3A_303 : i32 to index
        %get3A_321 = arith.constant 16 : index
        %get3A_322 = tpu.vector_load %arg12[%get3A_320, %get3A_321] {strides = array<i32>} : memref<128x64xi32, #tpu.memory_space<vmem>>, vector<16xi32>,
        %shift_left3A_323 = arith.constant 16 : i32
        %shift_left3A_324 = vector.broadcast %shift_left3A_323 : i32 to vector<16xi32>
        %shift_left3A_325 = arith.shli %get3A_322, %shift_left3A_324 : vector<16xi32>
        %bitcast3A_326 = vector.bitcast %shift_left3A_325 : vector<16xi32> to vector<16xf32>
        %swap3A_327 = arith.index_cast %scan3A_303 : i32 to index
        %swap3A_328 = arith.constant 16 : index
        %swap3A_329 = tpu.vector_load %arg14[%swap3A_327, %swap3A_328] {strides = array<i32>} : memref<128x128xf32, #tpu.memory_space<vmem>>, vector<16xf32>,
        tpu.vector_store %arg14[%swap3A_327, %swap3A_328], %bitcast3A_326 {strides = array<i32>} : memref<128x128xf32, #tpu.memory_space<vmem>>, vector<16xf32>,
        %and3A_330 = vector.broadcast %scan3A_117 : i32 to vector<16xi32>
        %and3A_331 = arith.andi %get3A_322, %and3A_330 : vector<16xi32>
        %bitcast3A_332 = vector.bitcast %and3A_331 : vector<16xi32> to vector<16xf32>
        %swap3A_333 = arith.index_cast %scan3A_303 : i32 to index
        %swap3A_334 = arith.constant 80 : index
        %swap3A_335 = tpu.vector_load %arg14[%swap3A_333, %swap3A_334] {strides = array<i32>} : memref<128x128xf32, #tpu.memory_space<vmem>>, vector<16xf32>,
        tpu.vector_store %arg14[%swap3A_333, %swap3A_334], %bitcast3A_332 {strides = array<i32>} : memref<128x128xf32, #tpu.memory_space<vmem>>, vector<16xf32>,
        %get3A_336 = arith.index_cast %scan3A_303 : i32 to index
        %get3A_337 = arith.constant 32 : index
        %get3A_338 = tpu.vector_load %arg12[%get3A_336, %get3A_337] {strides = array<i32>} : memref<128x64xi32, #tpu.memory_space<vmem>>, vector<16xi32>,
        %shift_left3A_339 = arith.constant 16 : i32
        %shift_left3A_340 = vector.broadcast %shift_left3A_339 : i32 to vector<16xi32>
        %shift_left3A_341 = arith.shli %get3A_338, %shift_left3A_340 : vector<16xi32>
        %bitcast3A_342 = vector.bitcast %shift_left3A_341 : vector<16xi32> to vector<16xf32>
        %swap3A_343 = arith.index_cast %scan3A_303 : i32 to index
        %swap3A_344 = arith.constant 32 : index
        %swap3A_345 = tpu.vector_load %arg14[%swap3A_343, %swap3A_344] {strides = array<i32>} : memref<128x128xf32, #tpu.memory_space<vmem>>, vector<16xf32>,
        tpu.vector_store %arg14[%swap3A_343, %swap3A_344], %bitcast3A_342 {strides = array<i32>} : memref<128x128xf32, #tpu.memory_space<vmem>>, vector<16xf32>,
        %and3A_346 = vector.broadcast %scan3A_117 : i32 to vector<16xi32>
        %and3A_347 = arith.andi %get3A_338, %and3A_346 : vector<16xi32>
        %bitcast3A_348 = vector.bitcast %and3A_347 : vector<16xi32> to vector<16xf32>
        %swap3A_349 = arith.index_cast %scan3A_303 : i32 to index
        %swap3A_350 = arith.constant 96 : index
        %swap3A_351 = tpu.vector_load %arg14[%swap3A_349, %swap3A_350] {strides = array<i32>} : memref<128x128xf32, #tpu.memory_space<vmem>>, vector<16xf32>,
        tpu.vector_store %arg14[%swap3A_349, %swap3A_350], %bitcast3A_348 {strides = array<i32>} : memref<128x128xf32, #tpu.memory_space<vmem>>, vector<16xf32>,
        %get3A_352 = arith.index_cast %scan3A_303 : i32 to index
        %get3A_353 = arith.constant 48 : index
        %get3A_354 = tpu.vector_load %arg12[%get3A_352, %get3A_353] {strides = array<i32>} : memref<128x64xi32, #tpu.memory_space<vmem>>, vector<16xi32>,
        %shift_left3A_355 = arith.constant 16 : i32
        %shift_left3A_356 = vector.broadcast %shift_left3A_355 : i32 to vector<16xi32>
        %shift_left3A_357 = arith.shli %get3A_354, %shift_left3A_356 : vector<16xi32>
        %bitcast3A_358 = vector.bitcast %shift_left3A_357 : vector<16xi32> to vector<16xf32>
        %swap3A_359 = arith.index_cast %scan3A_303 : i32 to index
        %swap3A_360 = arith.constant 48 : index
        %swap3A_361 = tpu.vector_load %arg14[%swap3A_359, %swap3A_360] {strides = array<i32>} : memref<128x128xf32, #tpu.memory_space<vmem>>, vector<16xf32>,
        tpu.vector_store %arg14[%swap3A_359, %swap3A_360], %bitcast3A_358 {strides = array<i32>} : memref<128x128xf32, #tpu.memory_space<vmem>>, vector<16xf32>,
        %and3A_362 = vector.broadcast %scan3A_117 : i32 to vector<16xi32>
        %and3A_363 = arith.andi %get3A_354, %and3A_362 : vector<16xi32>
        %bitcast3A_364 = vector.bitcast %and3A_363 : vector<16xi32> to vector<16xf32>
        %swap3A_365 = arith.index_cast %scan3A_303 : i32 to index
        %swap3A_366 = arith.constant 112 : index
        %swap3A_367 = tpu.vector_load %arg14[%swap3A_365, %swap3A_366] {strides = array<i32>} : memref<128x128xf32, #tpu.memory_space<vmem>>, vector<16xf32>,
        tpu.vector_store %arg14[%swap3A_365, %swap3A_366], %bitcast3A_364 {strides = array<i32>} : memref<128x128xf32, #tpu.memory_space<vmem>>, vector<16xf32>,
        %scan3A_368 = arith.constant 3 : i32
        %scan3A_369 = arith.addi %scan3A_176, %scan3A_368 : i32
        %get3A_370 = arith.index_cast %scan3A_369 : i32 to index
        %get3A_371 = arith.constant 0 : index
        %get3A_372 = tpu.vector_load %arg12[%get3A_370, %get3A_371] {strides = array<i32>} : memref<128x64xi32, #tpu.memory_space<vmem>>, vector<16xi32>,
        %shift_left3A_373 = arith.constant 16 : i32
        %shift_left3A_374 = vector.broadcast %shift_left3A_373 : i32 to vector<16xi32>
        %shift_left3A_375 = arith.shli %get3A_372, %shift_left3A_374 : vector<16xi32>
        %bitcast3A_376 = vector.bitcast %shift_left3A_375 : vector<16xi32> to vector<16xf32>
        %swap3A_377 = arith.index_cast %scan3A_369 : i32 to index
        %swap3A_378 = arith.constant 0 : index
        %swap3A_379 = tpu.vector_load %arg14[%swap3A_377, %swap3A_378] {strides = array<i32>} : memref<128x128xf32, #tpu.memory_space<vmem>>, vector<16xf32>,
        tpu.vector_store %arg14[%swap3A_377, %swap3A_378], %bitcast3A_376 {strides = array<i32>} : memref<128x128xf32, #tpu.memory_space<vmem>>, vector<16xf32>,
        %and3A_380 = vector.broadcast %scan3A_117 : i32 to vector<16xi32>
        %and3A_381 = arith.andi %get3A_372, %and3A_380 : vector<16xi32>
        %bitcast3A_382 = vector.bitcast %and3A_381 : vector<16xi32> to vector<16xf32>
        %swap3A_383 = arith.index_cast %scan3A_369 : i32 to index
        %swap3A_384 = arith.constant 64 : index
        %swap3A_385 = tpu.vector_load %arg14[%swap3A_383, %swap3A_384] {strides = array<i32>} : memref<128x128xf32, #tpu.memory_space<vmem>>, vector<16xf32>,
        tpu.vector_store %arg14[%swap3A_383, %swap3A_384], %bitcast3A_382 {strides = array<i32>} : memref<128x128xf32, #tpu.memory_space<vmem>>, vector<16xf32>,
        %get3A_386 = arith.index_cast %scan3A_369 : i32 to index
        %get3A_387 = arith.constant 16 : index
        %get3A_388 = tpu.vector_load %arg12[%get3A_386, %get3A_387] {strides = array<i32>} : memref<128x64xi32, #tpu.memory_space<vmem>>, vector<16xi32>,
        %shift_left3A_389 = arith.constant 16 : i32
        %shift_left3A_390 = vector.broadcast %shift_left3A_389 : i32 to vector<16xi32>
        %shift_left3A_391 = arith.shli %get3A_388, %shift_left3A_390 : vector<16xi32>
        %bitcast3A_392 = vector.bitcast %shift_left3A_391 : vector<16xi32> to vector<16xf32>
        %swap3A_393 = arith.index_cast %scan3A_369 : i32 to index
        %swap3A_394 = arith.constant 16 : index
        %swap3A_395 = tpu.vector_load %arg14[%swap3A_393, %swap3A_394] {strides = array<i32>} : memref<128x128xf32, #tpu.memory_space<vmem>>, vector<16xf32>,
        tpu.vector_store %arg14[%swap3A_393, %swap3A_394], %bitcast3A_392 {strides = array<i32>} : memref<128x128xf32, #tpu.memory_space<vmem>>, vector<16xf32>,
        %and3A_396 = vector.broadcast %scan3A_117 : i32 to vector<16xi32>
        %and3A_397 = arith.andi %get3A_388, %and3A_396 : vector<16xi32>
        %bitcast3A_398 = vector.bitcast %and3A_397 : vector<16xi32> to vector<16xf32>
        %swap3A_399 = arith.index_cast %scan3A_369 : i32 to index
        %swap3A_400 = arith.constant 80 : index
        %swap3A_401 = tpu.vector_load %arg14[%swap3A_399, %swap3A_400] {strides = array<i32>} : memref<128x128xf32, #tpu.memory_space<vmem>>, vector<16xf32>,
        tpu.vector_store %arg14[%swap3A_399, %swap3A_400], %bitcast3A_398 {strides = array<i32>} : memref<128x128xf32, #tpu.memory_space<vmem>>, vector<16xf32>,
        %get3A_402 = arith.index_cast %scan3A_369 : i32 to index
        %get3A_403 = arith.constant 32 : index
        %get3A_404 = tpu.vector_load %arg12[%get3A_402, %get3A_403] {strides = array<i32>} : memref<128x64xi32, #tpu.memory_space<vmem>>, vector<16xi32>,
        %shift_left3A_405 = arith.constant 16 : i32
        %shift_left3A_406 = vector.broadcast %shift_left3A_405 : i32 to vector<16xi32>
        %shift_left3A_407 = arith.shli %get3A_404, %shift_left3A_406 : vector<16xi32>
        %bitcast3A_408 = vector.bitcast %shift_left3A_407 : vector<16xi32> to vector<16xf32>
        %swap3A_409 = arith.index_cast %scan3A_369 : i32 to index
        %swap3A_410 = arith.constant 32 : index
        %swap3A_411 = tpu.vector_load %arg14[%swap3A_409, %swap3A_410] {strides = array<i32>} : memref<128x128xf32, #tpu.memory_space<vmem>>, vector<16xf32>,
        tpu.vector_store %arg14[%swap3A_409, %swap3A_410], %bitcast3A_408 {strides = array<i32>} : memref<128x128xf32, #tpu.memory_space<vmem>>, vector<16xf32>,
        %and3A_412 = vector.broadcast %scan3A_117 : i32 to vector<16xi32>
        %and3A_413 = arith.andi %get3A_404, %and3A_412 : vector<16xi32>
        %bitcast3A_414 = vector.bitcast %and3A_413 : vector<16xi32> to vector<16xf32>
        %swap3A_415 = arith.index_cast %scan3A_369 : i32 to index
        %swap3A_416 = arith.constant 96 : index
        %swap3A_417 = tpu.vector_load %arg14[%swap3A_415, %swap3A_416] {strides = array<i32>} : memref<128x128xf32, #tpu.memory_space<vmem>>, vector<16xf32>,
        tpu.vector_store %arg14[%swap3A_415, %swap3A_416], %bitcast3A_414 {strides = array<i32>} : memref<128x128xf32, #tpu.memory_space<vmem>>, vector<16xf32>,
        %get3A_418 = arith.index_cast %scan3A_369 : i32 to index
        %get3A_419 = arith.constant 48 : index
        %get3A_420 = tpu.vector_load %arg12[%get3A_418, %get3A_419] {strides = array<i32>} : memref<128x64xi32, #tpu.memory_space<vmem>>, vector<16xi32>,
        %shift_left3A_421 = arith.constant 16 : i32
        %shift_left3A_422 = vector.broadcast %shift_left3A_421 : i32 to vector<16xi32>
        %shift_left3A_423 = arith.shli %get3A_420, %shift_left3A_422 : vector<16xi32>
        %bitcast3A_424 = vector.bitcast %shift_left3A_423 : vector<16xi32> to vector<16xf32>
        %swap3A_425 = arith.index_cast %scan3A_369 : i32 to index
        %swap3A_426 = arith.constant 48 : index
        %swap3A_427 = tpu.vector_load %arg14[%swap3A_425, %swap3A_426] {strides = array<i32>} : memref<128x128xf32, #tpu.memory_space<vmem>>, vector<16xf32>,
        tpu.vector_store %arg14[%swap3A_425, %swap3A_426], %bitcast3A_424 {strides = array<i32>} : memref<128x128xf32, #tpu.memory_space<vmem>>, vector<16xf32>,
        %and3A_428 = vector.broadcast %scan3A_117 : i32 to vector<16xi32>
        %and3A_429 = arith.andi %get3A_420, %and3A_428 : vector<16xi32>
        %bitcast3A_430 = vector.bitcast %and3A_429 : vector<16xi32> to vector<16xf32>
        %swap3A_431 = arith.index_cast %scan3A_369 : i32 to index
        %swap3A_432 = arith.constant 112 : index
        %swap3A_433 = tpu.vector_load %arg14[%swap3A_431, %swap3A_432] {strides = array<i32>} : memref<128x128xf32, #tpu.memory_space<vmem>>, vector<16xf32>,
        tpu.vector_store %arg14[%swap3A_431, %swap3A_432], %bitcast3A_430 {strides = array<i32>} : memref<128x128xf32, #tpu.memory_space<vmem>>, vector<16xf32>,
      }
      %scan3A_122 = arith.constant 128 : i32
      %gt3A = arith.constant 0 : i32
      %gt3A_123 = arith.cmpi sgt, %mul3A_85, %gt3A : i32
      %convert_element_type3A = arith.extui %gt3A_123 : i1 to i32
      %cond3A = arith.constant 0 : i32
      %cond3A_124 = arith.cmpi ne, %convert_element_type3A, %cond3A : i32
      scf.if %cond3A_124 {
        %dma_wait3A_176 = arith.constant 1 : i32
        %dma_wait3A_177 = arith.constant 0 : i32
        %dma_wait3A_178 = arith.constant 0 : i32
        %dma_wait3A_179 = tpu.memref_slice %arg7[%dma_wait3A_177, %dma_wait3A_178] : memref<10048x128xf32, #tpu.memory_space<vmem_shared>> -> memref<10048x128xf32, #tpu.memory_space<vmem_shared>>
        %dma_wait3A_180 = tpu.memref_slice %arg17[%dma_wait3A_176] : memref<2x!tpu.dma_semaphore, #tpu.memory_space<semaphore_mem>> -> memref<1x!tpu.dma_semaphore, #tpu.memory_space<semaphore_mem>>
        %dma_wait3A_181 = tpu.memref_squeeze %dma_wait3A_180 : memref<1x!tpu.dma_semaphore, #tpu.memory_space<semaphore_mem>> -> memref<!tpu.dma_semaphore, #tpu.memory_space<semaphore_mem>>
        tpu.wait_indirect_dma semaphore(%dma_wait3A_181 : memref<!tpu.dma_semaphore, #tpu.memory_space<semaphore_mem>>) src(%arg15 : memref<128x128xf32, #tpu.memory_space<vmem>>) dst(%dma_wait3A_179 : memref<10048x128xf32, #tpu.memory_space<vmem_shared>>)
      } else {
      }
      %add3A_125 = arith.constant 2 : i32
      %add3A_126 = arith.addi %mul3A_85, %add3A_125 : i32
      %lt3A = arith.constant 80 : i32
      %lt3A_127 = arith.cmpi slt, %add3A_126, %lt3A : i32
      %convert_element_type3A_128 = arith.extui %lt3A_127 : i1 to i32
      %cond3A_129 = arith.constant 0 : i32
      %cond3A_130 = arith.cmpi ne, %convert_element_type3A_128, %cond3A_129 : i32
      scf.if %cond3A_130 {
        %add3A_176 = arith.constant 2 : i32
        %add3A_177 = arith.addi %mul3A_85, %add3A_176 : i32
        %add3A_178 = arith.addi %mul3A_4, %add3A_177 : i32
        %dma_start3A_179 = arith.constant 0 : i32
        %dma_start3A_180 = arith.constant 0 : i32
        %dma_start3A_181 = tpu.memref_slice %arg3[%add3A_178, %dma_start3A_180] : memref<2560x128xi32, #tpu.memory_space<hbm>> -> memref<1x128xi32, #tpu.memory_space<hbm>>
        %dma_start3A_182 = tpu.memref_squeeze %dma_start3A_181 : memref<1x128xi32, #tpu.memory_space<hbm>> -> memref<128xi32, #tpu.memory_space<hbm>>
        %dma_start3A_183 = tpu.memref_slice %arg18[%dma_start3A_179] : memref<2x!tpu.dma_semaphore, #tpu.memory_space<semaphore_mem>> -> memref<1x!tpu.dma_semaphore, #tpu.memory_space<semaphore_mem>>
        %dma_start3A_184 = tpu.memref_squeeze %dma_start3A_183 : memref<1x!tpu.dma_semaphore, #tpu.memory_space<semaphore_mem>> -> memref<!tpu.dma_semaphore, #tpu.memory_space<semaphore_mem>>
        %dma_start3A_185 = arith.constant 0 : i32
        %dma_start3A_186 = tpu.memref_slice %arg3[%add3A_178, %dma_start3A_185] : memref<2560x128xi32, #tpu.memory_space<hbm>> -> memref<1x128xi32, #tpu.memory_space<hbm>>
        %dma_start3A_187 = tpu.memref_squeeze %dma_start3A_186 : memref<1x128xi32, #tpu.memory_space<hbm>> -> memref<128xi32, #tpu.memory_space<hbm>>
        tpu.enqueue_dma source(%dma_start3A_187 : memref<128xi32, #tpu.memory_space<hbm>>) target(%arg8 : memref<128xi32, #tpu.memory_space<vmem>>) target_semaphore(%dma_start3A_184 : memref<!tpu.dma_semaphore, #tpu.memory_space<semaphore_mem>>)
        %add3A_188 = arith.addi %mul3A_4, %add3A_177 : i32
        %dma_start3A_189 = arith.constant 0 : i32
        %dma_start3A_190 = arith.constant 0 : i32
        %dma_start3A_191 = tpu.memref_slice %arg4[%add3A_188, %dma_start3A_190] : memref<2560x128xi32, #tpu.memory_space<hbm>> -> memref<1x128xi32, #tpu.memory_space<hbm>>
        %dma_start3A_192 = tpu.memref_squeeze %dma_start3A_191 : memref<1x128xi32, #tpu.memory_space<hbm>> -> memref<128xi32, #tpu.memory_space<hbm>>
        %dma_start3A_193 = tpu.memref_slice %arg18[%dma_start3A_189] : memref<2x!tpu.dma_semaphore, #tpu.memory_space<semaphore_mem>> -> memref<1x!tpu.dma_semaphore, #tpu.memory_space<semaphore_mem>>
        %dma_start3A_194 = tpu.memref_squeeze %dma_start3A_193 : memref<1x!tpu.dma_semaphore, #tpu.memory_space<semaphore_mem>> -> memref<!tpu.dma_semaphore, #tpu.memory_space<semaphore_mem>>
        %dma_start3A_195 = arith.constant 0 : i32
        %dma_start3A_196 = tpu.memref_slice %arg4[%add3A_188, %dma_start3A_195] : memref<2560x128xi32, #tpu.memory_space<hbm>> -> memref<1x128xi32, #tpu.memory_space<hbm>>
        %dma_start3A_197 = tpu.memref_squeeze %dma_start3A_196 : memref<1x128xi32, #tpu.memory_space<hbm>> -> memref<128xi32, #tpu.memory_space<hbm>>
        tpu.enqueue_dma source(%dma_start3A_197 : memref<128xi32, #tpu.memory_space<hbm>>) target(%arg9 : memref<128xi32, #tpu.memory_space<vmem>>) target_semaphore(%dma_start3A_194 : memref<!tpu.dma_semaphore, #tpu.memory_space<semaphore_mem>>)
      } else {
      }
      %dma_start3A_131 = arith.constant 0 : i32
      %dma_start3A_132 = arith.constant 0 : i32
      %dma_start3A_133 = arith.constant 0 : i32
      %dma_start3A_134 = tpu.memref_slice %arg7[%dma_start3A_132, %dma_start3A_133] : memref<10048x128xf32, #tpu.memory_space<vmem_shared>> -> memref<10048x128xf32, #tpu.memory_space<vmem_shared>>
      %dma_start3A_135 = tpu.memref_slice %arg17[%dma_start3A_131] : memref<2x!tpu.dma_semaphore, #tpu.memory_space<semaphore_mem>> -> memref<1x!tpu.dma_semaphore, #tpu.memory_space<semaphore_mem>>
      %dma_start3A_136 = tpu.memref_squeeze %dma_start3A_135 : memref<1x!tpu.dma_semaphore, #tpu.memory_space<semaphore_mem>> -> memref<!tpu.dma_semaphore, #tpu.memory_space<semaphore_mem>>
      tpu.enqueue_indirect_dma source(%arg14 : memref<128x128xf32, #tpu.memory_space<vmem>>) target(%dma_start3A_134 : memref<10048x128xf32, #tpu.memory_space<vmem_shared>>) offsets(%arg9 : memref<128xi32, #tpu.memory_space<vmem>>) semaphore(%dma_start3A_136 : memref<!tpu.dma_semaphore, #tpu.memory_space<semaphore_mem>>) {add = true}
      %dma_wait3A_137 = arith.constant 1 : i32
      %dma_wait3A_138 = arith.constant 0 : i32
      %dma_wait3A_139 = arith.constant 0 : i32
      %dma_wait3A_140 = tpu.memref_slice %arg2[%dma_wait3A_138, %dma_wait3A_139] : memref<10048x64xi32, #tpu.memory_space<hbm>> -> memref<10048x64xi32, #tpu.memory_space<hbm>>
      %dma_wait3A_141 = tpu.memref_slice %arg16[%dma_wait3A_137] : memref<2x!tpu.dma_semaphore, #tpu.memory_space<semaphore_mem>> -> memref<1x!tpu.dma_semaphore, #tpu.memory_space<semaphore_mem>>
      %dma_wait3A_142 = tpu.memref_squeeze %dma_wait3A_141 : memref<1x!tpu.dma_semaphore, #tpu.memory_space<semaphore_mem>> -> memref<!tpu.dma_semaphore, #tpu.memory_space<semaphore_mem>>
      tpu.wait_indirect_dma semaphore(%dma_wait3A_142 : memref<!tpu.dma_semaphore, #tpu.memory_space<semaphore_mem>>) src(%dma_wait3A_140 : memref<10048x64xi32, #tpu.memory_space<hbm>>) dst(%arg13 : memref<128x64xi32, #tpu.memory_space<vmem>>)
      %add3A_143 = arith.constant 2 : i32
      %add3A_144 = arith.addi %mul3A_85, %add3A_143 : i32
      %lt3A_145 = arith.constant 80 : i32
      %lt3A_146 = arith.cmpi slt, %add3A_144, %lt3A_145 : i32
      %convert_element_type3A_147 = arith.extui %lt3A_146 : i1 to i32
      %cond3A_148 = arith.constant 0 : i32
      %cond3A_149 = arith.cmpi ne, %convert_element_type3A_147, %cond3A_148 : i32
      scf.if %cond3A_149 {
        %dma_wait3A_176 = arith.constant 0 : i32
        %dma_wait3A_177 = arith.constant 0 : i32
        %dma_wait3A_178 = tpu.memref_slice %arg3[%mul3A_4, %dma_wait3A_177] : memref<2560x128xi32, #tpu.memory_space<hbm>> -> memref<1x128xi32, #tpu.memory_space<hbm>>
        %dma_wait3A_179 = tpu.memref_squeeze %dma_wait3A_178 : memref<1x128xi32, #tpu.memory_space<hbm>> -> memref<128xi32, #tpu.memory_space<hbm>>
        %dma_wait3A_180 = tpu.memref_slice %arg18[%dma_wait3A_176] : memref<2x!tpu.dma_semaphore, #tpu.memory_space<semaphore_mem>> -> memref<1x!tpu.dma_semaphore, #tpu.memory_space<semaphore_mem>>
        %dma_wait3A_181 = tpu.memref_squeeze %dma_wait3A_180 : memref<1x!tpu.dma_semaphore, #tpu.memory_space<semaphore_mem>> -> memref<!tpu.dma_semaphore, #tpu.memory_space<semaphore_mem>>
        %dma_wait3A_182 = arith.constant 0 : i32
        %dma_wait3A_183 = tpu.memref_slice %arg3[%mul3A_4, %dma_wait3A_182] : memref<2560x128xi32, #tpu.memory_space<hbm>> -> memref<1x128xi32, #tpu.memory_space<hbm>>
        %dma_wait3A_184 = tpu.memref_squeeze %dma_wait3A_183 : memref<1x128xi32, #tpu.memory_space<hbm>> -> memref<128xi32, #tpu.memory_space<hbm>>
        tpu.wait_dma2 semaphore(%dma_wait3A_181 : memref<!tpu.dma_semaphore, #tpu.memory_space<semaphore_mem>>) src(%dma_wait3A_184 : memref<128xi32, #tpu.memory_space<hbm>>) dst(%arg8 : memref<128xi32, #tpu.memory_space<vmem>>)
        %dma_wait3A_185 = arith.constant 0 : i32
        %dma_wait3A_186 = arith.constant 0 : i32
        %dma_wait3A_187 = tpu.memref_slice %arg4[%mul3A_4, %dma_wait3A_186] : memref<2560x128xi32, #tpu.memory_space<hbm>> -> memref<1x128xi32, #tpu.memory_space<hbm>>
        %dma_wait3A_188 = tpu.memref_squeeze %dma_wait3A_187 : memref<1x128xi32, #tpu.memory_space<hbm>> -> memref<128xi32, #tpu.memory_space<hbm>>
        %dma_wait3A_189 = tpu.memref_slice %arg18[%dma_wait3A_185] : memref<2x!tpu.dma_semaphore, #tpu.memory_space<semaphore_mem>> -> memref<1x!tpu.dma_semaphore, #tpu.memory_space<semaphore_mem>>
        %dma_wait3A_190 = tpu.memref_squeeze %dma_wait3A_189 : memref<1x!tpu.dma_semaphore, #tpu.memory_space<semaphore_mem>> -> memref<!tpu.dma_semaphore, #tpu.memory_space<semaphore_mem>>
        %dma_wait3A_191 = arith.constant 0 : i32
        %dma_wait3A_192 = tpu.memref_slice %arg4[%mul3A_4, %dma_wait3A_191] : memref<2560x128xi32, #tpu.memory_space<hbm>> -> memref<1x128xi32, #tpu.memory_space<hbm>>
        %dma_wait3A_193 = tpu.memref_squeeze %dma_wait3A_192 : memref<1x128xi32, #tpu.memory_space<hbm>> -> memref<128xi32, #tpu.memory_space<hbm>>
        tpu.wait_dma2 semaphore(%dma_wait3A_190 : memref<!tpu.dma_semaphore, #tpu.memory_space<semaphore_mem>>) src(%dma_wait3A_193 : memref<128xi32, #tpu.memory_space<hbm>>) dst(%arg9 : memref<128xi32, #tpu.memory_space<vmem>>)
        %dma_start3A_194 = arith.constant 0 : i32
        %dma_start3A_195 = arith.constant 0 : i32
        %dma_start3A_196 = arith.constant 0 : i32
        %dma_start3A_197 = tpu.memref_slice %arg2[%dma_start3A_195, %dma_start3A_196] : memref<10048x64xi32, #tpu.memory_space<hbm>> -> memref<10048x64xi32, #tpu.memory_space<hbm>>
        %dma_start3A_198 = tpu.memref_slice %arg16[%dma_start3A_194] : memref<2x!tpu.dma_semaphore, #tpu.memory_space<semaphore_mem>> -> memref<1x!tpu.dma_semaphore, #tpu.memory_space<semaphore_mem>>
        %dma_start3A_199 = tpu.memref_squeeze %dma_start3A_198 : memref<1x!tpu.dma_semaphore, #tpu.memory_space<semaphore_mem>> -> memref<!tpu.dma_semaphore, #tpu.memory_space<semaphore_mem>>
        tpu.enqueue_indirect_dma source(%dma_start3A_197 : memref<10048x64xi32, #tpu.memory_space<hbm>>) target(%arg12 : memref<128x64xi32, #tpu.memory_space<vmem>>) offsets(%arg8 : memref<128xi32, #tpu.memory_space<vmem>>) semaphore(%dma_start3A_199 : memref<!tpu.dma_semaphore, #tpu.memory_space<semaphore_mem>>)
      } else {
      }
      %scan3A_150 = arith.constant 0 : i32
      %scan3A_151 = arith.constant -65536 : i32
      %scan3A_152 = arith.constant 0 : i32
      %scan3A_153 = arith.constant 128 : i32
      %scan3A_154 = arith.addi %scan3A_152, %scan3A_153 : i32
      %scan3A_155 = arith.constant 4 : i32
      scf.for %scan3A_176 = %scan3A_152 to %scan3A_154 step %scan3A_155  : i32 {
        %get3A = arith.index_cast %scan3A_176 : i32 to index
        %get3A_177 = arith.constant 0 : index
        %get3A_178 = tpu.vector_load %arg13[%get3A, %get3A_177] {strides = array<i32>} : memref<128x64xi32, #tpu.memory_space<vmem>>, vector<16xi32>,
        %shift_left3A = arith.constant 16 : i32
        %shift_left3A_179 = vector.broadcast %shift_left3A : i32 to vector<16xi32>
        %shift_left3A_180 = arith.shli %get3A_178, %shift_left3A_179 : vector<16xi32>
        %bitcast3A = vector.bitcast %shift_left3A_180 : vector<16xi32> to vector<16xf32>
        %swap3A = arith.index_cast %scan3A_176 : i32 to index
        %swap3A_181 = arith.constant 0 : index
        %swap3A_182 = tpu.vector_load %arg15[%swap3A, %swap3A_181] {strides = array<i32>} : memref<128x128xf32, #tpu.memory_space<vmem>>, vector<16xf32>,
        tpu.vector_store %arg15[%swap3A, %swap3A_181], %bitcast3A {strides = array<i32>} : memref<128x128xf32, #tpu.memory_space<vmem>>, vector<16xf32>,
        %and3A = vector.broadcast %scan3A_151 : i32 to vector<16xi32>
        %and3A_183 = arith.andi %get3A_178, %and3A : vector<16xi32>
        %bitcast3A_184 = vector.bitcast %and3A_183 : vector<16xi32> to vector<16xf32>
        %swap3A_185 = arith.index_cast %scan3A_176 : i32 to index
        %swap3A_186 = arith.constant 64 : index
        %swap3A_187 = tpu.vector_load %arg15[%swap3A_185, %swap3A_186] {strides = array<i32>} : memref<128x128xf32, #tpu.memory_space<vmem>>, vector<16xf32>,
        tpu.vector_store %arg15[%swap3A_185, %swap3A_186], %bitcast3A_184 {strides = array<i32>} : memref<128x128xf32, #tpu.memory_space<vmem>>, vector<16xf32>,
        %get3A_188 = arith.index_cast %scan3A_176 : i32 to index
        %get3A_189 = arith.constant 16 : index
        %get3A_190 = tpu.vector_load %arg13[%get3A_188, %get3A_189] {strides = array<i32>} : memref<128x64xi32, #tpu.memory_space<vmem>>, vector<16xi32>,
        %shift_left3A_191 = arith.constant 16 : i32
        %shift_left3A_192 = vector.broadcast %shift_left3A_191 : i32 to vector<16xi32>
        %shift_left3A_193 = arith.shli %get3A_190, %shift_left3A_192 : vector<16xi32>
        %bitcast3A_194 = vector.bitcast %shift_left3A_193 : vector<16xi32> to vector<16xf32>
        %swap3A_195 = arith.index_cast %scan3A_176 : i32 to index
        %swap3A_196 = arith.constant 16 : index
        %swap3A_197 = tpu.vector_load %arg15[%swap3A_195, %swap3A_196] {strides = array<i32>} : memref<128x128xf32, #tpu.memory_space<vmem>>, vector<16xf32>,
        tpu.vector_store %arg15[%swap3A_195, %swap3A_196], %bitcast3A_194 {strides = array<i32>} : memref<128x128xf32, #tpu.memory_space<vmem>>, vector<16xf32>,
        %and3A_198 = vector.broadcast %scan3A_151 : i32 to vector<16xi32>
        %and3A_199 = arith.andi %get3A_190, %and3A_198 : vector<16xi32>
        %bitcast3A_200 = vector.bitcast %and3A_199 : vector<16xi32> to vector<16xf32>
        %swap3A_201 = arith.index_cast %scan3A_176 : i32 to index
        %swap3A_202 = arith.constant 80 : index
        %swap3A_203 = tpu.vector_load %arg15[%swap3A_201, %swap3A_202] {strides = array<i32>} : memref<128x128xf32, #tpu.memory_space<vmem>>, vector<16xf32>,
        tpu.vector_store %arg15[%swap3A_201, %swap3A_202], %bitcast3A_200 {strides = array<i32>} : memref<128x128xf32, #tpu.memory_space<vmem>>, vector<16xf32>,
        %get3A_204 = arith.index_cast %scan3A_176 : i32 to index
        %get3A_205 = arith.constant 32 : index
        %get3A_206 = tpu.vector_load %arg13[%get3A_204, %get3A_205] {strides = array<i32>} : memref<128x64xi32, #tpu.memory_space<vmem>>, vector<16xi32>,
        %shift_left3A_207 = arith.constant 16 : i32
        %shift_left3A_208 = vector.broadcast %shift_left3A_207 : i32 to vector<16xi32>
        %shift_left3A_209 = arith.shli %get3A_206, %shift_left3A_208 : vector<16xi32>
        %bitcast3A_210 = vector.bitcast %shift_left3A_209 : vector<16xi32> to vector<16xf32>
        %swap3A_211 = arith.index_cast %scan3A_176 : i32 to index
        %swap3A_212 = arith.constant 32 : index
        %swap3A_213 = tpu.vector_load %arg15[%swap3A_211, %swap3A_212] {strides = array<i32>} : memref<128x128xf32, #tpu.memory_space<vmem>>, vector<16xf32>,
        tpu.vector_store %arg15[%swap3A_211, %swap3A_212], %bitcast3A_210 {strides = array<i32>} : memref<128x128xf32, #tpu.memory_space<vmem>>, vector<16xf32>,
        %and3A_214 = vector.broadcast %scan3A_151 : i32 to vector<16xi32>
        %and3A_215 = arith.andi %get3A_206, %and3A_214 : vector<16xi32>
        %bitcast3A_216 = vector.bitcast %and3A_215 : vector<16xi32> to vector<16xf32>
        %swap3A_217 = arith.index_cast %scan3A_176 : i32 to index
        %swap3A_218 = arith.constant 96 : index
        %swap3A_219 = tpu.vector_load %arg15[%swap3A_217, %swap3A_218] {strides = array<i32>} : memref<128x128xf32, #tpu.memory_space<vmem>>, vector<16xf32>,
        tpu.vector_store %arg15[%swap3A_217, %swap3A_218], %bitcast3A_216 {strides = array<i32>} : memref<128x128xf32, #tpu.memory_space<vmem>>, vector<16xf32>,
        %get3A_220 = arith.index_cast %scan3A_176 : i32 to index
        %get3A_221 = arith.constant 48 : index
        %get3A_222 = tpu.vector_load %arg13[%get3A_220, %get3A_221] {strides = array<i32>} : memref<128x64xi32, #tpu.memory_space<vmem>>, vector<16xi32>,
        %shift_left3A_223 = arith.constant 16 : i32
        %shift_left3A_224 = vector.broadcast %shift_left3A_223 : i32 to vector<16xi32>
        %shift_left3A_225 = arith.shli %get3A_222, %shift_left3A_224 : vector<16xi32>
        %bitcast3A_226 = vector.bitcast %shift_left3A_225 : vector<16xi32> to vector<16xf32>
        %swap3A_227 = arith.index_cast %scan3A_176 : i32 to index
        %swap3A_228 = arith.constant 48 : index
        %swap3A_229 = tpu.vector_load %arg15[%swap3A_227, %swap3A_228] {strides = array<i32>} : memref<128x128xf32, #tpu.memory_space<vmem>>, vector<16xf32>,
        tpu.vector_store %arg15[%swap3A_227, %swap3A_228], %bitcast3A_226 {strides = array<i32>} : memref<128x128xf32, #tpu.memory_space<vmem>>, vector<16xf32>,
        %and3A_230 = vector.broadcast %scan3A_151 : i32 to vector<16xi32>
        %and3A_231 = arith.andi %get3A_222, %and3A_230 : vector<16xi32>
        %bitcast3A_232 = vector.bitcast %and3A_231 : vector<16xi32> to vector<16xf32>
        %swap3A_233 = arith.index_cast %scan3A_176 : i32 to index
        %swap3A_234 = arith.constant 112 : index
        %swap3A_235 = tpu.vector_load %arg15[%swap3A_233, %swap3A_234] {strides = array<i32>} : memref<128x128xf32, #tpu.memory_space<vmem>>, vector<16xf32>,
        tpu.vector_store %arg15[%swap3A_233, %swap3A_234], %bitcast3A_232 {strides = array<i32>} : memref<128x128xf32, #tpu.memory_space<vmem>>, vector<16xf32>,
        %scan3A_236 = arith.constant 1 : i32
        %scan3A_237 = arith.addi %scan3A_176, %scan3A_236 : i32
        %get3A_238 = arith.index_cast %scan3A_237 : i32 to index
        %get3A_239 = arith.constant 0 : index
        %get3A_240 = tpu.vector_load %arg13[%get3A_238, %get3A_239] {strides = array<i32>} : memref<128x64xi32, #tpu.memory_space<vmem>>, vector<16xi32>,
        %shift_left3A_241 = arith.constant 16 : i32
        %shift_left3A_242 = vector.broadcast %shift_left3A_241 : i32 to vector<16xi32>
        %shift_left3A_243 = arith.shli %get3A_240, %shift_left3A_242 : vector<16xi32>
        %bitcast3A_244 = vector.bitcast %shift_left3A_243 : vector<16xi32> to vector<16xf32>
        %swap3A_245 = arith.index_cast %scan3A_237 : i32 to index
        %swap3A_246 = arith.constant 0 : index
        %swap3A_247 = tpu.vector_load %arg15[%swap3A_245, %swap3A_246] {strides = array<i32>} : memref<128x128xf32, #tpu.memory_space<vmem>>, vector<16xf32>,
        tpu.vector_store %arg15[%swap3A_245, %swap3A_246], %bitcast3A_244 {strides = array<i32>} : memref<128x128xf32, #tpu.memory_space<vmem>>, vector<16xf32>,
        %and3A_248 = vector.broadcast %scan3A_151 : i32 to vector<16xi32>
        %and3A_249 = arith.andi %get3A_240, %and3A_248 : vector<16xi32>
        %bitcast3A_250 = vector.bitcast %and3A_249 : vector<16xi32> to vector<16xf32>
        %swap3A_251 = arith.index_cast %scan3A_237 : i32 to index
        %swap3A_252 = arith.constant 64 : index
        %swap3A_253 = tpu.vector_load %arg15[%swap3A_251, %swap3A_252] {strides = array<i32>} : memref<128x128xf32, #tpu.memory_space<vmem>>, vector<16xf32>,
        tpu.vector_store %arg15[%swap3A_251, %swap3A_252], %bitcast3A_250 {strides = array<i32>} : memref<128x128xf32, #tpu.memory_space<vmem>>, vector<16xf32>,
        %get3A_254 = arith.index_cast %scan3A_237 : i32 to index
        %get3A_255 = arith.constant 16 : index
        %get3A_256 = tpu.vector_load %arg13[%get3A_254, %get3A_255] {strides = array<i32>} : memref<128x64xi32, #tpu.memory_space<vmem>>, vector<16xi32>,
        %shift_left3A_257 = arith.constant 16 : i32
        %shift_left3A_258 = vector.broadcast %shift_left3A_257 : i32 to vector<16xi32>
        %shift_left3A_259 = arith.shli %get3A_256, %shift_left3A_258 : vector<16xi32>
        %bitcast3A_260 = vector.bitcast %shift_left3A_259 : vector<16xi32> to vector<16xf32>
        %swap3A_261 = arith.index_cast %scan3A_237 : i32 to index
        %swap3A_262 = arith.constant 16 : index
        %swap3A_263 = tpu.vector_load %arg15[%swap3A_261, %swap3A_262] {strides = array<i32>} : memref<128x128xf32, #tpu.memory_space<vmem>>, vector<16xf32>,
        tpu.vector_store %arg15[%swap3A_261, %swap3A_262], %bitcast3A_260 {strides = array<i32>} : memref<128x128xf32, #tpu.memory_space<vmem>>, vector<16xf32>,
        %and3A_264 = vector.broadcast %scan3A_151 : i32 to vector<16xi32>
        %and3A_265 = arith.andi %get3A_256, %and3A_264 : vector<16xi32>
        %bitcast3A_266 = vector.bitcast %and3A_265 : vector<16xi32> to vector<16xf32>
        %swap3A_267 = arith.index_cast %scan3A_237 : i32 to index
        %swap3A_268 = arith.constant 80 : index
        %swap3A_269 = tpu.vector_load %arg15[%swap3A_267, %swap3A_268] {strides = array<i32>} : memref<128x128xf32, #tpu.memory_space<vmem>>, vector<16xf32>,
        tpu.vector_store %arg15[%swap3A_267, %swap3A_268], %bitcast3A_266 {strides = array<i32>} : memref<128x128xf32, #tpu.memory_space<vmem>>, vector<16xf32>,
        %get3A_270 = arith.index_cast %scan3A_237 : i32 to index
        %get3A_271 = arith.constant 32 : index
        %get3A_272 = tpu.vector_load %arg13[%get3A_270, %get3A_271] {strides = array<i32>} : memref<128x64xi32, #tpu.memory_space<vmem>>, vector<16xi32>,
        %shift_left3A_273 = arith.constant 16 : i32
        %shift_left3A_274 = vector.broadcast %shift_left3A_273 : i32 to vector<16xi32>
        %shift_left3A_275 = arith.shli %get3A_272, %shift_left3A_274 : vector<16xi32>
        %bitcast3A_276 = vector.bitcast %shift_left3A_275 : vector<16xi32> to vector<16xf32>
        %swap3A_277 = arith.index_cast %scan3A_237 : i32 to index
        %swap3A_278 = arith.constant 32 : index
        %swap3A_279 = tpu.vector_load %arg15[%swap3A_277, %swap3A_278] {strides = array<i32>} : memref<128x128xf32, #tpu.memory_space<vmem>>, vector<16xf32>,
        tpu.vector_store %arg15[%swap3A_277, %swap3A_278], %bitcast3A_276 {strides = array<i32>} : memref<128x128xf32, #tpu.memory_space<vmem>>, vector<16xf32>,
        %and3A_280 = vector.broadcast %scan3A_151 : i32 to vector<16xi32>
        %and3A_281 = arith.andi %get3A_272, %and3A_280 : vector<16xi32>
        %bitcast3A_282 = vector.bitcast %and3A_281 : vector<16xi32> to vector<16xf32>
        %swap3A_283 = arith.index_cast %scan3A_237 : i32 to index
        %swap3A_284 = arith.constant 96 : index
        %swap3A_285 = tpu.vector_load %arg15[%swap3A_283, %swap3A_284] {strides = array<i32>} : memref<128x128xf32, #tpu.memory_space<vmem>>, vector<16xf32>,
        tpu.vector_store %arg15[%swap3A_283, %swap3A_284], %bitcast3A_282 {strides = array<i32>} : memref<128x128xf32, #tpu.memory_space<vmem>>, vector<16xf32>,
        %get3A_286 = arith.index_cast %scan3A_237 : i32 to index
        %get3A_287 = arith.constant 48 : index
        %get3A_288 = tpu.vector_load %arg13[%get3A_286, %get3A_287] {strides = array<i32>} : memref<128x64xi32, #tpu.memory_space<vmem>>, vector<16xi32>,
        %shift_left3A_289 = arith.constant 16 : i32
        %shift_left3A_290 = vector.broadcast %shift_left3A_289 : i32 to vector<16xi32>
        %shift_left3A_291 = arith.shli %get3A_288, %shift_left3A_290 : vector<16xi32>
        %bitcast3A_292 = vector.bitcast %shift_left3A_291 : vector<16xi32> to vector<16xf32>
        %swap3A_293 = arith.index_cast %scan3A_237 : i32 to index
        %swap3A_294 = arith.constant 48 : index
        %swap3A_295 = tpu.vector_load %arg15[%swap3A_293, %swap3A_294] {strides = array<i32>} : memref<128x128xf32, #tpu.memory_space<vmem>>, vector<16xf32>,
        tpu.vector_store %arg15[%swap3A_293, %swap3A_294], %bitcast3A_292 {strides = array<i32>} : memref<128x128xf32, #tpu.memory_space<vmem>>, vector<16xf32>,
        %and3A_296 = vector.broadcast %scan3A_151 : i32 to vector<16xi32>
        %and3A_297 = arith.andi %get3A_288, %and3A_296 : vector<16xi32>
        %bitcast3A_298 = vector.bitcast %and3A_297 : vector<16xi32> to vector<16xf32>
        %swap3A_299 = arith.index_cast %scan3A_237 : i32 to index
        %swap3A_300 = arith.constant 112 : index
        %swap3A_301 = tpu.vector_load %arg15[%swap3A_299, %swap3A_300] {strides = array<i32>} : memref<128x128xf32, #tpu.memory_space<vmem>>, vector<16xf32>,
        tpu.vector_store %arg15[%swap3A_299, %swap3A_300], %bitcast3A_298 {strides = array<i32>} : memref<128x128xf32, #tpu.memory_space<vmem>>, vector<16xf32>,
        %scan3A_302 = arith.constant 2 : i32
        %scan3A_303 = arith.addi %scan3A_176, %scan3A_302 : i32
        %get3A_304 = arith.index_cast %scan3A_303 : i32 to index
        %get3A_305 = arith.constant 0 : index
        %get3A_306 = tpu.vector_load %arg13[%get3A_304, %get3A_305] {strides = array<i32>} : memref<128x64xi32, #tpu.memory_space<vmem>>, vector<16xi32>,
        %shift_left3A_307 = arith.constant 16 : i32
        %shift_left3A_308 = vector.broadcast %shift_left3A_307 : i32 to vector<16xi32>
        %shift_left3A_309 = arith.shli %get3A_306, %shift_left3A_308 : vector<16xi32>
        %bitcast3A_310 = vector.bitcast %shift_left3A_309 : vector<16xi32> to vector<16xf32>
        %swap3A_311 = arith.index_cast %scan3A_303 : i32 to index
        %swap3A_312 = arith.constant 0 : index
        %swap3A_313 = tpu.vector_load %arg15[%swap3A_311, %swap3A_312] {strides = array<i32>} : memref<128x128xf32, #tpu.memory_space<vmem>>, vector<16xf32>,
        tpu.vector_store %arg15[%swap3A_311, %swap3A_312], %bitcast3A_310 {strides = array<i32>} : memref<128x128xf32, #tpu.memory_space<vmem>>, vector<16xf32>,
        %and3A_314 = vector.broadcast %scan3A_151 : i32 to vector<16xi32>
        %and3A_315 = arith.andi %get3A_306, %and3A_314 : vector<16xi32>
        %bitcast3A_316 = vector.bitcast %and3A_315 : vector<16xi32> to vector<16xf32>
        %swap3A_317 = arith.index_cast %scan3A_303 : i32 to index
        %swap3A_318 = arith.constant 64 : index
        %swap3A_319 = tpu.vector_load %arg15[%swap3A_317, %swap3A_318] {strides = array<i32>} : memref<128x128xf32, #tpu.memory_space<vmem>>, vector<16xf32>,
        tpu.vector_store %arg15[%swap3A_317, %swap3A_318], %bitcast3A_316 {strides = array<i32>} : memref<128x128xf32, #tpu.memory_space<vmem>>, vector<16xf32>,
        %get3A_320 = arith.index_cast %scan3A_303 : i32 to index
        %get3A_321 = arith.constant 16 : index
        %get3A_322 = tpu.vector_load %arg13[%get3A_320, %get3A_321] {strides = array<i32>} : memref<128x64xi32, #tpu.memory_space<vmem>>, vector<16xi32>,
        %shift_left3A_323 = arith.constant 16 : i32
        %shift_left3A_324 = vector.broadcast %shift_left3A_323 : i32 to vector<16xi32>
        %shift_left3A_325 = arith.shli %get3A_322, %shift_left3A_324 : vector<16xi32>
        %bitcast3A_326 = vector.bitcast %shift_left3A_325 : vector<16xi32> to vector<16xf32>
        %swap3A_327 = arith.index_cast %scan3A_303 : i32 to index
        %swap3A_328 = arith.constant 16 : index
        %swap3A_329 = tpu.vector_load %arg15[%swap3A_327, %swap3A_328] {strides = array<i32>} : memref<128x128xf32, #tpu.memory_space<vmem>>, vector<16xf32>,
        tpu.vector_store %arg15[%swap3A_327, %swap3A_328], %bitcast3A_326 {strides = array<i32>} : memref<128x128xf32, #tpu.memory_space<vmem>>, vector<16xf32>,
        %and3A_330 = vector.broadcast %scan3A_151 : i32 to vector<16xi32>
        %and3A_331 = arith.andi %get3A_322, %and3A_330 : vector<16xi32>
        %bitcast3A_332 = vector.bitcast %and3A_331 : vector<16xi32> to vector<16xf32>
        %swap3A_333 = arith.index_cast %scan3A_303 : i32 to index
        %swap3A_334 = arith.constant 80 : index
        %swap3A_335 = tpu.vector_load %arg15[%swap3A_333, %swap3A_334] {strides = array<i32>} : memref<128x128xf32, #tpu.memory_space<vmem>>, vector<16xf32>,
        tpu.vector_store %arg15[%swap3A_333, %swap3A_334], %bitcast3A_332 {strides = array<i32>} : memref<128x128xf32, #tpu.memory_space<vmem>>, vector<16xf32>,
        %get3A_336 = arith.index_cast %scan3A_303 : i32 to index
        %get3A_337 = arith.constant 32 : index
        %get3A_338 = tpu.vector_load %arg13[%get3A_336, %get3A_337] {strides = array<i32>} : memref<128x64xi32, #tpu.memory_space<vmem>>, vector<16xi32>,
        %shift_left3A_339 = arith.constant 16 : i32
        %shift_left3A_340 = vector.broadcast %shift_left3A_339 : i32 to vector<16xi32>
        %shift_left3A_341 = arith.shli %get3A_338, %shift_left3A_340 : vector<16xi32>
        %bitcast3A_342 = vector.bitcast %shift_left3A_341 : vector<16xi32> to vector<16xf32>
        %swap3A_343 = arith.index_cast %scan3A_303 : i32 to index
        %swap3A_344 = arith.constant 32 : index
        %swap3A_345 = tpu.vector_load %arg15[%swap3A_343, %swap3A_344] {strides = array<i32>} : memref<128x128xf32, #tpu.memory_space<vmem>>, vector<16xf32>,
        tpu.vector_store %arg15[%swap3A_343, %swap3A_344], %bitcast3A_342 {strides = array<i32>} : memref<128x128xf32, #tpu.memory_space<vmem>>, vector<16xf32>,
        %and3A_346 = vector.broadcast %scan3A_151 : i32 to vector<16xi32>
        %and3A_347 = arith.andi %get3A_338, %and3A_346 : vector<16xi32>
        %bitcast3A_348 = vector.bitcast %and3A_347 : vector<16xi32> to vector<16xf32>
        %swap3A_349 = arith.index_cast %scan3A_303 : i32 to index
        %swap3A_350 = arith.constant 96 : index
        %swap3A_351 = tpu.vector_load %arg15[%swap3A_349, %swap3A_350] {strides = array<i32>} : memref<128x128xf32, #tpu.memory_space<vmem>>, vector<16xf32>,
        tpu.vector_store %arg15[%swap3A_349, %swap3A_350], %bitcast3A_348 {strides = array<i32>} : memref<128x128xf32, #tpu.memory_space<vmem>>, vector<16xf32>,
        %get3A_352 = arith.index_cast %scan3A_303 : i32 to index
        %get3A_353 = arith.constant 48 : index
        %get3A_354 = tpu.vector_load %arg13[%get3A_352, %get3A_353] {strides = array<i32>} : memref<128x64xi32, #tpu.memory_space<vmem>>, vector<16xi32>,
        %shift_left3A_355 = arith.constant 16 : i32
        %shift_left3A_356 = vector.broadcast %shift_left3A_355 : i32 to vector<16xi32>
        %shift_left3A_357 = arith.shli %get3A_354, %shift_left3A_356 : vector<16xi32>
        %bitcast3A_358 = vector.bitcast %shift_left3A_357 : vector<16xi32> to vector<16xf32>
        %swap3A_359 = arith.index_cast %scan3A_303 : i32 to index
        %swap3A_360 = arith.constant 48 : index
        %swap3A_361 = tpu.vector_load %arg15[%swap3A_359, %swap3A_360] {strides = array<i32>} : memref<128x128xf32, #tpu.memory_space<vmem>>, vector<16xf32>,
        tpu.vector_store %arg15[%swap3A_359, %swap3A_360], %bitcast3A_358 {strides = array<i32>} : memref<128x128xf32, #tpu.memory_space<vmem>>, vector<16xf32>,
        %and3A_362 = vector.broadcast %scan3A_151 : i32 to vector<16xi32>
        %and3A_363 = arith.andi %get3A_354, %and3A_362 : vector<16xi32>
        %bitcast3A_364 = vector.bitcast %and3A_363 : vector<16xi32> to vector<16xf32>
        %swap3A_365 = arith.index_cast %scan3A_303 : i32 to index
        %swap3A_366 = arith.constant 112 : index
        %swap3A_367 = tpu.vector_load %arg15[%swap3A_365, %swap3A_366] {strides = array<i32>} : memref<128x128xf32, #tpu.memory_space<vmem>>, vector<16xf32>,
        tpu.vector_store %arg15[%swap3A_365, %swap3A_366], %bitcast3A_364 {strides = array<i32>} : memref<128x128xf32, #tpu.memory_space<vmem>>, vector<16xf32>,
        %scan3A_368 = arith.constant 3 : i32
        %scan3A_369 = arith.addi %scan3A_176, %scan3A_368 : i32
        %get3A_370 = arith.index_cast %scan3A_369 : i32 to index
        %get3A_371 = arith.constant 0 : index
        %get3A_372 = tpu.vector_load %arg13[%get3A_370, %get3A_371] {strides = array<i32>} : memref<128x64xi32, #tpu.memory_space<vmem>>, vector<16xi32>,
        %shift_left3A_373 = arith.constant 16 : i32
        %shift_left3A_374 = vector.broadcast %shift_left3A_373 : i32 to vector<16xi32>
        %shift_left3A_375 = arith.shli %get3A_372, %shift_left3A_374 : vector<16xi32>
        %bitcast3A_376 = vector.bitcast %shift_left3A_375 : vector<16xi32> to vector<16xf32>
        %swap3A_377 = arith.index_cast %scan3A_369 : i32 to index
        %swap3A_378 = arith.constant 0 : index
        %swap3A_379 = tpu.vector_load %arg15[%swap3A_377, %swap3A_378] {strides = array<i32>} : memref<128x128xf32, #tpu.memory_space<vmem>>, vector<16xf32>,
        tpu.vector_store %arg15[%swap3A_377, %swap3A_378], %bitcast3A_376 {strides = array<i32>} : memref<128x128xf32, #tpu.memory_space<vmem>>, vector<16xf32>,
        %and3A_380 = vector.broadcast %scan3A_151 : i32 to vector<16xi32>
        %and3A_381 = arith.andi %get3A_372, %and3A_380 : vector<16xi32>
        %bitcast3A_382 = vector.bitcast %and3A_381 : vector<16xi32> to vector<16xf32>
        %swap3A_383 = arith.index_cast %scan3A_369 : i32 to index
        %swap3A_384 = arith.constant 64 : index
        %swap3A_385 = tpu.vector_load %arg15[%swap3A_383, %swap3A_384] {strides = array<i32>} : memref<128x128xf32, #tpu.memory_space<vmem>>, vector<16xf32>,
        tpu.vector_store %arg15[%swap3A_383, %swap3A_384], %bitcast3A_382 {strides = array<i32>} : memref<128x128xf32, #tpu.memory_space<vmem>>, vector<16xf32>,
        %get3A_386 = arith.index_cast %scan3A_369 : i32 to index
        %get3A_387 = arith.constant 16 : index
        %get3A_388 = tpu.vector_load %arg13[%get3A_386, %get3A_387] {strides = array<i32>} : memref<128x64xi32, #tpu.memory_space<vmem>>, vector<16xi32>,
        %shift_left3A_389 = arith.constant 16 : i32
        %shift_left3A_390 = vector.broadcast %shift_left3A_389 : i32 to vector<16xi32>
        %shift_left3A_391 = arith.shli %get3A_388, %shift_left3A_390 : vector<16xi32>
        %bitcast3A_392 = vector.bitcast %shift_left3A_391 : vector<16xi32> to vector<16xf32>
        %swap3A_393 = arith.index_cast %scan3A_369 : i32 to index
        %swap3A_394 = arith.constant 16 : index
        %swap3A_395 = tpu.vector_load %arg15[%swap3A_393, %swap3A_394] {strides = array<i32>} : memref<128x128xf32, #tpu.memory_space<vmem>>, vector<16xf32>,
        tpu.vector_store %arg15[%swap3A_393, %swap3A_394], %bitcast3A_392 {strides = array<i32>} : memref<128x128xf32, #tpu.memory_space<vmem>>, vector<16xf32>,
        %and3A_396 = vector.broadcast %scan3A_151 : i32 to vector<16xi32>
        %and3A_397 = arith.andi %get3A_388, %and3A_396 : vector<16xi32>
        %bitcast3A_398 = vector.bitcast %and3A_397 : vector<16xi32> to vector<16xf32>
        %swap3A_399 = arith.index_cast %scan3A_369 : i32 to index
        %swap3A_400 = arith.constant 80 : index
        %swap3A_401 = tpu.vector_load %arg15[%swap3A_399, %swap3A_400] {strides = array<i32>} : memref<128x128xf32, #tpu.memory_space<vmem>>, vector<16xf32>,
        tpu.vector_store %arg15[%swap3A_399, %swap3A_400], %bitcast3A_398 {strides = array<i32>} : memref<128x128xf32, #tpu.memory_space<vmem>>, vector<16xf32>,
        %get3A_402 = arith.index_cast %scan3A_369 : i32 to index
        %get3A_403 = arith.constant 32 : index
        %get3A_404 = tpu.vector_load %arg13[%get3A_402, %get3A_403] {strides = array<i32>} : memref<128x64xi32, #tpu.memory_space<vmem>>, vector<16xi32>,
        %shift_left3A_405 = arith.constant 16 : i32
        %shift_left3A_406 = vector.broadcast %shift_left3A_405 : i32 to vector<16xi32>
        %shift_left3A_407 = arith.shli %get3A_404, %shift_left3A_406 : vector<16xi32>
        %bitcast3A_408 = vector.bitcast %shift_left3A_407 : vector<16xi32> to vector<16xf32>
        %swap3A_409 = arith.index_cast %scan3A_369 : i32 to index
        %swap3A_410 = arith.constant 32 : index
        %swap3A_411 = tpu.vector_load %arg15[%swap3A_409, %swap3A_410] {strides = array<i32>} : memref<128x128xf32, #tpu.memory_space<vmem>>, vector<16xf32>,
        tpu.vector_store %arg15[%swap3A_409, %swap3A_410], %bitcast3A_408 {strides = array<i32>} : memref<128x128xf32, #tpu.memory_space<vmem>>, vector<16xf32>,
        %and3A_412 = vector.broadcast %scan3A_151 : i32 to vector<16xi32>
        %and3A_413 = arith.andi %get3A_404, %and3A_412 : vector<16xi32>
        %bitcast3A_414 = vector.bitcast %and3A_413 : vector<16xi32> to vector<16xf32>
        %swap3A_415 = arith.index_cast %scan3A_369 : i32 to index
        %swap3A_416 = arith.constant 96 : index
        %swap3A_417 = tpu.vector_load %arg15[%swap3A_415, %swap3A_416] {strides = array<i32>} : memref<128x128xf32, #tpu.memory_space<vmem>>, vector<16xf32>,
        tpu.vector_store %arg15[%swap3A_415, %swap3A_416], %bitcast3A_414 {strides = array<i32>} : memref<128x128xf32, #tpu.memory_space<vmem>>, vector<16xf32>,
        %get3A_418 = arith.index_cast %scan3A_369 : i32 to index
        %get3A_419 = arith.constant 48 : index
        %get3A_420 = tpu.vector_load %arg13[%get3A_418, %get3A_419] {strides = array<i32>} : memref<128x64xi32, #tpu.memory_space<vmem>>, vector<16xi32>,
        %shift_left3A_421 = arith.constant 16 : i32
        %shift_left3A_422 = vector.broadcast %shift_left3A_421 : i32 to vector<16xi32>
        %shift_left3A_423 = arith.shli %get3A_420, %shift_left3A_422 : vector<16xi32>
        %bitcast3A_424 = vector.bitcast %shift_left3A_423 : vector<16xi32> to vector<16xf32>
        %swap3A_425 = arith.index_cast %scan3A_369 : i32 to index
        %swap3A_426 = arith.constant 48 : index
        %swap3A_427 = tpu.vector_load %arg15[%swap3A_425, %swap3A_426] {strides = array<i32>} : memref<128x128xf32, #tpu.memory_space<vmem>>, vector<16xf32>,
        tpu.vector_store %arg15[%swap3A_425, %swap3A_426], %bitcast3A_424 {strides = array<i32>} : memref<128x128xf32, #tpu.memory_space<vmem>>, vector<16xf32>,
        %and3A_428 = vector.broadcast %scan3A_151 : i32 to vector<16xi32>
        %and3A_429 = arith.andi %get3A_420, %and3A_428 : vector<16xi32>
        %bitcast3A_430 = vector.bitcast %and3A_429 : vector<16xi32> to vector<16xf32>
        %swap3A_431 = arith.index_cast %scan3A_369 : i32 to index
        %swap3A_432 = arith.constant 112 : index
        %swap3A_433 = tpu.vector_load %arg15[%swap3A_431, %swap3A_432] {strides = array<i32>} : memref<128x128xf32, #tpu.memory_space<vmem>>, vector<16xf32>,
        tpu.vector_store %arg15[%swap3A_431, %swap3A_432], %bitcast3A_430 {strides = array<i32>} : memref<128x128xf32, #tpu.memory_space<vmem>>, vector<16xf32>,
      }
      %scan3A_156 = arith.constant 128 : i32
      %dma_wait3A_157 = arith.constant 0 : i32
      %dma_wait3A_158 = arith.constant 0 : i32
      %dma_wait3A_159 = arith.constant 0 : i32
      %dma_wait3A_160 = tpu.memref_slice %arg7[%dma_wait3A_158, %dma_wait3A_159] : memref<10048x128xf32, #tpu.memory_space<vmem_shared>> -> memref<10048x128xf32, #tpu.memory_space<vmem_shared>>
      %dma_wait3A_161 = tpu.memref_slice %arg17[%dma_wait3A_157] : memref<2x!tpu.dma_semaphore, #tpu.memory_space<semaphore_mem>> -> memref<1x!tpu.dma_semaphore, #tpu.memory_space<semaphore_mem>>
      %dma_wait3A_162 = tpu.memref_squeeze %dma_wait3A_161 : memref<1x!tpu.dma_semaphore, #tpu.memory_space<semaphore_mem>> -> memref<!tpu.dma_semaphore, #tpu.memory_space<semaphore_mem>>
      tpu.wait_indirect_dma semaphore(%dma_wait3A_162 : memref<!tpu.dma_semaphore, #tpu.memory_space<semaphore_mem>>) src(%arg14 : memref<128x128xf32, #tpu.memory_space<vmem>>) dst(%dma_wait3A_160 : memref<10048x128xf32, #tpu.memory_space<vmem_shared>>)
      %add3A_163 = arith.constant 3 : i32
      %add3A_164 = arith.addi %mul3A_85, %add3A_163 : i32
      %lt3A_165 = arith.constant 80 : i32
      %lt3A_166 = arith.cmpi slt, %add3A_164, %lt3A_165 : i32
      %convert_element_type3A_167 = arith.extui %lt3A_166 : i1 to i32
      %cond3A_168 = arith.constant 0 : i32
      %cond3A_169 = arith.cmpi ne, %convert_element_type3A_167, %cond3A_168 : i32
      scf.if %cond3A_169 {
        %add3A_176 = arith.constant 3 : i32
        %add3A_177 = arith.addi %mul3A_85, %add3A_176 : i32
        %add3A_178 = arith.addi %mul3A_4, %add3A_177 : i32
        %dma_start3A_179 = arith.constant 1 : i32
        %dma_start3A_180 = arith.constant 0 : i32
        %dma_start3A_181 = tpu.memref_slice %arg3[%add3A_178, %dma_start3A_180] : memref<2560x128xi32, #tpu.memory_space<hbm>> -> memref<1x128xi32, #tpu.memory_space<hbm>>
        %dma_start3A_182 = tpu.memref_squeeze %dma_start3A_181 : memref<1x128xi32, #tpu.memory_space<hbm>> -> memref<128xi32, #tpu.memory_space<hbm>>
        %dma_start3A_183 = tpu.memref_slice %arg18[%dma_start3A_179] : memref<2x!tpu.dma_semaphore, #tpu.memory_space<semaphore_mem>> -> memref<1x!tpu.dma_semaphore, #tpu.memory_space<semaphore_mem>>
        %dma_start3A_184 = tpu.memref_squeeze %dma_start3A_183 : memref<1x!tpu.dma_semaphore, #tpu.memory_space<semaphore_mem>> -> memref<!tpu.dma_semaphore, #tpu.memory_space<semaphore_mem>>
        %dma_start3A_185 = arith.constant 0 : i32
        %dma_start3A_186 = tpu.memref_slice %arg3[%add3A_178, %dma_start3A_185] : memref<2560x128xi32, #tpu.memory_space<hbm>> -> memref<1x128xi32, #tpu.memory_space<hbm>>
        %dma_start3A_187 = tpu.memref_squeeze %dma_start3A_186 : memref<1x128xi32, #tpu.memory_space<hbm>> -> memref<128xi32, #tpu.memory_space<hbm>>
        tpu.enqueue_dma source(%dma_start3A_187 : memref<128xi32, #tpu.memory_space<hbm>>) target(%arg10 : memref<128xi32, #tpu.memory_space<vmem>>) target_semaphore(%dma_start3A_184 : memref<!tpu.dma_semaphore, #tpu.memory_space<semaphore_mem>>)
        %add3A_188 = arith.addi %mul3A_4, %add3A_177 : i32
        %dma_start3A_189 = arith.constant 1 : i32
        %dma_start3A_190 = arith.constant 0 : i32
        %dma_start3A_191 = tpu.memref_slice %arg4[%add3A_188, %dma_start3A_190] : memref<2560x128xi32, #tpu.memory_space<hbm>> -> memref<1x128xi32, #tpu.memory_space<hbm>>
        %dma_start3A_192 = tpu.memref_squeeze %dma_start3A_191 : memref<1x128xi32, #tpu.memory_space<hbm>> -> memref<128xi32, #tpu.memory_space<hbm>>
        %dma_start3A_193 = tpu.memref_slice %arg18[%dma_start3A_189] : memref<2x!tpu.dma_semaphore, #tpu.memory_space<semaphore_mem>> -> memref<1x!tpu.dma_semaphore, #tpu.memory_space<semaphore_mem>>
        %dma_start3A_194 = tpu.memref_squeeze %dma_start3A_193 : memref<1x!tpu.dma_semaphore, #tpu.memory_space<semaphore_mem>> -> memref<!tpu.dma_semaphore, #tpu.memory_space<semaphore_mem>>
        %dma_start3A_195 = arith.constant 0 : i32
        %dma_start3A_196 = tpu.memref_slice %arg4[%add3A_188, %dma_start3A_195] : memref<2560x128xi32, #tpu.memory_space<hbm>> -> memref<1x128xi32, #tpu.memory_space<hbm>>
        %dma_start3A_197 = tpu.memref_squeeze %dma_start3A_196 : memref<1x128xi32, #tpu.memory_space<hbm>> -> memref<128xi32, #tpu.memory_space<hbm>>
        tpu.enqueue_dma source(%dma_start3A_197 : memref<128xi32, #tpu.memory_space<hbm>>) target(%arg11 : memref<128xi32, #tpu.memory_space<vmem>>) target_semaphore(%dma_start3A_194 : memref<!tpu.dma_semaphore, #tpu.memory_space<semaphore_mem>>)
      } else {
      }
      %dma_start3A_170 = arith.constant 1 : i32
      %dma_start3A_171 = arith.constant 0 : i32
      %dma_start3A_172 = arith.constant 0 : i32
      %dma_start3A_173 = tpu.memref_slice %arg7[%dma_start3A_171, %dma_start3A_172] : memref<10048x128xf32, #tpu.memory_space<vmem_shared>> -> memref<10048x128xf32, #tpu.memory_space<vmem_shared>>
      %dma_start3A_174 = tpu.memref_slice %arg17[%dma_start3A_170] : memref<2x!tpu.dma_semaphore, #tpu.memory_space<semaphore_mem>> -> memref<1x!tpu.dma_semaphore, #tpu.memory_space<semaphore_mem>>
      %dma_start3A_175 = tpu.memref_squeeze %dma_start3A_174 : memref<1x!tpu.dma_semaphore, #tpu.memory_space<semaphore_mem>> -> memref<!tpu.dma_semaphore, #tpu.memory_space<semaphore_mem>>
      tpu.enqueue_indirect_dma source(%arg15 : memref<128x128xf32, #tpu.memory_space<vmem>>) target(%dma_start3A_173 : memref<10048x128xf32, #tpu.memory_space<vmem_shared>>) offsets(%arg11 : memref<128xi32, #tpu.memory_space<vmem>>) semaphore(%dma_start3A_175 : memref<!tpu.dma_semaphore, #tpu.memory_space<semaphore_mem>>) {add = true}
    }
    %scan3A_75 = arith.constant 40 : i32
    %dma_wait3A_76 = arith.constant 1 : i32
    %dma_wait3A_77 = arith.constant 0 : i32
    %dma_wait3A_78 = arith.constant 0 : i32
    %dma_wait3A_79 = tpu.memref_slice %arg7[%dma_wait3A_77, %dma_wait3A_78] : memref<10048x128xf32, #tpu.memory_space<vmem_shared>> -> memref<10048x128xf32, #tpu.memory_space<vmem_shared>>
    %dma_wait3A_80 = tpu.memref_slice %arg17[%dma_wait3A_76] : memref<2x!tpu.dma_semaphore, #tpu.memory_space<semaphore_mem>> -> memref<1x!tpu.dma_semaphore, #tpu.memory_space<semaphore_mem>>
    %dma_wait3A_81 = tpu.memref_squeeze %dma_wait3A_80 : memref<1x!tpu.dma_semaphore, #tpu.memory_space<semaphore_mem>> -> memref<!tpu.dma_semaphore, #tpu.memory_space<semaphore_mem>>
    tpu.wait_indirect_dma semaphore(%dma_wait3A_81 : memref<!tpu.dma_semaphore, #tpu.memory_space<semaphore_mem>>) src(%arg15 : memref<128x128xf32, #tpu.memory_space<vmem>>) dst(%dma_wait3A_79 : memref<10048x128xf32, #tpu.memory_space<vmem_shared>>)
    %barrier3A_82 = arith.constant 0 : index
    tpu.barrier barrier_id(%barrier3A_82)
    "tpu.region"() ({
      %run_scoped3A = tpu.sem_alloc : memref<!tpu.dma_semaphore, #tpu.memory_space<semaphore_mem>>
      %dma_start3A_83 = arith.constant 0 : i32
      %dma_start3A_84 = tpu.memref_slice %arg6[%arg0, %mul3A_0, %dma_start3A_83] : memref<2x10048x128xf32, #tpu.memory_space<hbm>> -> memref<1x628x128xf32, #tpu.memory_space<hbm>>
      %dma_start3A_85 = tpu.memref_squeeze %dma_start3A_84 : memref<1x628x128xf32, #tpu.memory_space<hbm>> -> memref<628x128xf32, #tpu.memory_space<hbm>>
      %dma_start3A_86 = arith.constant 0 : i32
      %dma_start3A_87 = tpu.memref_slice %arg7[%mul3A_0, %dma_start3A_86] : memref<10048x128xf32, #tpu.memory_space<vmem_shared>> -> memref<628x128xf32, #tpu.memory_space<vmem_shared>>
      tpu.enqueue_dma source(%dma_start3A_87 : memref<628x128xf32, #tpu.memory_space<vmem_shared>>) target(%dma_start3A_85 : memref<628x128xf32, #tpu.memory_space<hbm>>) target_semaphore(%run_scoped3A : memref<!tpu.dma_semaphore, #tpu.memory_space<semaphore_mem>>)
      %dma_wait3A_88 = arith.constant 0 : i32
      %dma_wait3A_89 = tpu.memref_slice %arg6[%arg0, %mul3A_0, %dma_wait3A_88] : memref<2x10048x128xf32, #tpu.memory_space<hbm>> -> memref<1x628x128xf32, #tpu.memory_space<hbm>>
      %dma_wait3A_90 = tpu.memref_squeeze %dma_wait3A_89 : memref<1x628x128xf32, #tpu.memory_space<hbm>> -> memref<628x128xf32, #tpu.memory_space<hbm>>
      %dma_wait3A_91 = arith.constant 0 : i32
      %dma_wait3A_92 = tpu.memref_slice %arg7[%mul3A_0, %dma_wait3A_91] : memref<10048x128xf32, #tpu.memory_space<vmem_shared>> -> memref<628x128xf32, #tpu.memory_space<vmem_shared>>
      tpu.wait_dma2 semaphore(%run_scoped3A : memref<!tpu.dma_semaphore, #tpu.memory_space<semaphore_mem>>) src(%dma_wait3A_92 : memref<628x128xf32, #tpu.memory_space<vmem_shared>>) dst(%dma_wait3A_90 : memref<628x128xf32, #tpu.memory_space<hbm>>)
      tpu.yield
    }) : () -> ()
    return
  }
}

module attributes {stable_mosaic.version = 14 : i64} {
  func.func @_mlp_body(%arg0: memref<10000x128xf32, #tpu.memory_space<vmem>>, %arg1: memref<2x10048x128xf32, #tpu.memory_space<vmem>>, %arg2: memref<128x128xf32, #tpu.memory_space<vmem>>, %arg3: memref<1x128xf32, #tpu.memory_space<vmem>>, %arg4: memref<1x128xf32, #tpu.memory_space<vmem>>, %arg5: memref<1x128xf32, #tpu.memory_space<vmem>>, %arg6: memref<128x128xf32, #tpu.memory_space<vmem>>, %arg7: memref<1x128xf32, #tpu.memory_space<vmem>>, %arg8: memref<10000x128xf32, #tpu.memory_space<vmem>>, %arg9: memref<10000x128xf32, #tpu.memory_space<vmem>>) attributes {dimension_semantics = [], scalar_prefetch = 0 : i64, scratch_operands = 0 : i64, tpu.core_type = #tpu.core_type<tc>} {
    %get3A = arith.constant 0 : index
    %get3A_0 = arith.constant 0 : index
    %get3A_1 = arith.constant 0 : index
    %get3A_2 = vector.load %arg1[%get3A, %get3A_0, %get3A_1] : memref<2x10048x128xf32, #tpu.memory_space<vmem>>, vector<1x10000x128xf32>
    %get3A_3 = vector.shape_cast %get3A_2 : vector<1x10000x128xf32> to vector<10000x128xf32>
    %get3A_4 = arith.constant 1 : index
    %get3A_5 = arith.constant 0 : index
    %get3A_6 = arith.constant 0 : index
    %get3A_7 = vector.load %arg1[%get3A_4, %get3A_5, %get3A_6] : memref<2x10048x128xf32, #tpu.memory_space<vmem>>, vector<1x10000x128xf32>
    %get3A_8 = vector.shape_cast %get3A_7 : vector<1x10000x128xf32> to vector<10000x128xf32>
    %add3A = arith.addf %get3A_3, %get3A_8 : vector<10000x128xf32>
    %get3A_9 = arith.constant 0 : index
    %get3A_10 = arith.constant 0 : index
    %get3A_11 = vector.load %arg0[%get3A_9, %get3A_10] : memref<10000x128xf32, #tpu.memory_space<vmem>>, vector<10000x128xf32>
    %add3A_12 = arith.addf %get3A_11, %add3A : vector<10000x128xf32>
    %get3A_13 = arith.constant 0 : index
    %get3A_14 = arith.constant 0 : index
    %get3A_15 = vector.load %arg2[%get3A_13, %get3A_14] : memref<128x128xf32, #tpu.memory_space<vmem>>, vector<128x128xf32>
    %dot_general3A = arith.constant dense<0.000000e+00> : vector<10000x128xf32>
    %dot_general3A_16 = tpu.matmul %add3A_12, %get3A_15, %dot_general3A {dimension_numbers = #tpu.dot_dimension_numbers<[1], [0], [0], [1], [0, 0, 1, 1], [], []>, transpose_lhs_hint = false} : vector<10000x128xf32>, vector<128x128xf32>, vector<10000x128xf32> -> vector<10000x128xf32>
    %get3A_17 = arith.constant 0 : index
    %get3A_18 = arith.constant 0 : index
    %get3A_19 = vector.load %arg3[%get3A_17, %get3A_18] : memref<1x128xf32, #tpu.memory_space<vmem>>, vector<1x128xf32>
    %add3A_20 = vector.broadcast %get3A_19 : vector<1x128xf32> to vector<10000x128xf32>
    %add3A_21 = arith.addf %dot_general3A_16, %add3A_20 : vector<10000x128xf32>
    %reduce_sum3A = arith.constant dense<0.000000e+00> : vector<128xf32>
    %reduce_sum3A_22 = vector.multi_reduction <add>, %add3A_21, %reduce_sum3A [0] : vector<10000x128xf32> to vector<128xf32>
    %broadcast_in_dim3A = vector.shape_cast %reduce_sum3A_22 : vector<128xf32> to vector<1x128xf32>
    %div3A = arith.constant 1.000000e+04 : f32
    %div3A_23 = vector.broadcast %div3A : f32 to vector<1x128xf32>
    %div3A_24 = arith.divf %broadcast_in_dim3A, %div3A_23 : vector<1x128xf32>
    %sub3A = vector.broadcast %div3A_24 : vector<1x128xf32> to vector<10000x128xf32>
    %sub3A_25 = arith.subf %add3A_21, %sub3A : vector<10000x128xf32>
    %sub3A_26 = vector.broadcast %div3A_24 : vector<1x128xf32> to vector<10000x128xf32>
    %sub3A_27 = arith.subf %add3A_21, %sub3A_26 : vector<10000x128xf32>
    %mul3A = arith.mulf %sub3A_25, %sub3A_27 : vector<10000x128xf32>
    %reduce_sum3A_28 = arith.constant dense<0.000000e+00> : vector<128xf32>
    %reduce_sum3A_29 = vector.multi_reduction <add>, %mul3A, %reduce_sum3A_28 [0] : vector<10000x128xf32> to vector<128xf32>
    %broadcast_in_dim3A_30 = vector.shape_cast %reduce_sum3A_29 : vector<128xf32> to vector<1x128xf32>
    %div3A_31 = arith.constant 1.000000e+04 : f32
    %div3A_32 = vector.broadcast %div3A_31 : f32 to vector<1x128xf32>
    %div3A_33 = arith.divf %broadcast_in_dim3A_30, %div3A_32 : vector<1x128xf32>
    %sub3A_34 = vector.broadcast %div3A_24 : vector<1x128xf32> to vector<10000x128xf32>
    %sub3A_35 = arith.subf %add3A_21, %sub3A_34 : vector<10000x128xf32>
    %add3A_36 = arith.constant 9.99999974E-6 : f32
    %add3A_37 = vector.broadcast %add3A_36 : f32 to vector<1x128xf32>
    %add3A_38 = arith.addf %div3A_33, %add3A_37 : vector<1x128xf32>
    %rsqrt3A = math.rsqrt %add3A_38 : vector<1x128xf32>
    %mul3A_39 = vector.broadcast %rsqrt3A : vector<1x128xf32> to vector<10000x128xf32>
    %mul3A_40 = arith.mulf %sub3A_35, %mul3A_39 : vector<10000x128xf32>
    %get3A_41 = arith.constant 0 : index
    %get3A_42 = arith.constant 0 : index
    %get3A_43 = vector.load %arg4[%get3A_41, %get3A_42] : memref<1x128xf32, #tpu.memory_space<vmem>>, vector<1x128xf32>
    %mul3A_44 = vector.broadcast %get3A_43 : vector<1x128xf32> to vector<10000x128xf32>
    %mul3A_45 = arith.mulf %mul3A_40, %mul3A_44 : vector<10000x128xf32>
    %get3A_46 = arith.constant 0 : index
    %get3A_47 = arith.constant 0 : index
    %get3A_48 = vector.load %arg5[%get3A_46, %get3A_47] : memref<1x128xf32, #tpu.memory_space<vmem>>, vector<1x128xf32>
    %add3A_49 = vector.broadcast %get3A_48 : vector<1x128xf32> to vector<10000x128xf32>
    %add3A_50 = arith.addf %mul3A_45, %add3A_49 : vector<10000x128xf32>
    %max3A = arith.constant 0.000000e+00 : f32
    %max3A_51 = vector.broadcast %max3A : f32 to vector<10000x128xf32>
    %max3A_52 = arith.maximumf %add3A_50, %max3A_51 : vector<10000x128xf32>
    %get3A_53 = arith.constant 0 : index
    %get3A_54 = arith.constant 0 : index
    %get3A_55 = vector.load %arg6[%get3A_53, %get3A_54] : memref<128x128xf32, #tpu.memory_space<vmem>>, vector<128x128xf32>
    %dot_general3A_56 = arith.constant dense<0.000000e+00> : vector<10000x128xf32>
    %dot_general3A_57 = tpu.matmul %max3A_52, %get3A_55, %dot_general3A_56 {dimension_numbers = #tpu.dot_dimension_numbers<[1], [0], [0], [1], [0, 0, 1, 1], [], []>, transpose_lhs_hint = false} : vector<10000x128xf32>, vector<128x128xf32>, vector<10000x128xf32> -> vector<10000x128xf32>
    %get3A_58 = arith.constant 0 : index
    %get3A_59 = arith.constant 0 : index
    %get3A_60 = vector.load %arg7[%get3A_58, %get3A_59] : memref<1x128xf32, #tpu.memory_space<vmem>>, vector<1x128xf32>
    %add3A_61 = vector.broadcast %get3A_60 : vector<1x128xf32> to vector<10000x128xf32>
    %add3A_62 = arith.addf %dot_general3A_57, %add3A_61 : vector<10000x128xf32>
    %ge3A = arith.constant 0.000000e+00 : f32
    %ge3A_63 = vector.broadcast %ge3A : f32 to vector<10000x128xf32>
    %ge3A_64 = arith.cmpf oge, %add3A_62, %ge3A_63 : vector<10000x128xf32>
    %mul3A_65 = arith.constant 0.00999999977 : f32
    %mul3A_66 = vector.broadcast %mul3A_65 : f32 to vector<10000x128xf32>
    %mul3A_67 = arith.mulf %mul3A_66, %add3A_62 : vector<10000x128xf32>
    %select_n3A = arith.select %ge3A_64, %add3A_62, %mul3A_67 : vector<10000x128xi1>, vector<10000x128xf32>
    %swap3A = arith.constant 0 : index
    %swap3A_68 = arith.constant 0 : index
    %swap3A_69 = vector.load %arg9[%swap3A, %swap3A_68] : memref<10000x128xf32, #tpu.memory_space<vmem>>, vector<10000x128xf32>
    tpu.vector_store %arg9[%swap3A, %swap3A_68], %select_n3A {strides = array<i32>} : memref<10000x128xf32, #tpu.memory_space<vmem>>, vector<10000x128xf32>,
    return
  }
}

module attributes {stable_mosaic.version = 14 : i64} {
  func.func @_mlp_body(%arg0: memref<10000x128xf32, #tpu.memory_space<vmem>>, %arg1: memref<2x10048x128xf32, #tpu.memory_space<vmem>>, %arg2: memref<128x128xf32, #tpu.memory_space<vmem>>, %arg3: memref<1x128xf32, #tpu.memory_space<vmem>>, %arg4: memref<1x128xf32, #tpu.memory_space<vmem>>, %arg5: memref<1x128xf32, #tpu.memory_space<vmem>>, %arg6: memref<128x128xf32, #tpu.memory_space<vmem>>, %arg7: memref<1x128xf32, #tpu.memory_space<vmem>>, %arg8: memref<10000x128xf32, #tpu.memory_space<vmem>>, %arg9: memref<10000x128xf32, #tpu.memory_space<vmem>>) attributes {dimension_semantics = [], scalar_prefetch = 0 : i64, scratch_operands = 0 : i64, tpu.core_type = #tpu.core_type<tc>} {
    %get3A = arith.constant 0 : index
    %get3A_0 = arith.constant 0 : index
    %get3A_1 = arith.constant 0 : index
    %get3A_2 = vector.load %arg1[%get3A, %get3A_0, %get3A_1] : memref<2x10048x128xf32, #tpu.memory_space<vmem>>, vector<1x10000x128xf32>
    %get3A_3 = vector.shape_cast %get3A_2 : vector<1x10000x128xf32> to vector<10000x128xf32>
    %get3A_4 = arith.constant 1 : index
    %get3A_5 = arith.constant 0 : index
    %get3A_6 = arith.constant 0 : index
    %get3A_7 = vector.load %arg1[%get3A_4, %get3A_5, %get3A_6] : memref<2x10048x128xf32, #tpu.memory_space<vmem>>, vector<1x10000x128xf32>
    %get3A_8 = vector.shape_cast %get3A_7 : vector<1x10000x128xf32> to vector<10000x128xf32>
    %add3A = arith.addf %get3A_3, %get3A_8 : vector<10000x128xf32>
    %get3A_9 = arith.constant 0 : index
    %get3A_10 = arith.constant 0 : index
    %get3A_11 = vector.load %arg0[%get3A_9, %get3A_10] : memref<10000x128xf32, #tpu.memory_space<vmem>>, vector<10000x128xf32>
    %add3A_12 = arith.addf %get3A_11, %add3A : vector<10000x128xf32>
    %get3A_13 = arith.constant 0 : index
    %get3A_14 = arith.constant 0 : index
    %get3A_15 = vector.load %arg2[%get3A_13, %get3A_14] : memref<128x128xf32, #tpu.memory_space<vmem>>, vector<128x128xf32>
    %dot_general3A = arith.constant dense<0.000000e+00> : vector<10000x128xf32>
    %dot_general3A_16 = tpu.matmul %add3A_12, %get3A_15, %dot_general3A {dimension_numbers = #tpu.dot_dimension_numbers<[1], [0], [0], [1], [0, 0, 1, 1], [], []>, transpose_lhs_hint = false} : vector<10000x128xf32>, vector<128x128xf32>, vector<10000x128xf32> -> vector<10000x128xf32>
    %get3A_17 = arith.constant 0 : index
    %get3A_18 = arith.constant 0 : index
    %get3A_19 = vector.load %arg3[%get3A_17, %get3A_18] : memref<1x128xf32, #tpu.memory_space<vmem>>, vector<1x128xf32>
    %add3A_20 = vector.broadcast %get3A_19 : vector<1x128xf32> to vector<10000x128xf32>
    %add3A_21 = arith.addf %dot_general3A_16, %add3A_20 : vector<10000x128xf32>
    %reduce_sum3A = arith.constant dense<0.000000e+00> : vector<128xf32>
    %reduce_sum3A_22 = vector.multi_reduction <add>, %add3A_21, %reduce_sum3A [0] : vector<10000x128xf32> to vector<128xf32>
    %broadcast_in_dim3A = vector.shape_cast %reduce_sum3A_22 : vector<128xf32> to vector<1x128xf32>
    %div3A = arith.constant 1.000000e+04 : f32
    %div3A_23 = vector.broadcast %div3A : f32 to vector<1x128xf32>
    %div3A_24 = arith.divf %broadcast_in_dim3A, %div3A_23 : vector<1x128xf32>
    %sub3A = vector.broadcast %div3A_24 : vector<1x128xf32> to vector<10000x128xf32>
    %sub3A_25 = arith.subf %add3A_21, %sub3A : vector<10000x128xf32>
    %sub3A_26 = vector.broadcast %div3A_24 : vector<1x128xf32> to vector<10000x128xf32>
    %sub3A_27 = arith.subf %add3A_21, %sub3A_26 : vector<10000x128xf32>
    %mul3A = arith.mulf %sub3A_25, %sub3A_27 : vector<10000x128xf32>
    %reduce_sum3A_28 = arith.constant dense<0.000000e+00> : vector<128xf32>
    %reduce_sum3A_29 = vector.multi_reduction <add>, %mul3A, %reduce_sum3A_28 [0] : vector<10000x128xf32> to vector<128xf32>
    %broadcast_in_dim3A_30 = vector.shape_cast %reduce_sum3A_29 : vector<128xf32> to vector<1x128xf32>
    %div3A_31 = arith.constant 1.000000e+04 : f32
    %div3A_32 = vector.broadcast %div3A_31 : f32 to vector<1x128xf32>
    %div3A_33 = arith.divf %broadcast_in_dim3A_30, %div3A_32 : vector<1x128xf32>
    %sub3A_34 = vector.broadcast %div3A_24 : vector<1x128xf32> to vector<10000x128xf32>
    %sub3A_35 = arith.subf %add3A_21, %sub3A_34 : vector<10000x128xf32>
    %add3A_36 = arith.constant 9.99999974E-6 : f32
    %add3A_37 = vector.broadcast %add3A_36 : f32 to vector<1x128xf32>
    %add3A_38 = arith.addf %div3A_33, %add3A_37 : vector<1x128xf32>
    %rsqrt3A = math.rsqrt %add3A_38 : vector<1x128xf32>
    %mul3A_39 = vector.broadcast %rsqrt3A : vector<1x128xf32> to vector<10000x128xf32>
    %mul3A_40 = arith.mulf %sub3A_35, %mul3A_39 : vector<10000x128xf32>
    %get3A_41 = arith.constant 0 : index
    %get3A_42 = arith.constant 0 : index
    %get3A_43 = vector.load %arg4[%get3A_41, %get3A_42] : memref<1x128xf32, #tpu.memory_space<vmem>>, vector<1x128xf32>
    %mul3A_44 = vector.broadcast %get3A_43 : vector<1x128xf32> to vector<10000x128xf32>
    %mul3A_45 = arith.mulf %mul3A_40, %mul3A_44 : vector<10000x128xf32>
    %get3A_46 = arith.constant 0 : index
    %get3A_47 = arith.constant 0 : index
    %get3A_48 = vector.load %arg5[%get3A_46, %get3A_47] : memref<1x128xf32, #tpu.memory_space<vmem>>, vector<1x128xf32>
    %add3A_49 = vector.broadcast %get3A_48 : vector<1x128xf32> to vector<10000x128xf32>
    %add3A_50 = arith.addf %mul3A_45, %add3A_49 : vector<10000x128xf32>
    %max3A = arith.constant 0.000000e+00 : f32
    %max3A_51 = vector.broadcast %max3A : f32 to vector<10000x128xf32>
    %max3A_52 = arith.maximumf %add3A_50, %max3A_51 : vector<10000x128xf32>
    %get3A_53 = arith.constant 0 : index
    %get3A_54 = arith.constant 0 : index
    %get3A_55 = vector.load %arg6[%get3A_53, %get3A_54] : memref<128x128xf32, #tpu.memory_space<vmem>>, vector<128x128xf32>
    %dot_general3A_56 = arith.constant dense<0.000000e+00> : vector<10000x128xf32>
    %dot_general3A_57 = tpu.matmul %max3A_52, %get3A_55, %dot_general3A_56 {dimension_numbers = #tpu.dot_dimension_numbers<[1], [0], [0], [1], [0, 0, 1, 1], [], []>, transpose_lhs_hint = false} : vector<10000x128xf32>, vector<128x128xf32>, vector<10000x128xf32> -> vector<10000x128xf32>
    %get3A_58 = arith.constant 0 : index
    %get3A_59 = arith.constant 0 : index
    %get3A_60 = vector.load %arg7[%get3A_58, %get3A_59] : memref<1x128xf32, #tpu.memory_space<vmem>>, vector<1x128xf32>
    %add3A_61 = vector.broadcast %get3A_60 : vector<1x128xf32> to vector<10000x128xf32>
    %add3A_62 = arith.addf %dot_general3A_57, %add3A_61 : vector<10000x128xf32>
    %get3A_63 = arith.constant 0 : index
    %get3A_64 = arith.constant 0 : index
    %get3A_65 = vector.load %arg8[%get3A_63, %get3A_64] : memref<10000x128xf32, #tpu.memory_space<vmem>>, vector<10000x128xf32>
    %add3A_66 = arith.addf %get3A_65, %add3A_62 : vector<10000x128xf32>
    %swap3A = arith.constant 0 : index
    %swap3A_67 = arith.constant 0 : index
    %swap3A_68 = vector.load %arg9[%swap3A, %swap3A_67] : memref<10000x128xf32, #tpu.memory_space<vmem>>, vector<10000x128xf32>
    tpu.vector_store %arg9[%swap3A, %swap3A_67], %add3A_66 {strides = array<i32>} : memref<10000x128xf32, #tpu.memory_space<vmem>>, vector<10000x128xf32>,
    return
  }
}

</mosaic_0001>

<sc_bundles>
// kernel: kernel.6.cloned.1.call-start
scs
__scs_entry_jumppad:
0x0: {  	(pc) =	sbr.rel $0x88, $3  }
0x1: {  	(tag) =	ssettag $0x0;
	lr =	simm.s32 $0x1  }
0x2: {  	[smem:$0x3F93] =	sst lr;
	_ =	strace $0xD0000000  }
0x3: {  	_ = 	snop  }
0x4: {  	_ = 	snop  }
0x5: {  	_ = 	snop  }
0x6: {  	_ = 	snop  }
0x7: {  	_ = 	snop  }
__scs_overlays_trampoline_lowered:
0x8: {  	[smem:$0x3FA2] =	sst s0  }
0x9: {  	[smem:$0x3FA3] =	sst s1  }
0xa: {  	[smem:$0x3FA4] =	sst s2  }
0xb: {  	[smem:$0x3FA5] =	sst s3  }
0xc: {  	[smem:$0x3FA6] =	sst s4  }
0xd: {  	[smem:$0x3FA7] =	sst s5  }
0xe: {  	[smem:$0x3FA8] =	sst s6  }
0xf: {  	[smem:$0x3FA9] =	sst s7  }
0x10: {  	[smem:$0x3FAA] =	sst s8  }
0x11: {  	[smem:$0x3FAB] =	sst s9;
	s0 =	simm.s32 @!p0 $0x0  }
0x12: {  	s1 =	sld [smem:$0x3F91];
	s0 =	simm.s32 @p0 $0x1  }
0x13: {  	[smem:$0x3FAC] =	sst s0;
	s0 =	simm.s32 @!p1 $0x0  }
0x14: {  	s2 =	sld [smem:$0x3F90];
	s0 =	simm.s32 @p1 $0x1  }
0x15: {  	[smem:$0x3FAD] =	sst s0;
	s0 =	simm.s32 @!p2 $0x0  }
0x16: {  	s3 =	sld [smem:$0x3FDB];
	s0 =	simm.s32 @p2 $0x1  }
0x17: {  	s4 =	simm.s32 $0x1BF5;
	[smem:$0x3FAF] =	sst s0  }
0x18: {  	s0 =	sld [smem:$0x3F92];
	_ =	swait.ge [sflag:s4], $0x0  }
0x19: {  	s7 =	sld [smem:$0x3F93]  }
0x1a: {  	s8 =	sadd.s32 $0xFFFFE003, lr  }
0x1b: {  	s9 =	sadd.s32 $0xFFFFFEF7, lr;
	s5 =	simm.s32 $0xFFFFFFFF;
	p2 =	slt.u32 s8, $0xFFFFF086  }
0x1c: {  	p1 =	slt.u32 s9, $0xF7A;
	s5 =	simm.s32 @!p2 $0x0  }
0x1d: {  	s5 =	simm.s32 @p1 $0x1;
	p0 =	seq.s32 s7, s2  }
0x1e: {  	s7 =	smul.u32 @!p0 $0xF7A, s2;
	p2 =	seq.s32 @!p0 s5, $0x0  }
0x1f: {  	s9 =	smul.u32 $0xF7A, s1;
	s8 =	simm.s32 @!p0 $0x1BF5;
	p2 =	por !p2, p0  }
0x20: {  	[sflag:s8] =	ssyncset.s32 @!p0 $0xFFFFF086;
	s6 =	sadd.s32 @!p0 s3, s7;
	s7 =	simm.s32 @!p0 $0x108  }
0x21: {  	s3 =	sadd.s32 s3, s9;
	s6 =	sadd.s32 @!p0 $0x88, s6;
	s7 =	simm.s32 @p2 $0x1082  }
0x22: {  	[simem:s7], [sflag:s8] =	dma.local @!p0 [hbm:s6], $0xF7A  }
0x23: {  	s9 =	sor.u32 $0xD0000000, s2;
	s6 =	simm.s32 $0x108;
	_ =	swait.ge @!p0 [sflag:s8], $0x0  }
0x24: {  	s3 =	sadd.s32 $0x88, s3;
	s6 =	simm.s32 @!p1 $0x1082;
	[sflag:s4] =	ssyncset.s32 $0xFFFFF086  }
0x25: {  	[simem:s6], [sflag:s4] =	dma.local [hbm:s3], $0xF7A  }
0x26: {  	[smem:$0x3F93] =	sst s1;
	(tag) =	ssettag s2;
	_ =	strace s9  }
0x27: {  	s1 =	sld [smem:$0x3FA3]  }
0x28: {  	s2 =	sld [smem:$0x3FA4]  }
0x29: {  	s4 =	sld [smem:$0x3FA6]  }
0x2a: {  	p0 =	seq.s32 s5, $0x0;
	s5 =	sld [smem:$0x3FA7]  }
0x2b: {  	s6 =	sld [smem:$0x3FA8]  }
0x2c: {  	s7 =	sld [smem:$0x3FA9]  }
0x2d: {  	s3 =	simm.s32 $0x108;
	s8 =	sld [smem:$0x3FAA]  }
0x2e: {  	s3 =	simm.s32 @!p0 $0x1082;
	s9 =	sld [smem:$0x3FAB]  }
0x2f: {  	lr =	sadd.s32 s0, s3;
	s0 =	sld [smem:$0x3FA2]  }
0x30: {  	s3 =	sld [smem:$0x3FA5]  }
0x31: {  	[smem:$0x3FAE] =	sst s10  }
0x32: {  	s10 =	sld [smem:$0x3FAC];
	_ =	sdelay $0x3  }
0x33: {  	p0 =	seq.s32 s10, $0x1;
	s10 =	sld [smem:$0x3FAE];
	_ =	sdelay $0x3  }
0x34: {  	[smem:$0x3FAE] =	sst s10  }
0x35: {  	s10 =	sld [smem:$0x3FAD];
	_ =	sdelay $0x3  }
0x36: {  	p1 =	seq.s32 s10, $0x1;
	s10 =	sld [smem:$0x3FAE];
	_ =	sdelay $0x3  }
0x37: {  	[smem:$0x3FAE] =	sst s10  }
0x38: {  	s10 =	sld [smem:$0x3FAF]  }
0x39: {  	_ = 	snop;
	(pc) =	sbr.ind lr, $3  }
0x3a: {  	_ = 	snop  }
0x3b: {  	_ = 	snop  }
0x3c: {  	p2 =	seq.s32 s10, $0x1;
	s10 =	sld [smem:$0x3FAE]  }
0x3d: {  	_ =	shalt  }
0x3e: {  	_ =	shalt  }
0x3f: {  	_ =	shalt  }
0x40: {  	_ =	shalt  }
0x41: {  	_ =	shalt  }
0x42: {  	_ =	shalt  }
0x43: {  	_ =	shalt  }
0x44: {  	_ =	shalt  }
0x45: {  	_ =	shalt  }
0x46: {  	_ =	shalt  }
0x47: {  	_ =	shalt  }
0x48: {  	_ =	shalt  }
0x49: {  	_ =	shalt  }
0x4a: {  	_ =	shalt  }
0x4b: {  	_ =	shalt  }
0x4c: {  	_ =	shalt  }
0x4d: {  	_ =	shalt  }
0x4e: {  	_ =	shalt  }
0x4f: {  	_ =	shalt  }
0x50: {  	_ =	shalt  }
0x51: {  	_ =	shalt  }
0x52: {  	_ =	shalt  }
0x53: {  	_ =	shalt  }
0x54: {  	_ =	shalt  }
0x55: {  	_ =	shalt  }
0x56: {  	_ =	shalt  }
0x57: {  	_ =	shalt  }
0x58: {  	_ =	shalt  }
0x59: {  	_ =	shalt  }
0x5a: {  	_ =	shalt  }
0x5b: {  	_ =	shalt  }
0x5c: {  	_ =	shalt  }
0x5d: {  	_ =	shalt  }
0x5e: {  	_ =	shalt  }
0x5f: {  	_ =	shalt  }
0x60: {  	_ =	shalt  }
0x61: {  	_ =	shalt  }
0x62: {  	_ =	shalt  }
0x63: {  	_ =	shalt  }
0x64: {  	_ =	shalt  }
0x65: {  	_ =	shalt  }
0x66: {  	_ =	shalt  }
0x67: {  	_ =	shalt  }
0x68: {  	_ =	shalt  }
0x69: {  	_ =	shalt  }
0x6a: {  	_ =	shalt  }
0x6b: {  	_ =	shalt  }
0x6c: {  	_ =	shalt  }
0x6d: {  	_ =	shalt  }
0x6e: {  	_ =	shalt  }
0x6f: {  	_ =	shalt  }
0x70: {  	_ =	shalt  }
0x71: {  	_ =	shalt  }
0x72: {  	_ =	shalt  }
0x73: {  	_ =	shalt  }
0x74: {  	_ =	shalt  }
0x75: {  	_ =	shalt  }
0x76: {  	_ =	shalt  }
0x77: {  	_ =	shalt  }
0x78: {  	_ =	shalt  }
0x79: {  	_ =	shalt  }
0x7a: {  	_ =	shalt  }
0x7b: {  	_ =	shalt  }
0x7c: {  	_ =	shalt  }
0x7d: {  	_ =	shalt  }
0x7e: {  	_ =	shalt  }
0x7f: {  	_ =	shalt  }
0x80: {  	_ =	shalt  }
0x81: {  	_ =	shalt  }
0x82: {  	_ =	shalt  }
0x83: {  	_ =	shalt  }
0x84: {  	_ =	shalt  }
0x85: {  	_ =	shalt  }
0x86: {  	_ =	shalt  }
0x87: {  	_ =	shalt  }
.Lfunc_end0:
.L_simem_size_0:
called_computation_lowered:
.L_overlay_start_0:
0x88: {  	s2 =	sld [smem:$0x3FD9]  }
0x89: {  	s3 =	sld [smem:$0x3FFE];
	_ =	sdelay $0x1  }
0x8a: {  	s1 =	srdreg.scid  }
0x8b: {  	s0 =	sand.u32 $0x1, s1  }
0x8c: {  	s17 =	sshll.u32 s0, $0xA;
	s2 =	sadd.s32 s3, s2  }
0x8d: {  	s2 =	sadd.s32 s2, s17  }
0x8e: {  	[smem:$0x3FBA] =	sst s2  }
0x8f: {  	_ = 	snop  }
0x90: {  	s2 =	sld [smem:$0x3FD0];
	(tm) =	ssettm $0x1  }
0x91: {  	s18 =	sld [smem:$0x3FFB];
	_ =	sdelay $0x3  }
0x92: {  	_ =	strace s18  }
0x93: {  	s3 =	sld [smem:$0x3FFC];
	_ =	sdelay $0x3  }
0x94: {  	_ =	strace s3  }
0x95: {  	s3 =	sld [smem:$0x3FFD];
	_ =	sdelay $0x3  }
0x96: {  	_ =	strace s3  }
0x97: {  	_ =	strace $0x8FFFFFFF  }
0x98: {  	s19 =	sld [smem:$0x3FDB];
	_ =	sdelay $0x1  }
0x99: {  	s4 =	simm.s32 $_scs_section_size  }
0x9a: {  	s5 =	simm.s32 $_size__tile_overlayer_lowered;
	s6 =	simm.s32 $_tile_overlayer_lowered  }
0x9b: {  	s22 =	simm.s32 $0x1BFF;
	s21 =	sshll.u32 s6, $0x1;
	s3 =	sadd.s32 s4, s19  }
0x9c: {  	s7 =	simm.s32 $0x0;
	s20 =	sshll.u32 s5, $0x1;
	s5 =	sadd.s32 s21, s3  }
0x9d: {  	[timem:s7], [sflag:s22] =	dma.local [hbm:s5], s20  }
0x9e: {  	_ =	swait.ge [sflag:s22], s20  }
0x9f: {  	s4 =	ssub.s32 $0x0, s20;
	[sflag:s22] =	ssyncset.done $0x0  }
0xa0: {  	[sflag:s22] =	ssyncadd.s32 s4;
	_ =	sdelay $0x1  }
0xa1: {  	s23 =	simm.s32 $0x1B8B  }
0xa2: {  	_ =	swait.ge [sflag:s23], $0x1  }
0xa3: {  	[sflag:s23] =	ssyncset.done $0x0  }
0xa4: {  	s25 =	simm.s32 $0x1B8E;
	s24 =	sld [smem:$0x3FFE];
	[sflag:s23] =	ssyncadd.s32 $0xFFFFFFFF  }
0xa5: {  	s26 =	simm.s32 $execute0_lowered;
	[smem:$0x3FD2] =	sst s25  }
0xa6: {  	s5 =	sshll.u32 s26, $0x1;
	_ =	strace $0x80000046;
	[dreg:$0x1] =	wrdreg $0xFFFFFFFF  }
0xa7: {  	s28 =	simm.s32 $_size_execute0_lowered;
	s3 =	sadd.s32 s3, s5;
	[dreg:$0x0] =	wrdreg $0x0  }
0xa8: {  	s5 =	sshll.u32 s28, $0x1;
	[dreg:$0x2] =	wrdreg s3  }
0xa9: {  	[dreg:$0x3] =	wrdreg s5  }
0xaa: {  	[dreg:$0x4] =	wrdreg $0xC0  }
0xab: {  	_ =	task [dreg:s7], $0x5FFFF  }
0xac: {  	[dreg:$0x1] =	wrdreg $0xFFFFFFFF  }
0xad: {  	[dreg:$0x0] =	wrdreg $0x60  }
0xae: {  	[dreg:$0x2] =	wrdreg s2  }
0xaf: {  	[dreg:$0x3] =	wrdreg s24  }
0xb0: {  	[dreg:$0x4] =	wrdreg $0x0  }
0xb1: {  	[dreg:$0x5] =	wrdreg $0x9  }
0xb2: {  	_ =	task.clear_ibuf [dreg:s7], $0x6FFFF;
	_ =	strace $0x90000046  }
0xb3: {  	s29 =	simm.s32 $0x9;
	_ =	strace $0x80000048  }
0xb4: {  	_ =	swait.ge [sflag:s29], $0x1  }
0xb5: {  	[sflag:s29] =	ssyncadd.s32 $0xFFFFFFFF  }
0xb6: {  	_ =	strace $0x90000048  }
0xb7: {  	_ =	sfence  }
0xb8: {  	s30 =	sld [smem:$0x0];
	_ =	sdelay $0x2  }
0xb9: {  	s31 =	sshll.u32 s1, $0xD;
	s1 =	sshrl.u32 s1, $0x2  }
0xba: {  	s3 =	sand.u32 $0x4000, s31;
	s1 =	sadd.s32 s1, s30  }
0xbb: {  	s0 =	sor.u32 s3, s0;
	s1 =	sshll.u32 s1, $0x11  }
0xbc: {  	s0 =	sor.u32 s1, s0  }
0xbd: {  	s0 =	sadd.s32 $0x8F2B, s0  }
0xbe: {  	[sflag:s0] =	ssyncadd.remote.s32 $0x1  }
0xbf: {  	_ =	sfence.sel $0xFFFF  }
0xc0: {  	[dreg:$0x0] =	wrdreg $0xFFFFFFFF;
	(pc) =	sbr.abs _section_cstart, $3  }
0xc1: {  	[dreg:$0x1] =	wrdreg $0xFFFFFFFF  }
0xc2: {  	_ =	task.clear_ibuf [dreg:s7], $0x2FFFF;
	_ =	strace $0x9FFFFFFF  }
0xc3: {  	(tm) =	ssettm $0x7FFFFFFF  }
tec
execute0_lowered:
.L_overlay_start_1:
0x0: {  	(tag) =	ssettag $0x1  }
0x1: {  	s1 =	rddreg [dreg:$0x0]  }
0x2: {  	s0 =	rddreg [dreg:$0x1]  }
0x3: {  	s3 =	rddreg [dreg:$0x2];
	s4 =	simm.s32 $0x0  }
0x4: {  	s13 =	stileid.u32;
	s2 =	srdreg.scid;
	s18 =	simm.s32 $0x7  }
0x5: {  	s19 =	simm.s32 $0x13A00;
	s28 =	simm.s32 $0x6;
	s29 =	simm.s32 $0x15C00  }
0x6: {  	s30 =	simm.s32 $0x17C00;
	s31 =	simm.s32 $0x2;
	[smem:$0x7FF] =	sst s4  }
0x7: {  	s7 =	smul.u32 $0x13A00, s13;
	s2 =	sand.u32 $0x1, s2;
	s5 =	sadd.s32 $0xBE00, s0  }
0x8: {  	s6 =	sadd.s32 $0x1E00, s0;
	s12 =	sshll.u32 s13, $0x1;
	s21 =	sshll.u32 s13, $0x6  }
0x9: {  	s8 =	smul.u32 $0x13A000, s2;
	s10 =	ssub.s32 $0x2, s2;
	s2 =	sor.u32 s2, s12  }
0xa: {  	_ =	strace $0x80000047;
	s9 =	sshrl.u32 s7, $0x3;
	s22 =	smul.u32 $0x500, s2  }
0xb: {  	s11 =	sshrl.u32 s10, $0x1;
	s2 =	smul.u32 $0x50, s2;
	s9 =	sadd.s32 s9, s0  }
0xc: {  	s8 =	sadd.s32 s7, s8;
	s20 =	ssub.s32 s10, s11;
	s7 =	sadd.s32 s7, s3  }
0xd: {  	s10 =	sor.u32 $0x1C07, s21;
	s21 =	simm.s32 $0x5;
	s8 =	sshrl.u32 s8, $0x3  }
0xe: {  	s9 =	sadd.s32 $0x15E00, s9;
	s23 =	sadd.s32 s5, s22;
	s24 =	sadd.s32 s6, s22  }
0xf: {  	s25 =	sor.u32 $0x10, s22;
	s13 =	sor.u32 $0x2, s2;
	s14 =	sor.u32 $0x3, s2  }
0x10: {  	s26 =	smax.u32 s20, $0x1;
	s20 =	simm.s32 $0x13A80;
	[dreg:$0x4] =	wrdreg s9  }
0x11: {  	s22 =	simm.s32 $0x80;
	s2 =	simm.s32 $0x1BC00;
	[dreg:$0x5] =	wrdreg s23  }
0x12: {  	s0 =	sadd.s32 s8, s0;
	[dreg:$0x6] =	wrdreg s24;
	s11 =	sadd.s32 s5, s25  }
.Ltmp0:
0x13: {  	s9 =	sadd.s32 s6, s25;
	[dreg:$0xa] =	wrdreg s26;
	(pc) =	sbr.rel .LBB2_1-.Ltmp0, $4  }
0x14: {  	s8 =	sshrl.u32 s7, $0x3;
	s23 =	simm.s32 $0x13C00;
	[dreg:$0x7] =	wrdreg s11  }
0x15: {  	s24 =	simm.s32 $0x13B00;
	s25 =	simm.s32 $0x13B80;
	[dreg:$0x8] =	wrdreg s9  }
0x16: {  	s26 =	simm.s32 $0x1;
	s0 =	sadd.s32 $0x3D200, s0;
	[dreg:$0xb] =	wrdreg s8  }
0x17: {  	s9 =	simm.s32 $0x0;
	[dreg:$0x9] =	wrdreg s0;
	s0 =	simm.s32 $0x3  }
.LBB2_8:
0x18: {  	[spmem:s3] =	stream.indirect.scatter.add.f32 [tilespmem:s2], [sflag:$0x4], $0x80, s25, s22, $0xb8;
	[tilespmem:$0x1FC00] =	vst v63  }
0x19: {  	s7 =	simm.s32 $0x4  }
0x1a: {  	_ =	swait.ge [sflag:s7], $0x4000  }
0x1b: {  	[sflag:s7] =	ssyncset.done $0x0  }
0x1c: {  	[sflag:s7] =	ssyncadd.s32 $0xFFFFC000  }
0x1d: {  	[bflag:$0x0] =	sbarrier.arrive $0xFFFF  }
0x1e: {  	s16 =	rddreg [dreg:$0x9]  }
0x1f: {  	s8 =	rddreg [dreg:$0xb]  }
0x20: {  	[hbm:s16], [sflag:s17] =	dma.local [spmem:s8], $0x2740  }
0x21: {  	_ =	swait.ge [sflag:s18], $0x2740  }
0x22: {  	s10 =	smov.u32 s17;
	s9 =	sadd.s32 $0x1, s9;
	s17 =	rddreg [dreg:$0xa]  }
0x23: {  	p0 =	sne.s32 s9, s17  }
.Ltmp1:
0x24: {  	_ = 	snop;
	(pc) =	sbr.rel @!p0 .LBB2_9-.Ltmp1, $3  }
0x25: {  	_ =	sdelay $0x1  }
0x26: {  	[sflag:s18] =	ssyncset.done $0x0  }
0x27: {  	[sflag:s18] =	ssyncadd.s32 $0xFFFFD8C0  }
.LBB2_1:
0x28: {  	s7 =	rddreg [dreg:$0x4]  }
0x29: {  	[spmem:s8], [sflag:s10] =	dma.local [hbm:s7], $0x2740  }
0x2a: {  	_ =	swait.ge [sflag:s18], $0x2740  }
0x2b: {  	[sflag:s18] =	ssyncset.done $0x0  }
0x2c: {  	[sflag:s18] =	ssyncadd.s32 $0xFFFFD8C0  }
0x2d: {  	[bflag:$0x0] =	sbarrier.arrive $0xFFFF  }
0x2e: {  	s11 =	rddreg [dreg:$0x5]  }
0x2f: {  	[tilespmem:s19], [sflag:$0x5] =	stream.linear.gather [hbm4b:s11+s4], $0x80, $0x38;
	[tilespmem:$0x1FC00] =	vst v63  }
0x30: {  	s12 =	rddreg [dreg:$0x6]  }
0x31: {  	[tilespmem:s20], [sflag:$0x5] =	stream.linear.gather [hbm4b:s12+s4], $0x80, $0x38;
	[tilespmem:$0x1FC00] =	vst v63  }
0x32: {  	_ =	swait.ge [sflag:s21], $0x80  }
0x33: {  	[sflag:s21] =	ssyncset.done $0x0  }
0x34: {  	[sflag:s21] =	ssyncadd.s32 $0xFFFFFF80  }
0x35: {  	_ =	swait.ge [sflag:s21], $0x80  }
0x36: {  	[sflag:s21] =	ssyncset.done $0x0  }
0x37: {  	[sflag:s21] =	ssyncadd.s32 $0xFFFFFF80  }
0x38: {  	[tilespmem:s23], [sflag:$0x1] =	stream.indirect.gather [hbm4b:s1+s22], $0x40, s19, s22, $0xb8;
	[tilespmem:$0x1FC00] =	vst v63  }
0x39: {  	s15 =	rddreg [dreg:$0x7]  }
0x3a: {  	[tilespmem:s24], [sflag:$0x6] =	stream.linear.gather [hbm4b:s15+s4], $0x80, $0x38;
	[tilespmem:$0x1FC00] =	vst v63  }
0x3b: {  	s17 =	smov.u32 s10;
	s10 =	simm.s32 $0x0;
	s16 =	rddreg [dreg:$0x8]  }
0x3c: {  	[tilespmem:s25], [sflag:$0x6] =	stream.linear.gather [hbm4b:s16+s4], $0x80, $0x38;
	[tilespmem:$0x1FC00] =	vst v63  }
.LBB2_2:
0x3d: {  	_ =	swait.ge [sflag:s26], $0x2000  }
0x3e: {  	[sflag:s26] =	ssyncset.done $0x0  }
0x3f: {  	[sflag:s26] =	ssyncadd.s32 $0xFFFFE000  }
0x40: {  	_ =	swait.ge [sflag:s28], $0x80  }
0x41: {  	[sflag:s28] =	ssyncset.done $0x0  }
0x42: {  	[sflag:s28] =	ssyncadd.s32 $0xFFFFFF80  }
0x43: {  	_ =	swait.ge [sflag:s28], $0x80  }
0x44: {  	[sflag:s28] =	ssyncset.done $0x0  }
0x45: {  	s12 =	simm.s32 $0x13C80;
	[sflag:s28] =	ssyncadd.s32 $0xFFFFFF80  }
0x46: {  	[tilespmem:s29], [sflag:$0x2] =	stream.indirect.gather [hbm4b:s1+s22], $0x40, s24, s22, $0xb8;
	[tilespmem:$0x1FC00] =	vst v63  }
0x47: {  	v0 =	vld [tilespmem:s12+$0xFFFFFF80];
	_ =	sdelay $0x4  }
0x48: {  	s11 =	simm.s32 $0x17D00;
	v1 =	vshll.u32 v0, $0x10  }
0x49: {  	v0 =	vand.u32 $0xFFFF0000, v0;
	[tilespmem:s11+$0xFFFFFF00] =	vst v1  }
0x4a: {  	[tilespmem:s11+$0xFFFFFF40] =	vst v0  }
0x4b: {  	v0 =	vld [tilespmem:s12+$0xFFFFFF90];
	_ =	sdelay $0x4  }
0x4c: {  	v1 =	vshll.u32 v0, $0x10  }
0x4d: {  	v0 =	vand.u32 $0xFFFF0000, v0;
	[tilespmem:s11+$0xFFFFFF10] =	vst v1  }
0x4e: {  	[tilespmem:s11+$0xFFFFFF50] =	vst v0  }
0x4f: {  	v0 =	vld [tilespmem:s12+$0xFFFFFFA0];
	_ =	sdelay $0x4  }
0x50: {  	v1 =	vshll.u32 v0, $0x10  }
0x51: {  	v0 =	vand.u32 $0xFFFF0000, v0;
	[tilespmem:s11+$0xFFFFFF20] =	vst v1  }
0x52: {  	[tilespmem:s11+$0xFFFFFF60] =	vst v0  }
0x53: {  	v0 =	vld [tilespmem:s12+$0xFFFFFFB0];
	_ =	sdelay $0x4  }
0x54: {  	v1 =	vshll.u32 v0, $0x10  }
0x55: {  	v0 =	vand.u32 $0xFFFF0000, v0;
	[tilespmem:s11+$0xFFFFFF30] =	vst v1  }
0x56: {  	[tilespmem:s11+$0xFFFFFF70] =	vst v0  }
0x57: {  	v0 =	vld [tilespmem:s12+$0xFFFFFFC0];
	_ =	sdelay $0x4  }
0x58: {  	v1 =	vshll.u32 v0, $0x10  }
0x59: {  	v0 =	vand.u32 $0xFFFF0000, v0;
	[tilespmem:s11+$0xFFFFFF80] =	vst v1  }
0x5a: {  	[tilespmem:s11+$0xFFFFFFC0] =	vst v0  }
0x5b: {  	v0 =	vld [tilespmem:s12+$0xFFFFFFD0];
	_ =	sdelay $0x4  }
0x5c: {  	v1 =	vshll.u32 v0, $0x10  }
0x5d: {  	v0 =	vand.u32 $0xFFFF0000, v0;
	[tilespmem:s11+$0xFFFFFF90] =	vst v1  }
0x5e: {  	[tilespmem:s11+$0xFFFFFFD0] =	vst v0  }
0x5f: {  	v0 =	vld [tilespmem:s12+$0xFFFFFFE0];
	_ =	sdelay $0x4  }
0x60: {  	v1 =	vshll.u32 v0, $0x10  }
0x61: {  	v0 =	vand.u32 $0xFFFF0000, v0;
	[tilespmem:s11+$0xFFFFFFA0] =	vst v1  }
0x62: {  	[tilespmem:s11+$0xFFFFFFE0] =	vst v0  }
0x63: {  	v0 =	vld [tilespmem:s12+$0xFFFFFFF0];
	_ =	sdelay $0x4  }
0x64: {  	v1 =	vshll.u32 v0, $0x10  }
0x65: {  	v0 =	vand.u32 $0xFFFF0000, v0;
	[tilespmem:s11+$0xFFFFFFB0] =	vst v1  }
0x66: {  	[tilespmem:s11+$0xFFFFFFF0] =	vst v0  }
0x67: {  	v0 =	vld [tilespmem:s12+$0x0];
	_ =	sdelay $0x4  }
0x68: {  	v1 =	vshll.u32 v0, $0x10  }
0x69: {  	v0 =	vand.u32 $0xFFFF0000, v0;
	[tilespmem:s11+$0x0] =	vst v1  }
0x6a: {  	[tilespmem:s11+$0x40] =	vst v0  }
0x6b: {  	v0 =	vld [tilespmem:s12+$0x10];
	_ =	sdelay $0x4  }
0x6c: {  	v1 =	vshll.u32 v0, $0x10  }
0x6d: {  	v0 =	vand.u32 $0xFFFF0000, v0;
	[tilespmem:s11+$0x10] =	vst v1  }
0x6e: {  	[tilespmem:s11+$0x50] =	vst v0  }
0x6f: {  	v0 =	vld [tilespmem:s12+$0x20];
	_ =	sdelay $0x4  }
0x70: {  	v1 =	vshll.u32 v0, $0x10  }
0x71: {  	v0 =	vand.u32 $0xFFFF0000, v0;
	[tilespmem:s11+$0x20] =	vst v1  }
0x72: {  	[tilespmem:s11+$0x60] =	vst v0  }
0x73: {  	v0 =	vld [tilespmem:s12+$0x30];
	_ =	sdelay $0x4  }
0x74: {  	v1 =	vshll.u32 v0, $0x10  }
0x75: {  	v0 =	vand.u32 $0xFFFF0000, v0;
	[tilespmem:s11+$0x30] =	vst v1  }
0x76: {  	[tilespmem:s11+$0x70] =	vst v0  }
0x77: {  	v0 =	vld [tilespmem:s12+$0x40];
	_ =	sdelay $0x4  }
0x78: {  	v1 =	vshll.u32 v0, $0x10  }
0x79: {  	v0 =	vand.u32 $0xFFFF0000, v0;
	[tilespmem:s11+$0x80] =	vst v1  }
0x7a: {  	[tilespmem:s11+$0xC0] =	vst v0  }
0x7b: {  	v0 =	vld [tilespmem:s12+$0x50];
	_ =	sdelay $0x4  }
0x7c: {  	v1 =	vshll.u32 v0, $0x10  }
0x7d: {  	s16 =	simm.s32 $0x0;
	s7 =	simm.s32 $0x17D00;
	s15 =	simm.s32 $0x13C80;
	v0 =	vand.u32 $0xFFFF0000, v0;
	[tilespmem:s11+$0x90] =	vst v1  }
.LBB2_3:
0x7e: {  	s16 =	sadd.s32 $0x4, s16;
	[tilespmem:s11+$0xD0] =	vst v0;
	s12 =	sadd.s32 $0x100, s12;
	s7 =	sadd.s32 $0x200, s7  }
0x7f: {  	p0 =	slt.u32 s16, $0x7C;
	v0 =	vld [tilespmem:s15+$0x60];
	_ =	sdelay $0x4  }
0x80: {  	v1 =	vshll.u32 v0, $0x10;
	v0 =	vand.u32 $0xFFFF0000, v0  }
0x81: {  	[tilespmem:s11+$0xA0] =	vst v1  }
0x82: {  	[tilespmem:s11+$0xE0] =	vst v0  }
0x83: {  	v0 =	vld [tilespmem:s15+$0x70];
	s15 =	smov.u32 s12;
	_ =	sdelay $0x4  }
0x84: {  	v1 =	vshll.u32 v0, $0x10;
	v0 =	vand.u32 $0xFFFF0000, v0  }
0x85: {  	[tilespmem:s11+$0xB0] =	vst v1  }
0x86: {  	[tilespmem:s11+$0xF0] =	vst v0;
	s11 =	smov.u32 s7  }
0x87: {  	v0 =	vld [tilespmem:s12+$0xFFFFFF80];
	_ =	sdelay $0x4  }
0x88: {  	v1 =	vshll.u32 v0, $0x10;
	v0 =	vand.u32 $0xFFFF0000, v0  }
0x89: {  	[tilespmem:s7+$0xFFFFFF00] =	vst v1  }
0x8a: {  	[tilespmem:s7+$0xFFFFFF40] =	vst v0  }
0x8b: {  	v0 =	vld [tilespmem:s12+$0xFFFFFF90];
	_ =	sdelay $0x4  }
0x8c: {  	v1 =	vshll.u32 v0, $0x10;
	v0 =	vand.u32 $0xFFFF0000, v0  }
0x8d: {  	[tilespmem:s7+$0xFFFFFF10] =	vst v1  }
0x8e: {  	[tilespmem:s7+$0xFFFFFF50] =	vst v0  }
0x8f: {  	v0 =	vld [tilespmem:s12+$0xFFFFFFA0];
	_ =	sdelay $0x4  }
0x90: {  	v1 =	vshll.u32 v0, $0x10;
	v0 =	vand.u32 $0xFFFF0000, v0  }
0x91: {  	[tilespmem:s7+$0xFFFFFF20] =	vst v1  }
0x92: {  	[tilespmem:s7+$0xFFFFFF60] =	vst v0  }
0x93: {  	v0 =	vld [tilespmem:s12+$0xFFFFFFB0];
	_ =	sdelay $0x4  }
0x94: {  	v1 =	vshll.u32 v0, $0x10;
	v0 =	vand.u32 $0xFFFF0000, v0  }
0x95: {  	[tilespmem:s7+$0xFFFFFF30] =	vst v1  }
0x96: {  	[tilespmem:s7+$0xFFFFFF70] =	vst v0  }
0x97: {  	v0 =	vld [tilespmem:s12+$0xFFFFFFC0];
	_ =	sdelay $0x4  }
0x98: {  	v1 =	vshll.u32 v0, $0x10;
	v0 =	vand.u32 $0xFFFF0000, v0  }
0x99: {  	[tilespmem:s7+$0xFFFFFF80] =	vst v1  }
0x9a: {  	[tilespmem:s7+$0xFFFFFFC0] =	vst v0  }
0x9b: {  	v0 =	vld [tilespmem:s12+$0xFFFFFFD0];
	_ =	sdelay $0x4  }
0x9c: {  	v1 =	vshll.u32 v0, $0x10;
	v0 =	vand.u32 $0xFFFF0000, v0  }
0x9d: {  	[tilespmem:s7+$0xFFFFFF90] =	vst v1  }
0x9e: {  	[tilespmem:s7+$0xFFFFFFD0] =	vst v0  }
0x9f: {  	v0 =	vld [tilespmem:s12+$0xFFFFFFE0];
	_ =	sdelay $0x4  }
0xa0: {  	v1 =	vshll.u32 v0, $0x10;
	v0 =	vand.u32 $0xFFFF0000, v0  }
0xa1: {  	[tilespmem:s7+$0xFFFFFFA0] =	vst v1  }
0xa2: {  	[tilespmem:s7+$0xFFFFFFE0] =	vst v0  }
0xa3: {  	v0 =	vld [tilespmem:s12+$0xFFFFFFF0];
	_ =	sdelay $0x4  }
0xa4: {  	v1 =	vshll.u32 v0, $0x10;
	v0 =	vand.u32 $0xFFFF0000, v0  }
0xa5: {  	[tilespmem:s7+$0xFFFFFFB0] =	vst v1  }
0xa6: {  	[tilespmem:s7+$0xFFFFFFF0] =	vst v0  }
0xa7: {  	v0 =	vld [tilespmem:s12+$0x0];
	_ =	sdelay $0x4  }
0xa8: {  	v1 =	vshll.u32 v0, $0x10;
	v0 =	vand.u32 $0xFFFF0000, v0  }
0xa9: {  	[tilespmem:s7+$0x0] =	vst v1  }
0xaa: {  	[tilespmem:s7+$0x40] =	vst v0  }
0xab: {  	v0 =	vld [tilespmem:s12+$0x10];
	_ =	sdelay $0x4  }
0xac: {  	v1 =	vshll.u32 v0, $0x10;
	v0 =	vand.u32 $0xFFFF0000, v0  }
0xad: {  	[tilespmem:s7+$0x10] =	vst v1  }
0xae: {  	[tilespmem:s7+$0x50] =	vst v0  }
0xaf: {  	v0 =	vld [tilespmem:s12+$0x20];
	_ =	sdelay $0x4  }
0xb0: {  	v1 =	vshll.u32 v0, $0x10;
	v0 =	vand.u32 $0xFFFF0000, v0  }
0xb1: {  	[tilespmem:s7+$0x20] =	vst v1  }
0xb2: {  	[tilespmem:s7+$0x60] =	vst v0  }
0xb3: {  	v0 =	vld [tilespmem:s12+$0x30];
	_ =	sdelay $0x4  }
0xb4: {  	v1 =	vshll.u32 v0, $0x10;
	v0 =	vand.u32 $0xFFFF0000, v0  }
0xb5: {  	[tilespmem:s7+$0x30] =	vst v1  }
0xb6: {  	[tilespmem:s7+$0x70] =	vst v0  }
0xb7: {  	v0 =	vld [tilespmem:s12+$0x40];
	_ =	sdelay $0x4  }
0xb8: {  	v1 =	vshll.u32 v0, $0x10;
	v0 =	vand.u32 $0xFFFF0000, v0  }
0xb9: {  	[tilespmem:s7+$0x80] =	vst v1  }
0xba: {  	[tilespmem:s7+$0xC0] =	vst v0  }
0xbb: {  	v0 =	vld [tilespmem:s12+$0x50];
	_ =	sdelay $0x1  }
.Ltmp2:
0xbc: {  	(pc) =	sbr.rel @p0 .LBB2_3-.Ltmp2, $3  }
0xbd: {  	_ =	sdelay $0x1  }
0xbe: {  	v1 =	vshll.u32 v0, $0x10;
	v0 =	vand.u32 $0xFFFF0000, v0  }
0xbf: {  	[tilespmem:s7+$0x90] =	vst v1  }
0xc0: {  	[tilespmem:s11+$0xD0] =	vst v0  }
0xc1: {  	v0 =	vld [tilespmem:s15+$0x60];
	_ =	sdelay $0x4  }
0xc2: {  	v1 =	vshll.u32 v0, $0x10  }
0xc3: {  	v0 =	vand.u32 $0xFFFF0000, v0;
	[tilespmem:s11+$0xA0] =	vst v1  }
0xc4: {  	[tilespmem:s11+$0xE0] =	vst v0  }
0xc5: {  	v0 =	vld [tilespmem:s15+$0x70];
	_ =	sdelay $0x4  }
0xc6: {  	v1 =	vshll.u32 v0, $0x10  }
0xc7: {  	p0 =	seq.s32 s10, $0x0;
	v0 =	vand.u32 $0xFFFF0000, v0;
	[tilespmem:s11+$0xB0] =	vst v1  }
0xc8: {  	s7 =	simm.s32 @!p0 $0x4;
	[tilespmem:s11+$0xF0] =	vst v0  }
0xc9: {  	p1 =	seq.s32 @!p0 s10, $0x27;
	_ =	swait.ge @!p0 [sflag:s7], $0x4000  }
0xca: {  	p1 =	por p0, !p1;
	s11 =	sshll.u32 s10, $0x1;
	[sflag:s7] =	ssyncset.done @!p0 $0x0  }
0xcb: {  	[sflag:s7] =	ssyncadd.s32 @!p0 $0xFFFFC000;
	s7 =	sadd.s32 @p1 s11, s13  }
0xcc: {  	[spmem:s3] =	stream.indirect.scatter.add.f32 @!p1 [tilespmem:s30], [sflag:$0x3], $0x80, s20, s22, $0xb8;
	[tilespmem:$0x1FC00] =	vst v63  }
0xcd: {  	s7 =	sshll.u32 @p1 s7, $0x4;
	_ =	swait.ge @!p1 [sflag:s31], $0x2000  }
0xce: {  	s7 =	sand.u32 @p1 $0x1FFFFFE0, s7;
	[sflag:s31] =	ssyncset.done @!p1 $0x0  }
0xcf: {  	s8 =	sadd.s32 @p1 s5, s7;
	[sflag:s31] =	ssyncadd.s32 @!p1 $0xFFFFE000  }
0xd0: {  	[tilespmem:s19], [sflag:$0x5] =	stream.linear.gather @p1 [hbm4b:s8+s4], $0x80, $0x38;
	[tilespmem:$0x1FC00] =	vst v63  }
0xd1: {  	s7 =	sadd.s32 @p1 s6, s7  }
0xd2: {  	[tilespmem:s20], [sflag:$0x5] =	stream.linear.gather @p1 [hbm4b:s7+s4], $0x80, $0x38;
	[tilespmem:$0x1FC00] =	vst v63  }
0xd3: {  	_ = 	snop  }
0xd4: {  	[spmem:s3] =	stream.indirect.scatter.add.f32 @p1 [tilespmem:s30], [sflag:$0x3], $0x80, s20, s22, $0xb8;
	[tilespmem:$0x1FC00] =	vst v63  }
0xd5: {  	_ =	swait.ge @p1 [sflag:s31], $0x2000  }
0xd6: {  	[sflag:s31] =	ssyncset.done @p1 $0x0  }
0xd7: {  	[sflag:s31] =	ssyncadd.s32 @p1 $0xFFFFE000  }
0xd8: {  	_ =	swait.ge @p1 [sflag:s21], $0x80  }
0xd9: {  	[sflag:s21] =	ssyncset.done @p1 $0x0  }
0xda: {  	[sflag:s21] =	ssyncadd.s32 @p1 $0xFFFFFF80  }
0xdb: {  	_ =	swait.ge @p1 [sflag:s21], $0x80  }
0xdc: {  	[sflag:s21] =	ssyncset.done @p1 $0x0  }
0xdd: {  	s15 =	simm.s32 $0x15C80;
	[sflag:s21] =	ssyncadd.s32 @p1 $0xFFFFFF80  }
0xde: {  	[tilespmem:s23], [sflag:$0x1] =	stream.indirect.gather @p1 [hbm4b:s1+s22], $0x40, s19, s22, $0xb8;
	[tilespmem:$0x1FC00] =	vst v63  }
0xdf: {  	v0 =	vld [tilespmem:s15+$0xFFFFFF80];
	_ =	sdelay $0x4  }
0xe0: {  	s12 =	simm.s32 $0x1BD00;
	v1 =	vshll.u32 v0, $0x10  }
0xe1: {  	v0 =	vand.u32 $0xFFFF0000, v0;
	[tilespmem:s12+$0xFFFFFF00] =	vst v1  }
0xe2: {  	[tilespmem:s12+$0xFFFFFF40] =	vst v0  }
0xe3: {  	v0 =	vld [tilespmem:s15+$0xFFFFFF90];
	_ =	sdelay $0x4  }
0xe4: {  	v1 =	vshll.u32 v0, $0x10  }
0xe5: {  	v0 =	vand.u32 $0xFFFF0000, v0;
	[tilespmem:s12+$0xFFFFFF10] =	vst v1  }
0xe6: {  	[tilespmem:s12+$0xFFFFFF50] =	vst v0  }
0xe7: {  	v0 =	vld [tilespmem:s15+$0xFFFFFFA0];
	_ =	sdelay $0x4  }
0xe8: {  	v1 =	vshll.u32 v0, $0x10  }
0xe9: {  	v0 =	vand.u32 $0xFFFF0000, v0;
	[tilespmem:s12+$0xFFFFFF20] =	vst v1  }
0xea: {  	[tilespmem:s12+$0xFFFFFF60] =	vst v0  }
0xeb: {  	v0 =	vld [tilespmem:s15+$0xFFFFFFB0];
	_ =	sdelay $0x4  }
0xec: {  	v1 =	vshll.u32 v0, $0x10  }
0xed: {  	v0 =	vand.u32 $0xFFFF0000, v0;
	[tilespmem:s12+$0xFFFFFF30] =	vst v1  }
0xee: {  	[tilespmem:s12+$0xFFFFFF70] =	vst v0  }
0xef: {  	v0 =	vld [tilespmem:s15+$0xFFFFFFC0];
	_ =	sdelay $0x4  }
0xf0: {  	v1 =	vshll.u32 v0, $0x10  }
0xf1: {  	v0 =	vand.u32 $0xFFFF0000, v0;
	[tilespmem:s12+$0xFFFFFF80] =	vst v1  }
0xf2: {  	[tilespmem:s12+$0xFFFFFFC0] =	vst v0  }
0xf3: {  	v0 =	vld [tilespmem:s15+$0xFFFFFFD0];
	_ =	sdelay $0x4  }
0xf4: {  	v1 =	vshll.u32 v0, $0x10  }
0xf5: {  	v0 =	vand.u32 $0xFFFF0000, v0;
	[tilespmem:s12+$0xFFFFFF90] =	vst v1  }
0xf6: {  	[tilespmem:s12+$0xFFFFFFD0] =	vst v0  }
0xf7: {  	v0 =	vld [tilespmem:s15+$0xFFFFFFE0];
	_ =	sdelay $0x4  }
0xf8: {  	v1 =	vshll.u32 v0, $0x10  }
0xf9: {  	v0 =	vand.u32 $0xFFFF0000, v0;
	[tilespmem:s12+$0xFFFFFFA0] =	vst v1  }
0xfa: {  	[tilespmem:s12+$0xFFFFFFE0] =	vst v0  }
0xfb: {  	v0 =	vld [tilespmem:s15+$0xFFFFFFF0];
	_ =	sdelay $0x4  }
0xfc: {  	v1 =	vshll.u32 v0, $0x10  }
0xfd: {  	v0 =	vand.u32 $0xFFFF0000, v0;
	[tilespmem:s12+$0xFFFFFFB0] =	vst v1  }
0xfe: {  	[tilespmem:s12+$0xFFFFFFF0] =	vst v0  }
0xff: {  	v0 =	vld [tilespmem:s15+$0x0];
	_ =	sdelay $0x4  }
0x100: {  	v1 =	vshll.u32 v0, $0x10  }
0x101: {  	v0 =	vand.u32 $0xFFFF0000, v0;
	[tilespmem:s12+$0x0] =	vst v1  }
0x102: {  	[tilespmem:s12+$0x40] =	vst v0  }
0x103: {  	v0 =	vld [tilespmem:s15+$0x10];
	_ =	sdelay $0x4  }
0x104: {  	v1 =	vshll.u32 v0, $0x10  }
0x105: {  	v0 =	vand.u32 $0xFFFF0000, v0;
	[tilespmem:s12+$0x10] =	vst v1  }
0x106: {  	[tilespmem:s12+$0x50] =	vst v0  }
0x107: {  	v0 =	vld [tilespmem:s15+$0x20];
	_ =	sdelay $0x4  }
0x108: {  	v1 =	vshll.u32 v0, $0x10  }
0x109: {  	v0 =	vand.u32 $0xFFFF0000, v0;
	[tilespmem:s12+$0x20] =	vst v1  }
0x10a: {  	[tilespmem:s12+$0x60] =	vst v0  }
0x10b: {  	v0 =	vld [tilespmem:s15+$0x30];
	_ =	sdelay $0x4  }
0x10c: {  	v1 =	vshll.u32 v0, $0x10  }
0x10d: {  	v0 =	vand.u32 $0xFFFF0000, v0;
	[tilespmem:s12+$0x30] =	vst v1  }
0x10e: {  	[tilespmem:s12+$0x70] =	vst v0  }
0x10f: {  	v0 =	vld [tilespmem:s15+$0x40];
	_ =	sdelay $0x4  }
0x110: {  	v1 =	vshll.u32 v0, $0x10  }
0x111: {  	v0 =	vand.u32 $0xFFFF0000, v0;
	[tilespmem:s12+$0x80] =	vst v1  }
0x112: {  	[tilespmem:s12+$0xC0] =	vst v0  }
0x113: {  	v0 =	vld [tilespmem:s15+$0x50];
	_ =	sdelay $0x4  }
0x114: {  	v1 =	vshll.u32 v0, $0x10  }
0x115: {  	s16 =	simm.s32 $0x15C80;
	s8 =	simm.s32 $0x1BD00;
	s7 =	simm.s32 $0x0;
	v0 =	vand.u32 $0xFFFF0000, v0;
	[tilespmem:s12+$0x90] =	vst v1  }
.LBB2_5:
0x116: {  	s7 =	sadd.s32 $0x4, s7;
	[tilespmem:s12+$0xD0] =	vst v0;
	s15 =	sadd.s32 $0x100, s15;
	s8 =	sadd.s32 $0x200, s8  }
0x117: {  	p0 =	slt.u32 s7, $0x7C;
	v0 =	vld [tilespmem:s16+$0x60];
	_ =	sdelay $0x4  }
0x118: {  	v1 =	vshll.u32 v0, $0x10;
	v0 =	vand.u32 $0xFFFF0000, v0  }
0x119: {  	[tilespmem:s12+$0xA0] =	vst v1  }
0x11a: {  	[tilespmem:s12+$0xE0] =	vst v0  }
0x11b: {  	v0 =	vld [tilespmem:s16+$0x70];
	s16 =	smov.u32 s15;
	_ =	sdelay $0x4  }
0x11c: {  	v1 =	vshll.u32 v0, $0x10;
	v0 =	vand.u32 $0xFFFF0000, v0  }
0x11d: {  	[tilespmem:s12+$0xB0] =	vst v1  }
0x11e: {  	[tilespmem:s12+$0xF0] =	vst v0;
	s12 =	smov.u32 s8  }
0x11f: {  	v0 =	vld [tilespmem:s15+$0xFFFFFF80];
	_ =	sdelay $0x4  }
0x120: {  	v1 =	vshll.u32 v0, $0x10;
	v0 =	vand.u32 $0xFFFF0000, v0  }
0x121: {  	[tilespmem:s8+$0xFFFFFF00] =	vst v1  }
0x122: {  	[tilespmem:s8+$0xFFFFFF40] =	vst v0  }
0x123: {  	v0 =	vld [tilespmem:s15+$0xFFFFFF90];
	_ =	sdelay $0x4  }
0x124: {  	v1 =	vshll.u32 v0, $0x10;
	v0 =	vand.u32 $0xFFFF0000, v0  }
0x125: {  	[tilespmem:s8+$0xFFFFFF10] =	vst v1  }
0x126: {  	[tilespmem:s8+$0xFFFFFF50] =	vst v0  }
0x127: {  	v0 =	vld [tilespmem:s15+$0xFFFFFFA0];
	_ =	sdelay $0x4  }
0x128: {  	v1 =	vshll.u32 v0, $0x10;
	v0 =	vand.u32 $0xFFFF0000, v0  }
0x129: {  	[tilespmem:s8+$0xFFFFFF20] =	vst v1  }
0x12a: {  	[tilespmem:s8+$0xFFFFFF60] =	vst v0  }
0x12b: {  	v0 =	vld [tilespmem:s15+$0xFFFFFFB0];
	_ =	sdelay $0x4  }
0x12c: {  	v1 =	vshll.u32 v0, $0x10;
	v0 =	vand.u32 $0xFFFF0000, v0  }
0x12d: {  	[tilespmem:s8+$0xFFFFFF30] =	vst v1  }
0x12e: {  	[tilespmem:s8+$0xFFFFFF70] =	vst v0  }
0x12f: {  	v0 =	vld [tilespmem:s15+$0xFFFFFFC0];
	_ =	sdelay $0x4  }
0x130: {  	v1 =	vshll.u32 v0, $0x10;
	v0 =	vand.u32 $0xFFFF0000, v0  }
0x131: {  	[tilespmem:s8+$0xFFFFFF80] =	vst v1  }
0x132: {  	[tilespmem:s8+$0xFFFFFFC0] =	vst v0  }
0x133: {  	v0 =	vld [tilespmem:s15+$0xFFFFFFD0];
	_ =	sdelay $0x4  }
0x134: {  	v1 =	vshll.u32 v0, $0x10;
	v0 =	vand.u32 $0xFFFF0000, v0  }
0x135: {  	[tilespmem:s8+$0xFFFFFF90] =	vst v1  }
0x136: {  	[tilespmem:s8+$0xFFFFFFD0] =	vst v0  }
0x137: {  	v0 =	vld [tilespmem:s15+$0xFFFFFFE0];
	_ =	sdelay $0x4  }
0x138: {  	v1 =	vshll.u32 v0, $0x10;
	v0 =	vand.u32 $0xFFFF0000, v0  }
0x139: {  	[tilespmem:s8+$0xFFFFFFA0] =	vst v1  }
0x13a: {  	[tilespmem:s8+$0xFFFFFFE0] =	vst v0  }
0x13b: {  	v0 =	vld [tilespmem:s15+$0xFFFFFFF0];
	_ =	sdelay $0x4  }
0x13c: {  	v1 =	vshll.u32 v0, $0x10;
	v0 =	vand.u32 $0xFFFF0000, v0  }
0x13d: {  	[tilespmem:s8+$0xFFFFFFB0] =	vst v1  }
0x13e: {  	[tilespmem:s8+$0xFFFFFFF0] =	vst v0  }
0x13f: {  	v0 =	vld [tilespmem:s15+$0x0];
	_ =	sdelay $0x4  }
0x140: {  	v1 =	vshll.u32 v0, $0x10;
	v0 =	vand.u32 $0xFFFF0000, v0  }
0x141: {  	[tilespmem:s8+$0x0] =	vst v1  }
0x142: {  	[tilespmem:s8+$0x40] =	vst v0  }
0x143: {  	v0 =	vld [tilespmem:s15+$0x10];
	_ =	sdelay $0x4  }
0x144: {  	v1 =	vshll.u32 v0, $0x10;
	v0 =	vand.u32 $0xFFFF0000, v0  }
0x145: {  	[tilespmem:s8+$0x10] =	vst v1  }
0x146: {  	[tilespmem:s8+$0x50] =	vst v0  }
0x147: {  	v0 =	vld [tilespmem:s15+$0x20];
	_ =	sdelay $0x4  }
0x148: {  	v1 =	vshll.u32 v0, $0x10;
	v0 =	vand.u32 $0xFFFF0000, v0  }
0x149: {  	[tilespmem:s8+$0x20] =	vst v1  }
0x14a: {  	[tilespmem:s8+$0x60] =	vst v0  }
0x14b: {  	v0 =	vld [tilespmem:s15+$0x30];
	_ =	sdelay $0x4  }
0x14c: {  	v1 =	vshll.u32 v0, $0x10;
	v0 =	vand.u32 $0xFFFF0000, v0  }
0x14d: {  	[tilespmem:s8+$0x30] =	vst v1  }
0x14e: {  	[tilespmem:s8+$0x70] =	vst v0  }
0x14f: {  	v0 =	vld [tilespmem:s15+$0x40];
	_ =	sdelay $0x4  }
0x150: {  	v1 =	vshll.u32 v0, $0x10;
	v0 =	vand.u32 $0xFFFF0000, v0  }
0x151: {  	[tilespmem:s8+$0x80] =	vst v1  }
0x152: {  	[tilespmem:s8+$0xC0] =	vst v0  }
0x153: {  	v0 =	vld [tilespmem:s15+$0x50];
	_ =	sdelay $0x1  }
.Ltmp3:
0x154: {  	(pc) =	sbr.rel @p0 .LBB2_5-.Ltmp3, $3  }
0x155: {  	_ =	sdelay $0x1  }
0x156: {  	v1 =	vshll.u32 v0, $0x10;
	v0 =	vand.u32 $0xFFFF0000, v0  }
0x157: {  	[tilespmem:s8+$0x90] =	vst v1  }
0x158: {  	[tilespmem:s12+$0xD0] =	vst v0  }
0x159: {  	v0 =	vld [tilespmem:s16+$0x60];
	_ =	sdelay $0x4  }
0x15a: {  	v1 =	vshll.u32 v0, $0x10  }
0x15b: {  	v0 =	vand.u32 $0xFFFF0000, v0;
	[tilespmem:s12+$0xA0] =	vst v1  }
0x15c: {  	[tilespmem:s12+$0xE0] =	vst v0  }
0x15d: {  	v0 =	vld [tilespmem:s16+$0x70];
	_ =	sdelay $0x4  }
0x15e: {  	p0 =	seq.s32 s10, $0x27;
	v63 =	vshll.u32 v0, $0x10  }
.Ltmp4:
0x15f: {  	v0 =	vand.u32 $0xFFFF0000, v0;
	[tilespmem:s12+$0xB0] =	vst v63;
	(pc) =	sbr.rel @p0 .LBB2_8-.Ltmp4, $4  }
0x160: {  	[tilespmem:s12+$0xF0] =	vst v0  }
0x161: {  	_ =	swait.ge [sflag:s0], $0x4000  }
0x162: {  	[sflag:s0] =	ssyncset.done $0x0  }
0x163: {  	[sflag:s0] =	ssyncadd.s32 $0xFFFFC000  }
0x164: {  	s7 =	sadd.s32 s11, s14  }
0x165: {  	s7 =	sshll.u32 s7, $0x4  }
0x166: {  	s7 =	sand.u32 $0x1FFFFFF0, s7  }
0x167: {  	s8 =	sadd.s32 s5, s7  }
0x168: {  	[tilespmem:s24], [sflag:$0x6] =	stream.linear.gather [hbm4b:s8+s4], $0x80, $0x38;
	[tilespmem:$0x1FC00] =	vst v63  }
.Ltmp5:
0x169: {  	_ = 	snop;
	(pc) =	sbr.rel .LBB2_2-.Ltmp5, $4  }
0x16a: {  	s7 =	sadd.s32 s6, s7  }
0x16b: {  	[tilespmem:s25], [sflag:$0x6] =	stream.linear.gather [hbm4b:s7+s4], $0x80, $0x38;
	[tilespmem:$0x1FC00] =	vst v63  }
0x16c: {  	s10 =	sadd.s32 $0x1, s10  }
0x16d: {  	[spmem:s3] =	stream.indirect.scatter.add.f32 [tilespmem:s2], [sflag:$0x4], $0x80, s25, s22, $0xb8;
	[tilespmem:$0x1FC00] =	vst v63  }
.LBB2_9:
0x16e: {  	_ =	sfence.sel $0x180000  }
0x16f: {  	[bflag:$0x0] =	sbarrier.arrive $0xFFFF  }
0x170: {  	_ =	strace $0x90000047  }
0x171: {  	s0 =	stileid.u32;
	[bflag:$0x2] =	sbarrier.arrive $0xFFFF  }
0x172: {  	p0 =	sne.s32 s0, $0x0;
	s0 =	rddreg [dreg:$0x3]  }
0x173: {  	s0 =	sadd.s32 @!p0 $0x100000, s0  }
0x174: {  	[sflag:s0] =	ssyncadd.tile.s32 @!p0 $0x1;
	_ =	shalt  }
.Lfunc_end2:
_tile_overlayer_lowered:
.L_overlay_start_2:
0x175: {  	(tag) =	ssettag $0x2  }
0x176: {  	s0 =	rddreg [dreg:$0x0];
	s2 =	stileid.u32  }
0x177: {  	s1 =	rddreg [dreg:$0x1];
	p0 =	sne.s32 s2, $0x0  }
0x178: {  	s3 =	rddreg [dreg:$0x2];
	[bflag:$0x3] =	sbarrier.arrive $0xFFFF;
	s2 =	simm.s32 @!p0 $0x1C07  }
0x179: {  	[timem:s3], [sflag:s2] =	dma.local @!p0 [hbm:s0], s1  }
0x17a: {  	s0 =	simm.s32 @!p0 $0x7  }
0x17b: {  	_ =	swait.ge @!p0 [sflag:s0], s1  }
0x17c: {  	s1 =	ssub.s32 @!p0 $0x0, s1;
	[sflag:s0] =	ssyncset.done @!p0 $0x0  }
0x17d: {  	[sflag:s0] =	ssyncadd.s32 @!p0 s1  }
0x17e: {  	[bflag:$0x3] =	sbarrier.arrive $0xFFFF  }
0x17f: {  	_ =	shalt  }

// kernel: kernel.9.cloned.1.call-start
scs
__scs_entry_jumppad:
0x0: {  	(pc) =	sbr.rel $0x88, $3  }
0x1: {  	(tag) =	ssettag $0x0;
	lr =	simm.s32 $0x1  }
0x2: {  	[smem:$0x3F93] =	sst lr;
	_ =	strace $0xD0000000  }
0x3: {  	_ = 	snop  }
0x4: {  	_ = 	snop  }
0x5: {  	_ = 	snop  }
0x6: {  	_ = 	snop  }
0x7: {  	_ = 	snop  }
__scs_overlays_trampoline_lowered:
0x8: {  	[smem:$0x3FA2] =	sst s0  }
0x9: {  	[smem:$0x3FA3] =	sst s1  }
0xa: {  	[smem:$0x3FA4] =	sst s2  }
0xb: {  	[smem:$0x3FA5] =	sst s3  }
0xc: {  	[smem:$0x3FA6] =	sst s4  }
0xd: {  	[smem:$0x3FA7] =	sst s5  }
0xe: {  	[smem:$0x3FA8] =	sst s6  }
0xf: {  	[smem:$0x3FA9] =	sst s7  }
0x10: {  	[smem:$0x3FAA] =	sst s8  }
0x11: {  	[smem:$0x3FAB] =	sst s9;
	s0 =	simm.s32 @!p0 $0x0  }
0x12: {  	s1 =	sld [smem:$0x3F91];
	s0 =	simm.s32 @p0 $0x1  }
0x13: {  	[smem:$0x3FAC] =	sst s0;
	s0 =	simm.s32 @!p1 $0x0  }
0x14: {  	s2 =	sld [smem:$0x3F90];
	s0 =	simm.s32 @p1 $0x1  }
0x15: {  	[smem:$0x3FAD] =	sst s0;
	s0 =	simm.s32 @!p2 $0x0  }
0x16: {  	s3 =	sld [smem:$0x3FDB];
	s0 =	simm.s32 @p2 $0x1  }
0x17: {  	s4 =	simm.s32 $0x1BF5;
	[smem:$0x3FAF] =	sst s0  }
0x18: {  	s0 =	sld [smem:$0x3F92];
	_ =	swait.ge [sflag:s4], $0x0  }
0x19: {  	s7 =	sld [smem:$0x3F93]  }
0x1a: {  	s8 =	sadd.s32 $0xFFFFE003, lr  }
0x1b: {  	s9 =	sadd.s32 $0xFFFFFEF7, lr;
	s5 =	simm.s32 $0xFFFFFFFF;
	p2 =	slt.u32 s8, $0xFFFFF086  }
0x1c: {  	p1 =	slt.u32 s9, $0xF7A;
	s5 =	simm.s32 @!p2 $0x0  }
0x1d: {  	s5 =	simm.s32 @p1 $0x1;
	p0 =	seq.s32 s7, s2  }
0x1e: {  	s7 =	smul.u32 @!p0 $0xF7A, s2;
	p2 =	seq.s32 @!p0 s5, $0x0  }
0x1f: {  	s9 =	smul.u32 $0xF7A, s1;
	s8 =	simm.s32 @!p0 $0x1BF5;
	p2 =	por !p2, p0  }
0x20: {  	[sflag:s8] =	ssyncset.s32 @!p0 $0xFFFFF086;
	s6 =	sadd.s32 @!p0 s3, s7;
	s7 =	simm.s32 @!p0 $0x108  }
0x21: {  	s3 =	sadd.s32 s3, s9;
	s6 =	sadd.s32 @!p0 $0x88, s6;
	s7 =	simm.s32 @p2 $0x1082  }
0x22: {  	[simem:s7], [sflag:s8] =	dma.local @!p0 [hbm:s6], $0xF7A  }
0x23: {  	s9 =	sor.u32 $0xD0000000, s2;
	s6 =	simm.s32 $0x108;
	_ =	swait.ge @!p0 [sflag:s8], $0x0  }
0x24: {  	s3 =	sadd.s32 $0x88, s3;
	s6 =	simm.s32 @!p1 $0x1082;
	[sflag:s4] =	ssyncset.s32 $0xFFFFF086  }
0x25: {  	[simem:s6], [sflag:s4] =	dma.local [hbm:s3], $0xF7A  }
0x26: {  	[smem:$0x3F93] =	sst s1;
	(tag) =	ssettag s2;
	_ =	strace s9  }
0x27: {  	s1 =	sld [smem:$0x3FA3]  }
0x28: {  	s2 =	sld [smem:$0x3FA4]  }
0x29: {  	s4 =	sld [smem:$0x3FA6]  }
0x2a: {  	p0 =	seq.s32 s5, $0x0;
	s5 =	sld [smem:$0x3FA7]  }
0x2b: {  	s6 =	sld [smem:$0x3FA8]  }
0x2c: {  	s7 =	sld [smem:$0x3FA9]  }
0x2d: {  	s3 =	simm.s32 $0x108;
	s8 =	sld [smem:$0x3FAA]  }
0x2e: {  	s3 =	simm.s32 @!p0 $0x1082;
	s9 =	sld [smem:$0x3FAB]  }
0x2f: {  	lr =	sadd.s32 s0, s3;
	s0 =	sld [smem:$0x3FA2]  }
0x30: {  	s3 =	sld [smem:$0x3FA5]  }
0x31: {  	[smem:$0x3FAE] =	sst s10  }
0x32: {  	s10 =	sld [smem:$0x3FAC];
	_ =	sdelay $0x3  }
0x33: {  	p0 =	seq.s32 s10, $0x1;
	s10 =	sld [smem:$0x3FAE];
	_ =	sdelay $0x3  }
0x34: {  	[smem:$0x3FAE] =	sst s10  }
0x35: {  	s10 =	sld [smem:$0x3FAD];
	_ =	sdelay $0x3  }
0x36: {  	p1 =	seq.s32 s10, $0x1;
	s10 =	sld [smem:$0x3FAE];
	_ =	sdelay $0x3  }
0x37: {  	[smem:$0x3FAE] =	sst s10  }
0x38: {  	s10 =	sld [smem:$0x3FAF]  }
0x39: {  	_ = 	snop;
	(pc) =	sbr.ind lr, $3  }
0x3a: {  	_ = 	snop  }
0x3b: {  	_ = 	snop  }
0x3c: {  	p2 =	seq.s32 s10, $0x1;
	s10 =	sld [smem:$0x3FAE]  }
0x3d: {  	_ =	shalt  }
0x3e: {  	_ =	shalt  }
0x3f: {  	_ =	shalt  }
0x40: {  	_ =	shalt  }
0x41: {  	_ =	shalt  }
0x42: {  	_ =	shalt  }
0x43: {  	_ =	shalt  }
0x44: {  	_ =	shalt  }
0x45: {  	_ =	shalt  }
0x46: {  	_ =	shalt  }
0x47: {  	_ =	shalt  }
0x48: {  	_ =	shalt  }
0x49: {  	_ =	shalt  }
0x4a: {  	_ =	shalt  }
0x4b: {  	_ =	shalt  }
0x4c: {  	_ =	shalt  }
0x4d: {  	_ =	shalt  }
0x4e: {  	_ =	shalt  }
0x4f: {  	_ =	shalt  }
0x50: {  	_ =	shalt  }
0x51: {  	_ =	shalt  }
0x52: {  	_ =	shalt  }
0x53: {  	_ =	shalt  }
0x54: {  	_ =	shalt  }
0x55: {  	_ =	shalt  }
0x56: {  	_ =	shalt  }
0x57: {  	_ =	shalt  }
0x58: {  	_ =	shalt  }
0x59: {  	_ =	shalt  }
0x5a: {  	_ =	shalt  }
0x5b: {  	_ =	shalt  }
0x5c: {  	_ =	shalt  }
0x5d: {  	_ =	shalt  }
0x5e: {  	_ =	shalt  }
0x5f: {  	_ =	shalt  }
0x60: {  	_ =	shalt  }
0x61: {  	_ =	shalt  }
0x62: {  	_ =	shalt  }
0x63: {  	_ =	shalt  }
0x64: {  	_ =	shalt  }
0x65: {  	_ =	shalt  }
0x66: {  	_ =	shalt  }
0x67: {  	_ =	shalt  }
0x68: {  	_ =	shalt  }
0x69: {  	_ =	shalt  }
0x6a: {  	_ =	shalt  }
0x6b: {  	_ =	shalt  }
0x6c: {  	_ =	shalt  }
0x6d: {  	_ =	shalt  }
0x6e: {  	_ =	shalt  }
0x6f: {  	_ =	shalt  }
0x70: {  	_ =	shalt  }
0x71: {  	_ =	shalt  }
0x72: {  	_ =	shalt  }
0x73: {  	_ =	shalt  }
0x74: {  	_ =	shalt  }
0x75: {  	_ =	shalt  }
0x76: {  	_ =	shalt  }
0x77: {  	_ =	shalt  }
0x78: {  	_ =	shalt  }
0x79: {  	_ =	shalt  }
0x7a: {  	_ =	shalt  }
0x7b: {  	_ =	shalt  }
0x7c: {  	_ =	shalt  }
0x7d: {  	_ =	shalt  }
0x7e: {  	_ =	shalt  }
0x7f: {  	_ =	shalt  }
0x80: {  	_ =	shalt  }
0x81: {  	_ =	shalt  }
0x82: {  	_ =	shalt  }
0x83: {  	_ =	shalt  }
0x84: {  	_ =	shalt  }
0x85: {  	_ =	shalt  }
0x86: {  	_ =	shalt  }
0x87: {  	_ =	shalt  }
.Lfunc_end0:
.L_simem_size_0:
called_computation.1_lowered:
.L_overlay_start_0:
0x88: {  	s2 =	sld [smem:$0x3FD9]  }
0x89: {  	s3 =	sld [smem:$0x3FFE];
	_ =	sdelay $0x1  }
0x8a: {  	s1 =	srdreg.scid  }
0x8b: {  	s0 =	sand.u32 $0x1, s1  }
0x8c: {  	s17 =	sshll.u32 s0, $0xA;
	s2 =	sadd.s32 s3, s2  }
0x8d: {  	s2 =	sadd.s32 s2, s17  }
0x8e: {  	[smem:$0x3FBA] =	sst s2  }
0x8f: {  	_ = 	snop  }
0x90: {  	s2 =	sld [smem:$0x3FD0];
	(tm) =	ssettm $0x1  }
0x91: {  	s18 =	sld [smem:$0x3FFB];
	_ =	sdelay $0x3  }
0x92: {  	_ =	strace s18  }
0x93: {  	s3 =	sld [smem:$0x3FFC];
	_ =	sdelay $0x3  }
0x94: {  	_ =	strace s3  }
0x95: {  	s3 =	sld [smem:$0x3FFD];
	_ =	sdelay $0x3  }
0x96: {  	_ =	strace s3  }
0x97: {  	_ =	strace $0x8FFFFFFF  }
0x98: {  	s19 =	sld [smem:$0x3FDB];
	_ =	sdelay $0x1  }
0x99: {  	s4 =	simm.s32 $_scs_section_size  }
0x9a: {  	s5 =	simm.s32 $_size__tile_overlayer_lowered;
	s6 =	simm.s32 $_tile_overlayer_lowered  }
0x9b: {  	s22 =	simm.s32 $0x1BFF;
	s21 =	sshll.u32 s6, $0x1;
	s3 =	sadd.s32 s4, s19  }
0x9c: {  	s7 =	simm.s32 $0x0;
	s20 =	sshll.u32 s5, $0x1;
	s5 =	sadd.s32 s21, s3  }
0x9d: {  	[timem:s7], [sflag:s22] =	dma.local [hbm:s5], s20  }
0x9e: {  	_ =	swait.ge [sflag:s22], s20  }
0x9f: {  	s4 =	ssub.s32 $0x0, s20;
	[sflag:s22] =	ssyncset.done $0x0  }
0xa0: {  	[sflag:s22] =	ssyncadd.s32 s4;
	_ =	sdelay $0x1  }
0xa1: {  	s23 =	simm.s32 $0x1B8B  }
0xa2: {  	_ =	swait.ge [sflag:s23], $0x1  }
0xa3: {  	[sflag:s23] =	ssyncset.done $0x0  }
0xa4: {  	s25 =	simm.s32 $0x1B8E;
	s24 =	sld [smem:$0x3FFE];
	[sflag:s23] =	ssyncadd.s32 $0xFFFFFFFF  }
0xa5: {  	s26 =	simm.s32 $execute0_lowered;
	[smem:$0x3FD2] =	sst s25  }
0xa6: {  	s5 =	sshll.u32 s26, $0x1;
	_ =	strace $0x80000049;
	[dreg:$0x1] =	wrdreg $0xFFFFFFFF  }
0xa7: {  	s28 =	simm.s32 $_size_execute0_lowered;
	s3 =	sadd.s32 s3, s5;
	[dreg:$0x0] =	wrdreg $0x0  }
0xa8: {  	s5 =	sshll.u32 s28, $0x1;
	[dreg:$0x2] =	wrdreg s3  }
0xa9: {  	[dreg:$0x3] =	wrdreg s5  }
0xaa: {  	[dreg:$0x4] =	wrdreg $0xC0  }
0xab: {  	_ =	task [dreg:s7], $0x5FFFF  }
0xac: {  	[dreg:$0x1] =	wrdreg $0xFFFFFFFF  }
0xad: {  	[dreg:$0x0] =	wrdreg $0x60  }
0xae: {  	[dreg:$0x2] =	wrdreg s2  }
0xaf: {  	[dreg:$0x3] =	wrdreg s24  }
0xb0: {  	[dreg:$0x4] =	wrdreg $0x0  }
0xb1: {  	[dreg:$0x5] =	wrdreg $0x9  }
0xb2: {  	_ =	task.clear_ibuf [dreg:s7], $0x6FFFF;
	_ =	strace $0x90000049  }
0xb3: {  	s29 =	simm.s32 $0x9;
	_ =	strace $0x8000004B  }
0xb4: {  	_ =	swait.ge [sflag:s29], $0x1  }
0xb5: {  	[sflag:s29] =	ssyncadd.s32 $0xFFFFFFFF  }
0xb6: {  	_ =	strace $0x9000004B  }
0xb7: {  	_ =	sfence  }
0xb8: {  	s30 =	sld [smem:$0x0];
	_ =	sdelay $0x2  }
0xb9: {  	s31 =	sshll.u32 s1, $0xD;
	s1 =	sshrl.u32 s1, $0x2  }
0xba: {  	s3 =	sand.u32 $0x4000, s31;
	s1 =	sadd.s32 s1, s30  }
0xbb: {  	s0 =	sor.u32 s3, s0;
	s1 =	sshll.u32 s1, $0x11  }
0xbc: {  	s0 =	sor.u32 s1, s0  }
0xbd: {  	s0 =	sadd.s32 $0x8F2B, s0  }
0xbe: {  	[sflag:s0] =	ssyncadd.remote.s32 $0x1  }
0xbf: {  	_ =	sfence.sel $0xFFFF  }
0xc0: {  	[dreg:$0x0] =	wrdreg $0xFFFFFFFF;
	(pc) =	sbr.abs _section_cstart, $3  }
0xc1: {  	[dreg:$0x1] =	wrdreg $0xFFFFFFFF  }
0xc2: {  	_ =	task.clear_ibuf [dreg:s7], $0x2FFFF;
	_ =	strace $0x9FFFFFFF  }
0xc3: {  	(tm) =	ssettm $0x7FFFFFFF  }
tec
execute0_lowered:
.L_overlay_start_1:
0x0: {  	(tag) =	ssettag $0x1  }
0x1: {  	s1 =	rddreg [dreg:$0x0]  }
0x2: {  	s0 =	rddreg [dreg:$0x1]  }
0x3: {  	s3 =	rddreg [dreg:$0x2];
	s4 =	simm.s32 $0x0  }
0x4: {  	s13 =	stileid.u32;
	s2 =	srdreg.scid;
	s18 =	simm.s32 $0x7  }
0x5: {  	s19 =	simm.s32 $0x13A00;
	s28 =	simm.s32 $0x6;
	s29 =	simm.s32 $0x15C00  }
0x6: {  	s30 =	simm.s32 $0x17C00;
	s31 =	simm.s32 $0x2;
	[smem:$0x7FF] =	sst s4  }
0x7: {  	s7 =	smul.u32 $0x13A00, s13;
	s2 =	sand.u32 $0x1, s2;
	s5 =	sadd.s32 $0xBE00, s0  }
0x8: {  	s6 =	sadd.s32 $0x1E00, s0;
	s12 =	sshll.u32 s13, $0x1;
	s21 =	sshll.u32 s13, $0x6  }
0x9: {  	s8 =	smul.u32 $0x13A000, s2;
	s10 =	ssub.s32 $0x2, s2;
	s2 =	sor.u32 s2, s12  }
0xa: {  	_ =	strace $0x8000004A;
	s9 =	sshrl.u32 s7, $0x3;
	s22 =	smul.u32 $0x500, s2  }
0xb: {  	s11 =	sshrl.u32 s10, $0x1;
	s2 =	smul.u32 $0x50, s2;
	s9 =	sadd.s32 s9, s0  }
0xc: {  	s8 =	sadd.s32 s7, s8;
	s20 =	ssub.s32 s10, s11;
	s7 =	sadd.s32 s7, s3  }
0xd: {  	s10 =	sor.u32 $0x1C07, s21;
	s21 =	simm.s32 $0x5;
	s8 =	sshrl.u32 s8, $0x3  }
0xe: {  	s9 =	sadd.s32 $0x15E00, s9;
	s23 =	sadd.s32 s5, s22;
	s24 =	sadd.s32 s6, s22  }
0xf: {  	s25 =	sor.u32 $0x10, s22;
	s13 =	sor.u32 $0x2, s2;
	s14 =	sor.u32 $0x3, s2  }
0x10: {  	s26 =	smax.u32 s20, $0x1;
	s20 =	simm.s32 $0x13A80;
	[dreg:$0x4] =	wrdreg s9  }
0x11: {  	s22 =	simm.s32 $0x80;
	s2 =	simm.s32 $0x1BC00;
	[dreg:$0x5] =	wrdreg s23  }
0x12: {  	s0 =	sadd.s32 s8, s0;
	[dreg:$0x6] =	wrdreg s24;
	s11 =	sadd.s32 s5, s25  }
.Ltmp0:
0x13: {  	s9 =	sadd.s32 s6, s25;
	[dreg:$0xa] =	wrdreg s26;
	(pc) =	sbr.rel .LBB2_1-.Ltmp0, $4  }
0x14: {  	s8 =	sshrl.u32 s7, $0x3;
	s23 =	simm.s32 $0x13C00;
	[dreg:$0x7] =	wrdreg s11  }
0x15: {  	s24 =	simm.s32 $0x13B00;
	s25 =	simm.s32 $0x13B80;
	[dreg:$0x8] =	wrdreg s9  }
0x16: {  	s26 =	simm.s32 $0x1;
	s0 =	sadd.s32 $0x3D200, s0;
	[dreg:$0xb] =	wrdreg s8  }
0x17: {  	s9 =	simm.s32 $0x0;
	[dreg:$0x9] =	wrdreg s0;
	s0 =	simm.s32 $0x3  }
.LBB2_8:
0x18: {  	[spmem:s3] =	stream.indirect.scatter.add.f32 [tilespmem:s2], [sflag:$0x4], $0x80, s25, s22, $0xb8;
	[tilespmem:$0x1FC00] =	vst v63  }
0x19: {  	s7 =	simm.s32 $0x4  }
0x1a: {  	_ =	swait.ge [sflag:s7], $0x4000  }
0x1b: {  	[sflag:s7] =	ssyncset.done $0x0  }
0x1c: {  	[sflag:s7] =	ssyncadd.s32 $0xFFFFC000  }
0x1d: {  	[bflag:$0x0] =	sbarrier.arrive $0xFFFF  }
0x1e: {  	s16 =	rddreg [dreg:$0x9]  }
0x1f: {  	s8 =	rddreg [dreg:$0xb]  }
0x20: {  	[hbm:s16], [sflag:s17] =	dma.local [spmem:s8], $0x2740  }
0x21: {  	_ =	swait.ge [sflag:s18], $0x2740  }
0x22: {  	s10 =	smov.u32 s17;
	s9 =	sadd.s32 $0x1, s9;
	s17 =	rddreg [dreg:$0xa]  }
0x23: {  	p0 =	sne.s32 s9, s17  }
.Ltmp1:
0x24: {  	_ = 	snop;
	(pc) =	sbr.rel @!p0 .LBB2_9-.Ltmp1, $3  }
0x25: {  	_ =	sdelay $0x1  }
0x26: {  	[sflag:s18] =	ssyncset.done $0x0  }
0x27: {  	[sflag:s18] =	ssyncadd.s32 $0xFFFFD8C0  }
.LBB2_1:
0x28: {  	s7 =	rddreg [dreg:$0x4]  }
0x29: {  	[spmem:s8], [sflag:s10] =	dma.local [hbm:s7], $0x2740  }
0x2a: {  	_ =	swait.ge [sflag:s18], $0x2740  }
0x2b: {  	[sflag:s18] =	ssyncset.done $0x0  }
0x2c: {  	[sflag:s18] =	ssyncadd.s32 $0xFFFFD8C0  }
0x2d: {  	[bflag:$0x0] =	sbarrier.arrive $0xFFFF  }
0x2e: {  	s11 =	rddreg [dreg:$0x5]  }
0x2f: {  	[tilespmem:s19], [sflag:$0x5] =	stream.linear.gather [hbm4b:s11+s4], $0x80, $0x38;
	[tilespmem:$0x1FC00] =	vst v63  }
0x30: {  	s12 =	rddreg [dreg:$0x6]  }
0x31: {  	[tilespmem:s20], [sflag:$0x5] =	stream.linear.gather [hbm4b:s12+s4], $0x80, $0x38;
	[tilespmem:$0x1FC00] =	vst v63  }
0x32: {  	_ =	swait.ge [sflag:s21], $0x80  }
0x33: {  	[sflag:s21] =	ssyncset.done $0x0  }
0x34: {  	[sflag:s21] =	ssyncadd.s32 $0xFFFFFF80  }
0x35: {  	_ =	swait.ge [sflag:s21], $0x80  }
0x36: {  	[sflag:s21] =	ssyncset.done $0x0  }
0x37: {  	[sflag:s21] =	ssyncadd.s32 $0xFFFFFF80  }
0x38: {  	[tilespmem:s23], [sflag:$0x1] =	stream.indirect.gather [hbm4b:s1+s22], $0x40, s19, s22, $0xb8;
	[tilespmem:$0x1FC00] =	vst v63  }
0x39: {  	s15 =	rddreg [dreg:$0x7]  }
0x3a: {  	[tilespmem:s24], [sflag:$0x6] =	stream.linear.gather [hbm4b:s15+s4], $0x80, $0x38;
	[tilespmem:$0x1FC00] =	vst v63  }
0x3b: {  	s17 =	smov.u32 s10;
	s10 =	simm.s32 $0x0;
	s16 =	rddreg [dreg:$0x8]  }
0x3c: {  	[tilespmem:s25], [sflag:$0x6] =	stream.linear.gather [hbm4b:s16+s4], $0x80, $0x38;
	[tilespmem:$0x1FC00] =	vst v63  }
.LBB2_2:
0x3d: {  	_ =	swait.ge [sflag:s26], $0x2000  }
0x3e: {  	[sflag:s26] =	ssyncset.done $0x0  }
0x3f: {  	[sflag:s26] =	ssyncadd.s32 $0xFFFFE000  }
0x40: {  	_ =	swait.ge [sflag:s28], $0x80  }
0x41: {  	[sflag:s28] =	ssyncset.done $0x0  }
0x42: {  	[sflag:s28] =	ssyncadd.s32 $0xFFFFFF80  }
0x43: {  	_ =	swait.ge [sflag:s28], $0x80  }
0x44: {  	[sflag:s28] =	ssyncset.done $0x0  }
0x45: {  	s12 =	simm.s32 $0x13C80;
	[sflag:s28] =	ssyncadd.s32 $0xFFFFFF80  }
0x46: {  	[tilespmem:s29], [sflag:$0x2] =	stream.indirect.gather [hbm4b:s1+s22], $0x40, s24, s22, $0xb8;
	[tilespmem:$0x1FC00] =	vst v63  }
0x47: {  	v0 =	vld [tilespmem:s12+$0xFFFFFF80];
	_ =	sdelay $0x4  }
0x48: {  	s11 =	simm.s32 $0x17D00;
	v1 =	vshll.u32 v0, $0x10  }
0x49: {  	v0 =	vand.u32 $0xFFFF0000, v0;
	[tilespmem:s11+$0xFFFFFF00] =	vst v1  }
0x4a: {  	[tilespmem:s11+$0xFFFFFF40] =	vst v0  }
0x4b: {  	v0 =	vld [tilespmem:s12+$0xFFFFFF90];
	_ =	sdelay $0x4  }
0x4c: {  	v1 =	vshll.u32 v0, $0x10  }
0x4d: {  	v0 =	vand.u32 $0xFFFF0000, v0;
	[tilespmem:s11+$0xFFFFFF10] =	vst v1  }
0x4e: {  	[tilespmem:s11+$0xFFFFFF50] =	vst v0  }
0x4f: {  	v0 =	vld [tilespmem:s12+$0xFFFFFFA0];
	_ =	sdelay $0x4  }
0x50: {  	v1 =	vshll.u32 v0, $0x10  }
0x51: {  	v0 =	vand.u32 $0xFFFF0000, v0;
	[tilespmem:s11+$0xFFFFFF20] =	vst v1  }
0x52: {  	[tilespmem:s11+$0xFFFFFF60] =	vst v0  }
0x53: {  	v0 =	vld [tilespmem:s12+$0xFFFFFFB0];
	_ =	sdelay $0x4  }
0x54: {  	v1 =	vshll.u32 v0, $0x10  }
0x55: {  	v0 =	vand.u32 $0xFFFF0000, v0;
	[tilespmem:s11+$0xFFFFFF30] =	vst v1  }
0x56: {  	[tilespmem:s11+$0xFFFFFF70] =	vst v0  }
0x57: {  	v0 =	vld [tilespmem:s12+$0xFFFFFFC0];
	_ =	sdelay $0x4  }
0x58: {  	v1 =	vshll.u32 v0, $0x10  }
0x59: {  	v0 =	vand.u32 $0xFFFF0000, v0;
	[tilespmem:s11+$0xFFFFFF80] =	vst v1  }
0x5a: {  	[tilespmem:s11+$0xFFFFFFC0] =	vst v0  }
0x5b: {  	v0 =	vld [tilespmem:s12+$0xFFFFFFD0];
	_ =	sdelay $0x4  }
0x5c: {  	v1 =	vshll.u32 v0, $0x10  }
0x5d: {  	v0 =	vand.u32 $0xFFFF0000, v0;
	[tilespmem:s11+$0xFFFFFF90] =	vst v1  }
0x5e: {  	[tilespmem:s11+$0xFFFFFFD0] =	vst v0  }
0x5f: {  	v0 =	vld [tilespmem:s12+$0xFFFFFFE0];
	_ =	sdelay $0x4  }
0x60: {  	v1 =	vshll.u32 v0, $0x10  }
0x61: {  	v0 =	vand.u32 $0xFFFF0000, v0;
	[tilespmem:s11+$0xFFFFFFA0] =	vst v1  }
0x62: {  	[tilespmem:s11+$0xFFFFFFE0] =	vst v0  }
0x63: {  	v0 =	vld [tilespmem:s12+$0xFFFFFFF0];
	_ =	sdelay $0x4  }
0x64: {  	v1 =	vshll.u32 v0, $0x10  }
0x65: {  	v0 =	vand.u32 $0xFFFF0000, v0;
	[tilespmem:s11+$0xFFFFFFB0] =	vst v1  }
0x66: {  	[tilespmem:s11+$0xFFFFFFF0] =	vst v0  }
0x67: {  	v0 =	vld [tilespmem:s12+$0x0];
	_ =	sdelay $0x4  }
0x68: {  	v1 =	vshll.u32 v0, $0x10  }
0x69: {  	v0 =	vand.u32 $0xFFFF0000, v0;
	[tilespmem:s11+$0x0] =	vst v1  }
0x6a: {  	[tilespmem:s11+$0x40] =	vst v0  }
0x6b: {  	v0 =	vld [tilespmem:s12+$0x10];
	_ =	sdelay $0x4  }
0x6c: {  	v1 =	vshll.u32 v0, $0x10  }
0x6d: {  	v0 =	vand.u32 $0xFFFF0000, v0;
	[tilespmem:s11+$0x10] =	vst v1  }
0x6e: {  	[tilespmem:s11+$0x50] =	vst v0  }
0x6f: {  	v0 =	vld [tilespmem:s12+$0x20];
	_ =	sdelay $0x4  }
0x70: {  	v1 =	vshll.u32 v0, $0x10  }
0x71: {  	v0 =	vand.u32 $0xFFFF0000, v0;
	[tilespmem:s11+$0x20] =	vst v1  }
0x72: {  	[tilespmem:s11+$0x60] =	vst v0  }
0x73: {  	v0 =	vld [tilespmem:s12+$0x30];
	_ =	sdelay $0x4  }
0x74: {  	v1 =	vshll.u32 v0, $0x10  }
0x75: {  	v0 =	vand.u32 $0xFFFF0000, v0;
	[tilespmem:s11+$0x30] =	vst v1  }
0x76: {  	[tilespmem:s11+$0x70] =	vst v0  }
0x77: {  	v0 =	vld [tilespmem:s12+$0x40];
	_ =	sdelay $0x4  }
0x78: {  	v1 =	vshll.u32 v0, $0x10  }
0x79: {  	v0 =	vand.u32 $0xFFFF0000, v0;
	[tilespmem:s11+$0x80] =	vst v1  }
0x7a: {  	[tilespmem:s11+$0xC0] =	vst v0  }
0x7b: {  	v0 =	vld [tilespmem:s12+$0x50];
	_ =	sdelay $0x4  }
0x7c: {  	v1 =	vshll.u32 v0, $0x10  }
0x7d: {  	s16 =	simm.s32 $0x0;
	s7 =	simm.s32 $0x17D00;
	s15 =	simm.s32 $0x13C80;
	v0 =	vand.u32 $0xFFFF0000, v0;
	[tilespmem:s11+$0x90] =	vst v1  }
.LBB2_3:
0x7e: {  	s16 =	sadd.s32 $0x4, s16;
	[tilespmem:s11+$0xD0] =	vst v0;
	s12 =	sadd.s32 $0x100, s12;
	s7 =	sadd.s32 $0x200, s7  }
0x7f: {  	p0 =	slt.u32 s16, $0x7C;
	v0 =	vld [tilespmem:s15+$0x60];
	_ =	sdelay $0x4  }
0x80: {  	v1 =	vshll.u32 v0, $0x10;
	v0 =	vand.u32 $0xFFFF0000, v0  }
0x81: {  	[tilespmem:s11+$0xA0] =	vst v1  }
0x82: {  	[tilespmem:s11+$0xE0] =	vst v0  }
0x83: {  	v0 =	vld [tilespmem:s15+$0x70];
	s15 =	smov.u32 s12;
	_ =	sdelay $0x4  }
0x84: {  	v1 =	vshll.u32 v0, $0x10;
	v0 =	vand.u32 $0xFFFF0000, v0  }
0x85: {  	[tilespmem:s11+$0xB0] =	vst v1  }
0x86: {  	[tilespmem:s11+$0xF0] =	vst v0;
	s11 =	smov.u32 s7  }
0x87: {  	v0 =	vld [tilespmem:s12+$0xFFFFFF80];
	_ =	sdelay $0x4  }
0x88: {  	v1 =	vshll.u32 v0, $0x10;
	v0 =	vand.u32 $0xFFFF0000, v0  }
0x89: {  	[tilespmem:s7+$0xFFFFFF00] =	vst v1  }
0x8a: {  	[tilespmem:s7+$0xFFFFFF40] =	vst v0  }
0x8b: {  	v0 =	vld [tilespmem:s12+$0xFFFFFF90];
	_ =	sdelay $0x4  }
0x8c: {  	v1 =	vshll.u32 v0, $0x10;
	v0 =	vand.u32 $0xFFFF0000, v0  }
0x8d: {  	[tilespmem:s7+$0xFFFFFF10] =	vst v1  }
0x8e: {  	[tilespmem:s7+$0xFFFFFF50] =	vst v0  }
0x8f: {  	v0 =	vld [tilespmem:s12+$0xFFFFFFA0];
	_ =	sdelay $0x4  }
0x90: {  	v1 =	vshll.u32 v0, $0x10;
	v0 =	vand.u32 $0xFFFF0000, v0  }
0x91: {  	[tilespmem:s7+$0xFFFFFF20] =	vst v1  }
0x92: {  	[tilespmem:s7+$0xFFFFFF60] =	vst v0  }
0x93: {  	v0 =	vld [tilespmem:s12+$0xFFFFFFB0];
	_ =	sdelay $0x4  }
0x94: {  	v1 =	vshll.u32 v0, $0x10;
	v0 =	vand.u32 $0xFFFF0000, v0  }
0x95: {  	[tilespmem:s7+$0xFFFFFF30] =	vst v1  }
0x96: {  	[tilespmem:s7+$0xFFFFFF70] =	vst v0  }
0x97: {  	v0 =	vld [tilespmem:s12+$0xFFFFFFC0];
	_ =	sdelay $0x4  }
0x98: {  	v1 =	vshll.u32 v0, $0x10;
	v0 =	vand.u32 $0xFFFF0000, v0  }
0x99: {  	[tilespmem:s7+$0xFFFFFF80] =	vst v1  }
0x9a: {  	[tilespmem:s7+$0xFFFFFFC0] =	vst v0  }
0x9b: {  	v0 =	vld [tilespmem:s12+$0xFFFFFFD0];
	_ =	sdelay $0x4  }
0x9c: {  	v1 =	vshll.u32 v0, $0x10;
	v0 =	vand.u32 $0xFFFF0000, v0  }
0x9d: {  	[tilespmem:s7+$0xFFFFFF90] =	vst v1  }
0x9e: {  	[tilespmem:s7+$0xFFFFFFD0] =	vst v0  }
0x9f: {  	v0 =	vld [tilespmem:s12+$0xFFFFFFE0];
	_ =	sdelay $0x4  }
0xa0: {  	v1 =	vshll.u32 v0, $0x10;
	v0 =	vand.u32 $0xFFFF0000, v0  }
0xa1: {  	[tilespmem:s7+$0xFFFFFFA0] =	vst v1  }
0xa2: {  	[tilespmem:s7+$0xFFFFFFE0] =	vst v0  }
0xa3: {  	v0 =	vld [tilespmem:s12+$0xFFFFFFF0];
	_ =	sdelay $0x4  }
0xa4: {  	v1 =	vshll.u32 v0, $0x10;
	v0 =	vand.u32 $0xFFFF0000, v0  }
0xa5: {  	[tilespmem:s7+$0xFFFFFFB0] =	vst v1  }
0xa6: {  	[tilespmem:s7+$0xFFFFFFF0] =	vst v0  }
0xa7: {  	v0 =	vld [tilespmem:s12+$0x0];
	_ =	sdelay $0x4  }
0xa8: {  	v1 =	vshll.u32 v0, $0x10;
	v0 =	vand.u32 $0xFFFF0000, v0  }
0xa9: {  	[tilespmem:s7+$0x0] =	vst v1  }
0xaa: {  	[tilespmem:s7+$0x40] =	vst v0  }
0xab: {  	v0 =	vld [tilespmem:s12+$0x10];
	_ =	sdelay $0x4  }
0xac: {  	v1 =	vshll.u32 v0, $0x10;
	v0 =	vand.u32 $0xFFFF0000, v0  }
0xad: {  	[tilespmem:s7+$0x10] =	vst v1  }
0xae: {  	[tilespmem:s7+$0x50] =	vst v0  }
0xaf: {  	v0 =	vld [tilespmem:s12+$0x20];
	_ =	sdelay $0x4  }
0xb0: {  	v1 =	vshll.u32 v0, $0x10;
	v0 =	vand.u32 $0xFFFF0000, v0  }
0xb1: {  	[tilespmem:s7+$0x20] =	vst v1  }
0xb2: {  	[tilespmem:s7+$0x60] =	vst v0  }
0xb3: {  	v0 =	vld [tilespmem:s12+$0x30];
	_ =	sdelay $0x4  }
0xb4: {  	v1 =	vshll.u32 v0, $0x10;
	v0 =	vand.u32 $0xFFFF0000, v0  }
0xb5: {  	[tilespmem:s7+$0x30] =	vst v1  }
0xb6: {  	[tilespmem:s7+$0x70] =	vst v0  }
0xb7: {  	v0 =	vld [tilespmem:s12+$0x40];
	_ =	sdelay $0x4  }
0xb8: {  	v1 =	vshll.u32 v0, $0x10;
	v0 =	vand.u32 $0xFFFF0000, v0  }
0xb9: {  	[tilespmem:s7+$0x80] =	vst v1  }
0xba: {  	[tilespmem:s7+$0xC0] =	vst v0  }
0xbb: {  	v0 =	vld [tilespmem:s12+$0x50];
	_ =	sdelay $0x1  }
.Ltmp2:
0xbc: {  	(pc) =	sbr.rel @p0 .LBB2_3-.Ltmp2, $3  }
0xbd: {  	_ =	sdelay $0x1  }
0xbe: {  	v1 =	vshll.u32 v0, $0x10;
	v0 =	vand.u32 $0xFFFF0000, v0  }
0xbf: {  	[tilespmem:s7+$0x90] =	vst v1  }
0xc0: {  	[tilespmem:s11+$0xD0] =	vst v0  }
0xc1: {  	v0 =	vld [tilespmem:s15+$0x60];
	_ =	sdelay $0x4  }
0xc2: {  	v1 =	vshll.u32 v0, $0x10  }
0xc3: {  	v0 =	vand.u32 $0xFFFF0000, v0;
	[tilespmem:s11+$0xA0] =	vst v1  }
0xc4: {  	[tilespmem:s11+$0xE0] =	vst v0  }
0xc5: {  	v0 =	vld [tilespmem:s15+$0x70];
	_ =	sdelay $0x4  }
0xc6: {  	v1 =	vshll.u32 v0, $0x10  }
0xc7: {  	p0 =	seq.s32 s10, $0x0;
	v0 =	vand.u32 $0xFFFF0000, v0;
	[tilespmem:s11+$0xB0] =	vst v1  }
0xc8: {  	s7 =	simm.s32 @!p0 $0x4;
	[tilespmem:s11+$0xF0] =	vst v0  }
0xc9: {  	p1 =	seq.s32 @!p0 s10, $0x27;
	_ =	swait.ge @!p0 [sflag:s7], $0x4000  }
0xca: {  	p1 =	por p0, !p1;
	s11 =	sshll.u32 s10, $0x1;
	[sflag:s7] =	ssyncset.done @!p0 $0x0  }
0xcb: {  	[sflag:s7] =	ssyncadd.s32 @!p0 $0xFFFFC000;
	s7 =	sadd.s32 @p1 s11, s13  }
0xcc: {  	[spmem:s3] =	stream.indirect.scatter.add.f32 @!p1 [tilespmem:s30], [sflag:$0x3], $0x80, s20, s22, $0xb8;
	[tilespmem:$0x1FC00] =	vst v63  }
0xcd: {  	s7 =	sshll.u32 @p1 s7, $0x4;
	_ =	swait.ge @!p1 [sflag:s31], $0x2000  }
0xce: {  	s7 =	sand.u32 @p1 $0x1FFFFFE0, s7;
	[sflag:s31] =	ssyncset.done @!p1 $0x0  }
0xcf: {  	s8 =	sadd.s32 @p1 s5, s7;
	[sflag:s31] =	ssyncadd.s32 @!p1 $0xFFFFE000  }
0xd0: {  	[tilespmem:s19], [sflag:$0x5] =	stream.linear.gather @p1 [hbm4b:s8+s4], $0x80, $0x38;
	[tilespmem:$0x1FC00] =	vst v63  }
0xd1: {  	s7 =	sadd.s32 @p1 s6, s7  }
0xd2: {  	[tilespmem:s20], [sflag:$0x5] =	stream.linear.gather @p1 [hbm4b:s7+s4], $0x80, $0x38;
	[tilespmem:$0x1FC00] =	vst v63  }
0xd3: {  	_ = 	snop  }
0xd4: {  	[spmem:s3] =	stream.indirect.scatter.add.f32 @p1 [tilespmem:s30], [sflag:$0x3], $0x80, s20, s22, $0xb8;
	[tilespmem:$0x1FC00] =	vst v63  }
0xd5: {  	_ =	swait.ge @p1 [sflag:s31], $0x2000  }
0xd6: {  	[sflag:s31] =	ssyncset.done @p1 $0x0  }
0xd7: {  	[sflag:s31] =	ssyncadd.s32 @p1 $0xFFFFE000  }
0xd8: {  	_ =	swait.ge @p1 [sflag:s21], $0x80  }
0xd9: {  	[sflag:s21] =	ssyncset.done @p1 $0x0  }
0xda: {  	[sflag:s21] =	ssyncadd.s32 @p1 $0xFFFFFF80  }
0xdb: {  	_ =	swait.ge @p1 [sflag:s21], $0x80  }
0xdc: {  	[sflag:s21] =	ssyncset.done @p1 $0x0  }
0xdd: {  	s15 =	simm.s32 $0x15C80;
	[sflag:s21] =	ssyncadd.s32 @p1 $0xFFFFFF80  }
0xde: {  	[tilespmem:s23], [sflag:$0x1] =	stream.indirect.gather @p1 [hbm4b:s1+s22], $0x40, s19, s22, $0xb8;
	[tilespmem:$0x1FC00] =	vst v63  }
0xdf: {  	v0 =	vld [tilespmem:s15+$0xFFFFFF80];
	_ =	sdelay $0x4  }
0xe0: {  	s12 =	simm.s32 $0x1BD00;
	v1 =	vshll.u32 v0, $0x10  }
0xe1: {  	v0 =	vand.u32 $0xFFFF0000, v0;
	[tilespmem:s12+$0xFFFFFF00] =	vst v1  }
0xe2: {  	[tilespmem:s12+$0xFFFFFF40] =	vst v0  }
0xe3: {  	v0 =	vld [tilespmem:s15+$0xFFFFFF90];
	_ =	sdelay $0x4  }
0xe4: {  	v1 =	vshll.u32 v0, $0x10  }
0xe5: {  	v0 =	vand.u32 $0xFFFF0000, v0;
	[tilespmem:s12+$0xFFFFFF10] =	vst v1  }
0xe6: {  	[tilespmem:s12+$0xFFFFFF50] =	vst v0  }
0xe7: {  	v0 =	vld [tilespmem:s15+$0xFFFFFFA0];
	_ =	sdelay $0x4  }
0xe8: {  	v1 =	vshll.u32 v0, $0x10  }
0xe9: {  	v0 =	vand.u32 $0xFFFF0000, v0;
	[tilespmem:s12+$0xFFFFFF20] =	vst v1  }
0xea: {  	[tilespmem:s12+$0xFFFFFF60] =	vst v0  }
0xeb: {  	v0 =	vld [tilespmem:s15+$0xFFFFFFB0];
	_ =	sdelay $0x4  }
0xec: {  	v1 =	vshll.u32 v0, $0x10  }
0xed: {  	v0 =	vand.u32 $0xFFFF0000, v0;
	[tilespmem:s12+$0xFFFFFF30] =	vst v1  }
0xee: {  	[tilespmem:s12+$0xFFFFFF70] =	vst v0  }
0xef: {  	v0 =	vld [tilespmem:s15+$0xFFFFFFC0];
	_ =	sdelay $0x4  }
0xf0: {  	v1 =	vshll.u32 v0, $0x10  }
0xf1: {  	v0 =	vand.u32 $0xFFFF0000, v0;
	[tilespmem:s12+$0xFFFFFF80] =	vst v1  }
0xf2: {  	[tilespmem:s12+$0xFFFFFFC0] =	vst v0  }
0xf3: {  	v0 =	vld [tilespmem:s15+$0xFFFFFFD0];
	_ =	sdelay $0x4  }
0xf4: {  	v1 =	vshll.u32 v0, $0x10  }
0xf5: {  	v0 =	vand.u32 $0xFFFF0000, v0;
	[tilespmem:s12+$0xFFFFFF90] =	vst v1  }
0xf6: {  	[tilespmem:s12+$0xFFFFFFD0] =	vst v0  }
0xf7: {  	v0 =	vld [tilespmem:s15+$0xFFFFFFE0];
	_ =	sdelay $0x4  }
0xf8: {  	v1 =	vshll.u32 v0, $0x10  }
0xf9: {  	v0 =	vand.u32 $0xFFFF0000, v0;
	[tilespmem:s12+$0xFFFFFFA0] =	vst v1  }
0xfa: {  	[tilespmem:s12+$0xFFFFFFE0] =	vst v0  }
0xfb: {  	v0 =	vld [tilespmem:s15+$0xFFFFFFF0];
	_ =	sdelay $0x4  }
0xfc: {  	v1 =	vshll.u32 v0, $0x10  }
0xfd: {  	v0 =	vand.u32 $0xFFFF0000, v0;
	[tilespmem:s12+$0xFFFFFFB0] =	vst v1  }
0xfe: {  	[tilespmem:s12+$0xFFFFFFF0] =	vst v0  }
0xff: {  	v0 =	vld [tilespmem:s15+$0x0];
	_ =	sdelay $0x4  }
0x100: {  	v1 =	vshll.u32 v0, $0x10  }
0x101: {  	v0 =	vand.u32 $0xFFFF0000, v0;
	[tilespmem:s12+$0x0] =	vst v1  }
0x102: {  	[tilespmem:s12+$0x40] =	vst v0  }
0x103: {  	v0 =	vld [tilespmem:s15+$0x10];
	_ =	sdelay $0x4  }
0x104: {  	v1 =	vshll.u32 v0, $0x10  }
0x105: {  	v0 =	vand.u32 $0xFFFF0000, v0;
	[tilespmem:s12+$0x10] =	vst v1  }
0x106: {  	[tilespmem:s12+$0x50] =	vst v0  }
0x107: {  	v0 =	vld [tilespmem:s15+$0x20];
	_ =	sdelay $0x4  }
0x108: {  	v1 =	vshll.u32 v0, $0x10  }
0x109: {  	v0 =	vand.u32 $0xFFFF0000, v0;
	[tilespmem:s12+$0x20] =	vst v1  }
0x10a: {  	[tilespmem:s12+$0x60] =	vst v0  }
0x10b: {  	v0 =	vld [tilespmem:s15+$0x30];
	_ =	sdelay $0x4  }
0x10c: {  	v1 =	vshll.u32 v0, $0x10  }
0x10d: {  	v0 =	vand.u32 $0xFFFF0000, v0;
	[tilespmem:s12+$0x30] =	vst v1  }
0x10e: {  	[tilespmem:s12+$0x70] =	vst v0  }
0x10f: {  	v0 =	vld [tilespmem:s15+$0x40];
	_ =	sdelay $0x4  }
0x110: {  	v1 =	vshll.u32 v0, $0x10  }
0x111: {  	v0 =	vand.u32 $0xFFFF0000, v0;
	[tilespmem:s12+$0x80] =	vst v1  }
0x112: {  	[tilespmem:s12+$0xC0] =	vst v0  }
0x113: {  	v0 =	vld [tilespmem:s15+$0x50];
	_ =	sdelay $0x4  }
0x114: {  	v1 =	vshll.u32 v0, $0x10  }
0x115: {  	s16 =	simm.s32 $0x15C80;
	s8 =	simm.s32 $0x1BD00;
	s7 =	simm.s32 $0x0;
	v0 =	vand.u32 $0xFFFF0000, v0;
	[tilespmem:s12+$0x90] =	vst v1  }
.LBB2_5:
0x116: {  	s7 =	sadd.s32 $0x4, s7;
	[tilespmem:s12+$0xD0] =	vst v0;
	s15 =	sadd.s32 $0x100, s15;
	s8 =	sadd.s32 $0x200, s8  }
0x117: {  	p0 =	slt.u32 s7, $0x7C;
	v0 =	vld [tilespmem:s16+$0x60];
	_ =	sdelay $0x4  }
0x118: {  	v1 =	vshll.u32 v0, $0x10;
	v0 =	vand.u32 $0xFFFF0000, v0  }
0x119: {  	[tilespmem:s12+$0xA0] =	vst v1  }
0x11a: {  	[tilespmem:s12+$0xE0] =	vst v0  }
0x11b: {  	v0 =	vld [tilespmem:s16+$0x70];
	s16 =	smov.u32 s15;
	_ =	sdelay $0x4  }
0x11c: {  	v1 =	vshll.u32 v0, $0x10;
	v0 =	vand.u32 $0xFFFF0000, v0  }
0x11d: {  	[tilespmem:s12+$0xB0] =	vst v1  }
0x11e: {  	[tilespmem:s12+$0xF0] =	vst v0;
	s12 =	smov.u32 s8  }
0x11f: {  	v0 =	vld [tilespmem:s15+$0xFFFFFF80];
	_ =	sdelay $0x4  }
0x120: {  	v1 =	vshll.u32 v0, $0x10;
	v0 =	vand.u32 $0xFFFF0000, v0  }
0x121: {  	[tilespmem:s8+$0xFFFFFF00] =	vst v1  }
0x122: {  	[tilespmem:s8+$0xFFFFFF40] =	vst v0  }
0x123: {  	v0 =	vld [tilespmem:s15+$0xFFFFFF90];
	_ =	sdelay $0x4  }
0x124: {  	v1 =	vshll.u32 v0, $0x10;
	v0 =	vand.u32 $0xFFFF0000, v0  }
0x125: {  	[tilespmem:s8+$0xFFFFFF10] =	vst v1  }
0x126: {  	[tilespmem:s8+$0xFFFFFF50] =	vst v0  }
0x127: {  	v0 =	vld [tilespmem:s15+$0xFFFFFFA0];
	_ =	sdelay $0x4  }
0x128: {  	v1 =	vshll.u32 v0, $0x10;
	v0 =	vand.u32 $0xFFFF0000, v0  }
0x129: {  	[tilespmem:s8+$0xFFFFFF20] =	vst v1  }
0x12a: {  	[tilespmem:s8+$0xFFFFFF60] =	vst v0  }
0x12b: {  	v0 =	vld [tilespmem:s15+$0xFFFFFFB0];
	_ =	sdelay $0x4  }
0x12c: {  	v1 =	vshll.u32 v0, $0x10;
	v0 =	vand.u32 $0xFFFF0000, v0  }
0x12d: {  	[tilespmem:s8+$0xFFFFFF30] =	vst v1  }
0x12e: {  	[tilespmem:s8+$0xFFFFFF70] =	vst v0  }
0x12f: {  	v0 =	vld [tilespmem:s15+$0xFFFFFFC0];
	_ =	sdelay $0x4  }
0x130: {  	v1 =	vshll.u32 v0, $0x10;
	v0 =	vand.u32 $0xFFFF0000, v0  }
0x131: {  	[tilespmem:s8+$0xFFFFFF80] =	vst v1  }
0x132: {  	[tilespmem:s8+$0xFFFFFFC0] =	vst v0  }
0x133: {  	v0 =	vld [tilespmem:s15+$0xFFFFFFD0];
	_ =	sdelay $0x4  }
0x134: {  	v1 =	vshll.u32 v0, $0x10;
	v0 =	vand.u32 $0xFFFF0000, v0  }
0x135: {  	[tilespmem:s8+$0xFFFFFF90] =	vst v1  }
0x136: {  	[tilespmem:s8+$0xFFFFFFD0] =	vst v0  }
0x137: {  	v0 =	vld [tilespmem:s15+$0xFFFFFFE0];
	_ =	sdelay $0x4  }
0x138: {  	v1 =	vshll.u32 v0, $0x10;
	v0 =	vand.u32 $0xFFFF0000, v0  }
0x139: {  	[tilespmem:s8+$0xFFFFFFA0] =	vst v1  }
0x13a: {  	[tilespmem:s8+$0xFFFFFFE0] =	vst v0  }
0x13b: {  	v0 =	vld [tilespmem:s15+$0xFFFFFFF0];
	_ =	sdelay $0x4  }
0x13c: {  	v1 =	vshll.u32 v0, $0x10;
	v0 =	vand.u32 $0xFFFF0000, v0  }
0x13d: {  	[tilespmem:s8+$0xFFFFFFB0] =	vst v1  }
0x13e: {  	[tilespmem:s8+$0xFFFFFFF0] =	vst v0  }
0x13f: {  	v0 =	vld [tilespmem:s15+$0x0];
	_ =	sdelay $0x4  }
0x140: {  	v1 =	vshll.u32 v0, $0x10;
	v0 =	vand.u32 $0xFFFF0000, v0  }
0x141: {  	[tilespmem:s8+$0x0] =	vst v1  }
0x142: {  	[tilespmem:s8+$0x40] =	vst v0  }
0x143: {  	v0 =	vld [tilespmem:s15+$0x10];
	_ =	sdelay $0x4  }
0x144: {  	v1 =	vshll.u32 v0, $0x10;
	v0 =	vand.u32 $0xFFFF0000, v0  }
0x145: {  	[tilespmem:s8+$0x10] =	vst v1  }
0x146: {  	[tilespmem:s8+$0x50] =	vst v0  }
0x147: {  	v0 =	vld [tilespmem:s15+$0x20];
	_ =	sdelay $0x4  }
0x148: {  	v1 =	vshll.u32 v0, $0x10;
	v0 =	vand.u32 $0xFFFF0000, v0  }
0x149: {  	[tilespmem:s8+$0x20] =	vst v1  }
0x14a: {  	[tilespmem:s8+$0x60] =	vst v0  }
0x14b: {  	v0 =	vld [tilespmem:s15+$0x30];
	_ =	sdelay $0x4  }
0x14c: {  	v1 =	vshll.u32 v0, $0x10;
	v0 =	vand.u32 $0xFFFF0000, v0  }
0x14d: {  	[tilespmem:s8+$0x30] =	vst v1  }
0x14e: {  	[tilespmem:s8+$0x70] =	vst v0  }
0x14f: {  	v0 =	vld [tilespmem:s15+$0x40];
	_ =	sdelay $0x4  }
0x150: {  	v1 =	vshll.u32 v0, $0x10;
	v0 =	vand.u32 $0xFFFF0000, v0  }
0x151: {  	[tilespmem:s8+$0x80] =	vst v1  }
0x152: {  	[tilespmem:s8+$0xC0] =	vst v0  }
0x153: {  	v0 =	vld [tilespmem:s15+$0x50];
	_ =	sdelay $0x1  }
.Ltmp3:
0x154: {  	(pc) =	sbr.rel @p0 .LBB2_5-.Ltmp3, $3  }
0x155: {  	_ =	sdelay $0x1  }
0x156: {  	v1 =	vshll.u32 v0, $0x10;
	v0 =	vand.u32 $0xFFFF0000, v0  }
0x157: {  	[tilespmem:s8+$0x90] =	vst v1  }
0x158: {  	[tilespmem:s12+$0xD0] =	vst v0  }
0x159: {  	v0 =	vld [tilespmem:s16+$0x60];
	_ =	sdelay $0x4  }
0x15a: {  	v1 =	vshll.u32 v0, $0x10  }
0x15b: {  	v0 =	vand.u32 $0xFFFF0000, v0;
	[tilespmem:s12+$0xA0] =	vst v1  }
0x15c: {  	[tilespmem:s12+$0xE0] =	vst v0  }
0x15d: {  	v0 =	vld [tilespmem:s16+$0x70];
	_ =	sdelay $0x4  }
0x15e: {  	p0 =	seq.s32 s10, $0x27;
	v63 =	vshll.u32 v0, $0x10  }
.Ltmp4:
0x15f: {  	v0 =	vand.u32 $0xFFFF0000, v0;
	[tilespmem:s12+$0xB0] =	vst v63;
	(pc) =	sbr.rel @p0 .LBB2_8-.Ltmp4, $4  }
0x160: {  	[tilespmem:s12+$0xF0] =	vst v0  }
0x161: {  	_ =	swait.ge [sflag:s0], $0x4000  }
0x162: {  	[sflag:s0] =	ssyncset.done $0x0  }
0x163: {  	[sflag:s0] =	ssyncadd.s32 $0xFFFFC000  }
0x164: {  	s7 =	sadd.s32 s11, s14  }
0x165: {  	s7 =	sshll.u32 s7, $0x4  }
0x166: {  	s7 =	sand.u32 $0x1FFFFFF0, s7  }
0x167: {  	s8 =	sadd.s32 s5, s7  }
0x168: {  	[tilespmem:s24], [sflag:$0x6] =	stream.linear.gather [hbm4b:s8+s4], $0x80, $0x38;
	[tilespmem:$0x1FC00] =	vst v63  }
.Ltmp5:
0x169: {  	_ = 	snop;
	(pc) =	sbr.rel .LBB2_2-.Ltmp5, $4  }
0x16a: {  	s7 =	sadd.s32 s6, s7  }
0x16b: {  	[tilespmem:s25], [sflag:$0x6] =	stream.linear.gather [hbm4b:s7+s4], $0x80, $0x38;
	[tilespmem:$0x1FC00] =	vst v63  }
0x16c: {  	s10 =	sadd.s32 $0x1, s10  }
0x16d: {  	[spmem:s3] =	stream.indirect.scatter.add.f32 [tilespmem:s2], [sflag:$0x4], $0x80, s25, s22, $0xb8;
	[tilespmem:$0x1FC00] =	vst v63  }
.LBB2_9:
0x16e: {  	_ =	sfence.sel $0x180000  }
0x16f: {  	[bflag:$0x0] =	sbarrier.arrive $0xFFFF  }
0x170: {  	_ =	strace $0x9000004A  }
0x171: {  	s0 =	stileid.u32;
	[bflag:$0x2] =	sbarrier.arrive $0xFFFF  }
0x172: {  	p0 =	sne.s32 s0, $0x0;
	s0 =	rddreg [dreg:$0x3]  }
0x173: {  	s0 =	sadd.s32 @!p0 $0x100000, s0  }
0x174: {  	[sflag:s0] =	ssyncadd.tile.s32 @!p0 $0x1;
	_ =	shalt  }
.Lfunc_end2:
_tile_overlayer_lowered:
.L_overlay_start_2:
0x175: {  	(tag) =	ssettag $0x2  }
0x176: {  	s0 =	rddreg [dreg:$0x0];
	s2 =	stileid.u32  }
0x177: {  	s1 =	rddreg [dreg:$0x1];
	p0 =	sne.s32 s2, $0x0  }
0x178: {  	s3 =	rddreg [dreg:$0x2];
	[bflag:$0x3] =	sbarrier.arrive $0xFFFF;
	s2 =	simm.s32 @!p0 $0x1C07  }
0x179: {  	[timem:s3], [sflag:s2] =	dma.local @!p0 [hbm:s0], s1  }
0x17a: {  	s0 =	simm.s32 @!p0 $0x7  }
0x17b: {  	_ =	swait.ge @!p0 [sflag:s0], s1  }
0x17c: {  	s1 =	ssub.s32 @!p0 $0x0, s1;
	[sflag:s0] =	ssyncset.done @!p0 $0x0  }
0x17d: {  	[sflag:s0] =	ssyncadd.s32 @!p0 s1  }
0x17e: {  	[bflag:$0x3] =	sbarrier.arrive $0xFFFF  }
0x17f: {  	_ =	shalt  }

</sc_bundles>
